<compile_context>
chip_gen: v7x
topology: tpu7x:2x2x1
jax: 0.10.2.dev20260603
libtpu: 0.0.44.dev20260713+nightly
codegen_flags: <defaults>
</compile_context>

<pallas_src>
import functools

import jax
import jax.numpy as jnp
from jax import lax
from jax.experimental import pallas as pl
from jax.experimental.pallas import tpu as pltpu
from jax.experimental.pallas import tpu_sc as plsc

BATCH = 16384
EMBED = 64
NC = 2
NS = 16
NW = NC * NS
B_PER_W = BATCH // NW
PAIR = 8192


def _bf16_bits(x_f32_i32):
  u = x_f32_i32
  bias = jnp.int32(0x7FFF) + (lax.shift_right_logical(u, 16) & 1)
  return lax.shift_right_logical(u + bias, 16)


def _pack_body(ta_ref, tb_ref, tc_ref, td_ref, out_ref):
  i32 = jnp.int32
  t1 = jnp.concatenate([ta_ref[...], tb_ref[...]], axis=0).T
  t2 = jnp.concatenate([tc_ref[...], td_ref[...]], axis=0).T
  lo = _bf16_bits(lax.bitcast_convert_type(t1, i32))
  hi = _bf16_bits(lax.bitcast_convert_type(t2, i32))
  out_ref[...] = lo | lax.shift_left(hi, 16)


def _pack(tab_t):
  n = tab_t.shape[1]
  nb = (n + 4 * PAIR - 1) // (4 * PAIR)
  last = (n + PAIR - 1) // PAIR - 1
  spec = lambda t: pl.BlockSpec(
      (EMBED, PAIR), lambda m, t=t: (0, jnp.minimum(4 * m + t, last)))
  return pl.pallas_call(
      _pack_body,
      grid=(nb,),
      in_specs=[spec(0), spec(1), spec(2), spec(3)],
      out_specs=pl.BlockSpec((PAIR, 128), lambda m: (m, 0)),
      out_shape=jax.ShapeDtypeStruct((nb * PAIR, 128), jnp.int32),
  )(tab_t, tab_t, tab_t, tab_t)


def _sc_gather(q_ids, quad):
  mesh = plsc.VectorSubcoreMesh(core_axis_name="c", subcore_axis_name="s")

  @functools.partial(
      pl.kernel,
      out_type=jax.ShapeDtypeStruct((BATCH, 128), jnp.int32),
      mesh=mesh,
      scratch_types=[
          pltpu.VMEM((B_PER_W,), jnp.int32),
          pltpu.VMEM((B_PER_W, 128), jnp.int32),
          pltpu.SemaphoreType.DMA,
      ],
  )
  def k(ids_hbm, quad_hbm, out, idx, rows, sem):
    wid = lax.axis_index("s") * NC + lax.axis_index("c")
    base = wid * B_PER_W
    pltpu.sync_copy(ids_hbm.at[pl.ds(base, B_PER_W)], idx)
    copies = []
    for j in range(B_PER_W // 16):
      iv = idx[pl.ds(j * 16, 16)]
      copies.append(pltpu.async_copy(
          quad_hbm.at[iv], rows.at[pl.ds(j * 16, 16)], sem))
    for c in copies:
      c.wait()
    pltpu.sync_copy(rows, out.at[pl.ds(base, B_PER_W)])

  return k(q_ids, quad)


def _mlp_body(u, i, su, si, w1u, w1i, b1, w2, b2, w3, b3, out):
  f32 = jnp.float32
  hp = jax.lax.Precision.DEFAULT

  ones = jnp.ones((1, EMBED), f32)

  def pick(quad, sel):
    s = jnp.dot(sel[...], ones, preferred_element_type=f32)
    w = jnp.where(s % 2.0 > 0.5, quad[:, EMBED:], quad[:, :EMBED])
    x_lo = lax.bitcast_convert_type(lax.shift_left(w, 16), f32)
    x_hi = lax.bitcast_convert_type(w & jnp.int32(-65536), f32)
    return jnp.where(s > 1.5, x_hi, x_lo)

  xu = pick(u[...], su)
  xi = pick(i[...], si)
  h = (jnp.dot(xu, w1u[...], preferred_element_type=f32, precision=hp)
       + jnp.dot(xi, w1i[...], preferred_element_type=f32, precision=hp)
       + b1[...])
  h = jnp.maximum(h, 0.0)
  h2 = jnp.dot(h, w2[...], preferred_element_type=f32, precision=hp) + b2[...]
  h2 = jnp.maximum(h2, 0.0)
  out[...] = jnp.dot(h2, w3[...], preferred_element_type=f32,
                     precision=hp) + b3[...]


def _mlp(u_q, i_q, su, si, W1u, W1i, b1, W2, b2, W3, b3, bm=4096):
  grid = (BATCH // bm,)
  full = lambda shape: pl.BlockSpec(shape, lambda m: (0,) * len(shape))
  return pl.pallas_call(
      _mlp_body,
      grid=grid,
      in_specs=[
          pl.BlockSpec((bm, 128), lambda m: (m, 0)),
          pl.BlockSpec((bm, 128), lambda m: (m, 0)),
          pl.BlockSpec((bm, 1), lambda m: (m, 0)),
          pl.BlockSpec((bm, 1), lambda m: (m, 0)),
          full((EMBED, 128)),
          full((EMBED, 128)),
          full((1, 128)),
          full((128, 64)),
          full((1, 64)),
          full((EMBED, 1)),
          full((1, 1)),
      ],
      out_specs=pl.BlockSpec((bm, 1), lambda m: (m, 0)),
      out_shape=jax.ShapeDtypeStruct((BATCH, 1), jnp.float32),
  )(u_q, i_q, su, si, W1u, W1i, b1, W2, b2, W3, b3)


def kernel(user_ids, item_ids, user_table, item_table, W1, b1, W2, b2, W3, b3):
  uid = user_ids.astype(jnp.int32)
  iid = item_ids.astype(jnp.int32)
  qu = (uid // (4 * PAIR)) * PAIR + uid % PAIR
  qi = (iid // (4 * PAIR)) * PAIR + iid % PAIR
  su = ((uid // PAIR) % 4).astype(jnp.float32).reshape(-1, 1)
  si = ((iid // PAIR) % 4).astype(jnp.float32).reshape(-1, 1)
  ipair = _pack(item_table.T)
  upair = _pack(user_table.T)
  i_q = _sc_gather(qi, ipair)
  u_q = _sc_gather(qu, upair)
  return _mlp(u_q, i_q, su, si, W1[:EMBED], W1[EMBED:],
              b1.reshape(1, -1), W2, b2.reshape(1, -1), W3, b3.reshape(1, 1))

# --- scband reference (transcript-rebuilt; emitter-appended) ---
"""Pipeline reference for scband-embedding-rating-predictor-51384988729393 (READ-ONLY COPY).

The authoritative reference and input builder live on the scoring server;
editing this copy changes nothing except your own understanding.
"""

import jax, jax.numpy as jnp
import numpy as np

NUM_USERS = 1000000
NUM_ITEMS = 100000
EMBED_DIM = 64
HIDDEN_DIM = 128
BATCH = 16384


def setup_inputs(seed: int = 0) -> dict:
    key = jax.random.key(seed)
    ks = jax.random.split(key, 10)
    user_ids = jax.random.randint(ks[0], (BATCH,), 0, NUM_USERS, dtype=jnp.int64 if jax.config.jax_enable_x64 else jnp.int32)
    item_ids = jax.random.randint(ks[1], (BATCH,), 0, NUM_ITEMS, dtype=jnp.int64 if jax.config.jax_enable_x64 else jnp.int32)
    user_table = jax.random.normal(ks[2], (NUM_USERS, EMBED_DIM), dtype=jnp.float32) * 0.02
    item_table = jax.random.normal(ks[3], (NUM_ITEMS, EMBED_DIM), dtype=jnp.float32) * 0.02
    W1 = jax.random.normal(ks[4], (EMBED_DIM * 2, HIDDEN_DIM), dtype=jnp.float32) * (1.0 / np.sqrt(EMBED_DIM * 2))
    b1 = jnp.zeros((HIDDEN_DIM,), dtype=jnp.float32)
    W2 = jax.random.normal(ks[5], (HIDDEN_DIM, HIDDEN_DIM // 2), dtype=jnp.float32) * (1.0 / np.sqrt(HIDDEN_DIM))
    b2 = jnp.zeros((HIDDEN_DIM // 2,), dtype=jnp.float32)
    W3 = jax.random.normal(ks[6], (HIDDEN_DIM // 2, 1), dtype=jnp.float32) * (1.0 / np.sqrt(HIDDEN_DIM // 2))
    b3 = jnp.zeros((1,), dtype=jnp.float32)
    return {
        'user_ids': user_ids,
        'item_ids': item_ids,
        'user_table': user_table,
        'item_table': item_table,
        'W1': W1, 'b1': b1,
        'W2': W2, 'b2': b2,
        'W3': W3, 'b3': b3,
    }


def reference(user_ids, item_ids, user_table, item_table, W1, b1, W2, b2, W3, b3):
    user_vecs = jnp.take(user_table, user_ids, axis=0)
    item_vecs = jnp.take(item_table, item_ids, axis=0)
    x = jnp.concatenate([user_vecs, item_vecs], axis=1)
    h = jax.nn.relu(x @ W1 + b1)
    h = jax.nn.relu(h @ W2 + b2)
    out = h @ W3 + b3
    return out

if __name__ == "__main__":
    import jax
    _d = setup_inputs()
    print(jax.jit(kernel)(*tuple(_d.values())))

</pallas_src>

<mosaic_0001>
#map = affine_map<(d0, d1) -> (0)>
#map1 = affine_map<(d0, d1) -> (0, 0)>
module attributes {stable_mosaic.version = 14 : i64} {
  func.func @k(%arg0: i32, %arg1: i32, %arg2: memref<16384xi32, #tpu.memory_space<hbm>>, %arg3: memref<32768x128xi32, #tpu.memory_space<hbm>>, %arg4: memref<16384x128xi32, #tpu.memory_space<hbm>>, %arg5: memref<512xi32, #tpu.memory_space<vmem>>, %arg6: memref<512x128xi32, #tpu.memory_space<vmem>>, %arg7: memref<!tpu.dma_semaphore, #tpu.memory_space<semaphore_mem>>) attributes {dimension_semantics = [#tpu.dimension_semantics<core_parallel>, #tpu.dimension_semantics<subcore_parallel>], iteration_bounds = array<i64: 2, 16>, scalar_prefetch = 0 : i64, scratch_operands = 3 : i64, tpu.core_type = #tpu.core_type<sc_vector_subcore>, window_params = [{transform_indices = #map}, {transform_indices = #map1}, {transform_indices = #map1}]} {
    %mul3A = arith.constant 2 : i32
    %mul3A_0 = arith.muli %arg1, %mul3A : i32
    %add3A = arith.addi %mul3A_0, %arg0 : i32
    %mul3A_1 = arith.constant 512 : i32
    %mul3A_2 = arith.muli %add3A, %mul3A_1 : i32
    "tpu.region"() ({
      %run_scoped3A = tpu.sem_alloc : memref<!tpu.dma_semaphore, #tpu.memory_space<semaphore_mem>>
      %dma_start3A_480 = tpu.memref_slice %arg2[%mul3A_2] : memref<16384xi32, #tpu.memory_space<hbm>> -> memref<512xi32, #tpu.memory_space<hbm>>
      %dma_start3A_481 = tpu.memref_slice %arg2[%mul3A_2] : memref<16384xi32, #tpu.memory_space<hbm>> -> memref<512xi32, #tpu.memory_space<hbm>>
      tpu.enqueue_dma source(%dma_start3A_481 : memref<512xi32, #tpu.memory_space<hbm>>) target(%arg5 : memref<512xi32, #tpu.memory_space<vmem>>) target_semaphore(%run_scoped3A : memref<!tpu.dma_semaphore, #tpu.memory_space<semaphore_mem>>)
      %dma_wait3A_482 = tpu.memref_slice %arg2[%mul3A_2] : memref<16384xi32, #tpu.memory_space<hbm>> -> memref<512xi32, #tpu.memory_space<hbm>>
      %dma_wait3A_483 = tpu.memref_slice %arg2[%mul3A_2] : memref<16384xi32, #tpu.memory_space<hbm>> -> memref<512xi32, #tpu.memory_space<hbm>>
      tpu.wait_dma2 semaphore(%run_scoped3A : memref<!tpu.dma_semaphore, #tpu.memory_space<semaphore_mem>>) src(%dma_wait3A_483 : memref<512xi32, #tpu.memory_space<hbm>>) dst(%arg5 : memref<512xi32, #tpu.memory_space<vmem>>)
      tpu.yield
    }) : () -> ()
    %get3A = arith.constant 0 : index
    %get3A_3 = tpu.vector_load %arg5[%get3A] {strides = array<i32>} : memref<512xi32, #tpu.memory_space<vmem>>, vector<16xi32>,
    %get3A_4 = vector.shape_cast %get3A_3 : vector<16xi32> to vector<16xi32>
    %dma_start3A = arith.constant 0 : i32
    %dma_start3A_5 = arith.constant 0 : i32
    %dma_start3A_6 = tpu.memref_slice %arg6[%dma_start3A, %dma_start3A_5] : memref<512x128xi32, #tpu.memory_space<vmem>> -> memref<16x128xi32, #tpu.memory_space<vmem>>
    %dma_start3A_7 = arith.constant 0 : i32
    %dma_start3A_8 = arith.constant 0 : i32
    %dma_start3A_9 = tpu.memref_slice %arg3[%dma_start3A_7, %dma_start3A_8] : memref<32768x128xi32, #tpu.memory_space<hbm>> -> memref<32768x128xi32, #tpu.memory_space<hbm>>
    tpu.enqueue_indirect_dma source(%dma_start3A_9 : memref<32768x128xi32, #tpu.memory_space<hbm>>) target(%dma_start3A_6 : memref<16x128xi32, #tpu.memory_space<vmem>>) offsets(%get3A_4 : vector<16xi32>) semaphore(%arg7 : memref<!tpu.dma_semaphore, #tpu.memory_space<semaphore_mem>>)
    %get3A_10 = arith.constant 16 : index
    %get3A_11 = tpu.vector_load %arg5[%get3A_10] {strides = array<i32>} : memref<512xi32, #tpu.memory_space<vmem>>, vector<16xi32>,
    %get3A_12 = vector.shape_cast %get3A_11 : vector<16xi32> to vector<16xi32>
    %dma_start3A_13 = arith.constant 16 : i32
    %dma_start3A_14 = arith.constant 0 : i32
    %dma_start3A_15 = tpu.memref_slice %arg6[%dma_start3A_13, %dma_start3A_14] : memref<512x128xi32, #tpu.memory_space<vmem>> -> memref<16x128xi32, #tpu.memory_space<vmem>>
    %dma_start3A_16 = arith.constant 0 : i32
    %dma_start3A_17 = arith.constant 0 : i32
    %dma_start3A_18 = tpu.memref_slice %arg3[%dma_start3A_16, %dma_start3A_17] : memref<32768x128xi32, #tpu.memory_space<hbm>> -> memref<32768x128xi32, #tpu.memory_space<hbm>>
    tpu.enqueue_indirect_dma source(%dma_start3A_18 : memref<32768x128xi32, #tpu.memory_space<hbm>>) target(%dma_start3A_15 : memref<16x128xi32, #tpu.memory_space<vmem>>) offsets(%get3A_12 : vector<16xi32>) semaphore(%arg7 : memref<!tpu.dma_semaphore, #tpu.memory_space<semaphore_mem>>)
    %get3A_19 = arith.constant 32 : index
    %get3A_20 = tpu.vector_load %arg5[%get3A_19] {strides = array<i32>} : memref<512xi32, #tpu.memory_space<vmem>>, vector<16xi32>,
    %get3A_21 = vector.shape_cast %get3A_20 : vector<16xi32> to vector<16xi32>
    %dma_start3A_22 = arith.constant 32 : i32
    %dma_start3A_23 = arith.constant 0 : i32
    %dma_start3A_24 = tpu.memref_slice %arg6[%dma_start3A_22, %dma_start3A_23] : memref<512x128xi32, #tpu.memory_space<vmem>> -> memref<16x128xi32, #tpu.memory_space<vmem>>
    %dma_start3A_25 = arith.constant 0 : i32
    %dma_start3A_26 = arith.constant 0 : i32
    %dma_start3A_27 = tpu.memref_slice %arg3[%dma_start3A_25, %dma_start3A_26] : memref<32768x128xi32, #tpu.memory_space<hbm>> -> memref<32768x128xi32, #tpu.memory_space<hbm>>
    tpu.enqueue_indirect_dma source(%dma_start3A_27 : memref<32768x128xi32, #tpu.memory_space<hbm>>) target(%dma_start3A_24 : memref<16x128xi32, #tpu.memory_space<vmem>>) offsets(%get3A_21 : vector<16xi32>) semaphore(%arg7 : memref<!tpu.dma_semaphore, #tpu.memory_space<semaphore_mem>>)
    %get3A_28 = arith.constant 48 : index
    %get3A_29 = tpu.vector_load %arg5[%get3A_28] {strides = array<i32>} : memref<512xi32, #tpu.memory_space<vmem>>, vector<16xi32>,
    %get3A_30 = vector.shape_cast %get3A_29 : vector<16xi32> to vector<16xi32>
    %dma_start3A_31 = arith.constant 48 : i32
    %dma_start3A_32 = arith.constant 0 : i32
    %dma_start3A_33 = tpu.memref_slice %arg6[%dma_start3A_31, %dma_start3A_32] : memref<512x128xi32, #tpu.memory_space<vmem>> -> memref<16x128xi32, #tpu.memory_space<vmem>>
    %dma_start3A_34 = arith.constant 0 : i32
    %dma_start3A_35 = arith.constant 0 : i32
    %dma_start3A_36 = tpu.memref_slice %arg3[%dma_start3A_34, %dma_start3A_35] : memref<32768x128xi32, #tpu.memory_space<hbm>> -> memref<32768x128xi32, #tpu.memory_space<hbm>>
    tpu.enqueue_indirect_dma source(%dma_start3A_36 : memref<32768x128xi32, #tpu.memory_space<hbm>>) target(%dma_start3A_33 : memref<16x128xi32, #tpu.memory_space<vmem>>) offsets(%get3A_30 : vector<16xi32>) semaphore(%arg7 : memref<!tpu.dma_semaphore, #tpu.memory_space<semaphore_mem>>)
    %get3A_37 = arith.constant 64 : index
    %get3A_38 = tpu.vector_load %arg5[%get3A_37] {strides = array<i32>} : memref<512xi32, #tpu.memory_space<vmem>>, vector<16xi32>,
    %get3A_39 = vector.shape_cast %get3A_38 : vector<16xi32> to vector<16xi32>
    %dma_start3A_40 = arith.constant 64 : i32
    %dma_start3A_41 = arith.constant 0 : i32
    %dma_start3A_42 = tpu.memref_slice %arg6[%dma_start3A_40, %dma_start3A_41] : memref<512x128xi32, #tpu.memory_space<vmem>> -> memref<16x128xi32, #tpu.memory_space<vmem>>
    %dma_start3A_43 = arith.constant 0 : i32
    %dma_start3A_44 = arith.constant 0 : i32
    %dma_start3A_45 = tpu.memref_slice %arg3[%dma_start3A_43, %dma_start3A_44] : memref<32768x128xi32, #tpu.memory_space<hbm>> -> memref<32768x128xi32, #tpu.memory_space<hbm>>
    tpu.enqueue_indirect_dma source(%dma_start3A_45 : memref<32768x128xi32, #tpu.memory_space<hbm>>) target(%dma_start3A_42 : memref<16x128xi32, #tpu.memory_space<vmem>>) offsets(%get3A_39 : vector<16xi32>) semaphore(%arg7 : memref<!tpu.dma_semaphore, #tpu.memory_space<semaphore_mem>>)
    %get3A_46 = arith.constant 80 : index
    %get3A_47 = tpu.vector_load %arg5[%get3A_46] {strides = array<i32>} : memref<512xi32, #tpu.memory_space<vmem>>, vector<16xi32>,
    %get3A_48 = vector.shape_cast %get3A_47 : vector<16xi32> to vector<16xi32>
    %dma_start3A_49 = arith.constant 80 : i32
    %dma_start3A_50 = arith.constant 0 : i32
    %dma_start3A_51 = tpu.memref_slice %arg6[%dma_start3A_49, %dma_start3A_50] : memref<512x128xi32, #tpu.memory_space<vmem>> -> memref<16x128xi32, #tpu.memory_space<vmem>>
    %dma_start3A_52 = arith.constant 0 : i32
    %dma_start3A_53 = arith.constant 0 : i32
    %dma_start3A_54 = tpu.memref_slice %arg3[%dma_start3A_52, %dma_start3A_53] : memref<32768x128xi32, #tpu.memory_space<hbm>> -> memref<32768x128xi32, #tpu.memory_space<hbm>>
    tpu.enqueue_indirect_dma source(%dma_start3A_54 : memref<32768x128xi32, #tpu.memory_space<hbm>>) target(%dma_start3A_51 : memref<16x128xi32, #tpu.memory_space<vmem>>) offsets(%get3A_48 : vector<16xi32>) semaphore(%arg7 : memref<!tpu.dma_semaphore, #tpu.memory_space<semaphore_mem>>)
    %get3A_55 = arith.constant 96 : index
    %get3A_56 = tpu.vector_load %arg5[%get3A_55] {strides = array<i32>} : memref<512xi32, #tpu.memory_space<vmem>>, vector<16xi32>,
    %get3A_57 = vector.shape_cast %get3A_56 : vector<16xi32> to vector<16xi32>
    %dma_start3A_58 = arith.constant 96 : i32
    %dma_start3A_59 = arith.constant 0 : i32
    %dma_start3A_60 = tpu.memref_slice %arg6[%dma_start3A_58, %dma_start3A_59] : memref<512x128xi32, #tpu.memory_space<vmem>> -> memref<16x128xi32, #tpu.memory_space<vmem>>
    %dma_start3A_61 = arith.constant 0 : i32
    %dma_start3A_62 = arith.constant 0 : i32
    %dma_start3A_63 = tpu.memref_slice %arg3[%dma_start3A_61, %dma_start3A_62] : memref<32768x128xi32, #tpu.memory_space<hbm>> -> memref<32768x128xi32, #tpu.memory_space<hbm>>
    tpu.enqueue_indirect_dma source(%dma_start3A_63 : memref<32768x128xi32, #tpu.memory_space<hbm>>) target(%dma_start3A_60 : memref<16x128xi32, #tpu.memory_space<vmem>>) offsets(%get3A_57 : vector<16xi32>) semaphore(%arg7 : memref<!tpu.dma_semaphore, #tpu.memory_space<semaphore_mem>>)
    %get3A_64 = arith.constant 112 : index
    %get3A_65 = tpu.vector_load %arg5[%get3A_64] {strides = array<i32>} : memref<512xi32, #tpu.memory_space<vmem>>, vector<16xi32>,
    %get3A_66 = vector.shape_cast %get3A_65 : vector<16xi32> to vector<16xi32>
    %dma_start3A_67 = arith.constant 112 : i32
    %dma_start3A_68 = arith.constant 0 : i32
    %dma_start3A_69 = tpu.memref_slice %arg6[%dma_start3A_67, %dma_start3A_68] : memref<512x128xi32, #tpu.memory_space<vmem>> -> memref<16x128xi32, #tpu.memory_space<vmem>>
    %dma_start3A_70 = arith.constant 0 : i32
    %dma_start3A_71 = arith.constant 0 : i32
    %dma_start3A_72 = tpu.memref_slice %arg3[%dma_start3A_70, %dma_start3A_71] : memref<32768x128xi32, #tpu.memory_space<hbm>> -> memref<32768x128xi32, #tpu.memory_space<hbm>>
    tpu.enqueue_indirect_dma source(%dma_start3A_72 : memref<32768x128xi32, #tpu.memory_space<hbm>>) target(%dma_start3A_69 : memref<16x128xi32, #tpu.memory_space<vmem>>) offsets(%get3A_66 : vector<16xi32>) semaphore(%arg7 : memref<!tpu.dma_semaphore, #tpu.memory_space<semaphore_mem>>)
    %get3A_73 = arith.constant 128 : index
    %get3A_74 = tpu.vector_load %arg5[%get3A_73] {strides = array<i32>} : memref<512xi32, #tpu.memory_space<vmem>>, vector<16xi32>,
    %get3A_75 = vector.shape_cast %get3A_74 : vector<16xi32> to vector<16xi32>
    %dma_start3A_76 = arith.constant 128 : i32
    %dma_start3A_77 = arith.constant 0 : i32
    %dma_start3A_78 = tpu.memref_slice %arg6[%dma_start3A_76, %dma_start3A_77] : memref<512x128xi32, #tpu.memory_space<vmem>> -> memref<16x128xi32, #tpu.memory_space<vmem>>
    %dma_start3A_79 = arith.constant 0 : i32
    %dma_start3A_80 = arith.constant 0 : i32
    %dma_start3A_81 = tpu.memref_slice %arg3[%dma_start3A_79, %dma_start3A_80] : memref<32768x128xi32, #tpu.memory_space<hbm>> -> memref<32768x128xi32, #tpu.memory_space<hbm>>
    tpu.enqueue_indirect_dma source(%dma_start3A_81 : memref<32768x128xi32, #tpu.memory_space<hbm>>) target(%dma_start3A_78 : memref<16x128xi32, #tpu.memory_space<vmem>>) offsets(%get3A_75 : vector<16xi32>) semaphore(%arg7 : memref<!tpu.dma_semaphore, #tpu.memory_space<semaphore_mem>>)
    %get3A_82 = arith.constant 144 : index
    %get3A_83 = tpu.vector_load %arg5[%get3A_82] {strides = array<i32>} : memref<512xi32, #tpu.memory_space<vmem>>, vector<16xi32>,
    %get3A_84 = vector.shape_cast %get3A_83 : vector<16xi32> to vector<16xi32>
    %dma_start3A_85 = arith.constant 144 : i32
    %dma_start3A_86 = arith.constant 0 : i32
    %dma_start3A_87 = tpu.memref_slice %arg6[%dma_start3A_85, %dma_start3A_86] : memref<512x128xi32, #tpu.memory_space<vmem>> -> memref<16x128xi32, #tpu.memory_space<vmem>>
    %dma_start3A_88 = arith.constant 0 : i32
    %dma_start3A_89 = arith.constant 0 : i32
    %dma_start3A_90 = tpu.memref_slice %arg3[%dma_start3A_88, %dma_start3A_89] : memref<32768x128xi32, #tpu.memory_space<hbm>> -> memref<32768x128xi32, #tpu.memory_space<hbm>>
    tpu.enqueue_indirect_dma source(%dma_start3A_90 : memref<32768x128xi32, #tpu.memory_space<hbm>>) target(%dma_start3A_87 : memref<16x128xi32, #tpu.memory_space<vmem>>) offsets(%get3A_84 : vector<16xi32>) semaphore(%arg7 : memref<!tpu.dma_semaphore, #tpu.memory_space<semaphore_mem>>)
    %get3A_91 = arith.constant 160 : index
    %get3A_92 = tpu.vector_load %arg5[%get3A_91] {strides = array<i32>} : memref<512xi32, #tpu.memory_space<vmem>>, vector<16xi32>,
    %get3A_93 = vector.shape_cast %get3A_92 : vector<16xi32> to vector<16xi32>
    %dma_start3A_94 = arith.constant 160 : i32
    %dma_start3A_95 = arith.constant 0 : i32
    %dma_start3A_96 = tpu.memref_slice %arg6[%dma_start3A_94, %dma_start3A_95] : memref<512x128xi32, #tpu.memory_space<vmem>> -> memref<16x128xi32, #tpu.memory_space<vmem>>
    %dma_start3A_97 = arith.constant 0 : i32
    %dma_start3A_98 = arith.constant 0 : i32
    %dma_start3A_99 = tpu.memref_slice %arg3[%dma_start3A_97, %dma_start3A_98] : memref<32768x128xi32, #tpu.memory_space<hbm>> -> memref<32768x128xi32, #tpu.memory_space<hbm>>
    tpu.enqueue_indirect_dma source(%dma_start3A_99 : memref<32768x128xi32, #tpu.memory_space<hbm>>) target(%dma_start3A_96 : memref<16x128xi32, #tpu.memory_space<vmem>>) offsets(%get3A_93 : vector<16xi32>) semaphore(%arg7 : memref<!tpu.dma_semaphore, #tpu.memory_space<semaphore_mem>>)
    %get3A_100 = arith.constant 176 : index
    %get3A_101 = tpu.vector_load %arg5[%get3A_100] {strides = array<i32>} : memref<512xi32, #tpu.memory_space<vmem>>, vector<16xi32>,
    %get3A_102 = vector.shape_cast %get3A_101 : vector<16xi32> to vector<16xi32>
    %dma_start3A_103 = arith.constant 176 : i32
    %dma_start3A_104 = arith.constant 0 : i32
    %dma_start3A_105 = tpu.memref_slice %arg6[%dma_start3A_103, %dma_start3A_104] : memref<512x128xi32, #tpu.memory_space<vmem>> -> memref<16x128xi32, #tpu.memory_space<vmem>>
    %dma_start3A_106 = arith.constant 0 : i32
    %dma_start3A_107 = arith.constant 0 : i32
    %dma_start3A_108 = tpu.memref_slice %arg3[%dma_start3A_106, %dma_start3A_107] : memref<32768x128xi32, #tpu.memory_space<hbm>> -> memref<32768x128xi32, #tpu.memory_space<hbm>>
    tpu.enqueue_indirect_dma source(%dma_start3A_108 : memref<32768x128xi32, #tpu.memory_space<hbm>>) target(%dma_start3A_105 : memref<16x128xi32, #tpu.memory_space<vmem>>) offsets(%get3A_102 : vector<16xi32>) semaphore(%arg7 : memref<!tpu.dma_semaphore, #tpu.memory_space<semaphore_mem>>)
    %get3A_109 = arith.constant 192 : index
    %get3A_110 = tpu.vector_load %arg5[%get3A_109] {strides = array<i32>} : memref<512xi32, #tpu.memory_space<vmem>>, vector<16xi32>,
    %get3A_111 = vector.shape_cast %get3A_110 : vector<16xi32> to vector<16xi32>
    %dma_start3A_112 = arith.constant 192 : i32
    %dma_start3A_113 = arith.constant 0 : i32
    %dma_start3A_114 = tpu.memref_slice %arg6[%dma_start3A_112, %dma_start3A_113] : memref<512x128xi32, #tpu.memory_space<vmem>> -> memref<16x128xi32, #tpu.memory_space<vmem>>
    %dma_start3A_115 = arith.constant 0 : i32
    %dma_start3A_116 = arith.constant 0 : i32
    %dma_start3A_117 = tpu.memref_slice %arg3[%dma_start3A_115, %dma_start3A_116] : memref<32768x128xi32, #tpu.memory_space<hbm>> -> memref<32768x128xi32, #tpu.memory_space<hbm>>
    tpu.enqueue_indirect_dma source(%dma_start3A_117 : memref<32768x128xi32, #tpu.memory_space<hbm>>) target(%dma_start3A_114 : memref<16x128xi32, #tpu.memory_space<vmem>>) offsets(%get3A_111 : vector<16xi32>) semaphore(%arg7 : memref<!tpu.dma_semaphore, #tpu.memory_space<semaphore_mem>>)
    %get3A_118 = arith.constant 208 : index
    %get3A_119 = tpu.vector_load %arg5[%get3A_118] {strides = array<i32>} : memref<512xi32, #tpu.memory_space<vmem>>, vector<16xi32>,
    %get3A_120 = vector.shape_cast %get3A_119 : vector<16xi32> to vector<16xi32>
    %dma_start3A_121 = arith.constant 208 : i32
    %dma_start3A_122 = arith.constant 0 : i32
    %dma_start3A_123 = tpu.memref_slice %arg6[%dma_start3A_121, %dma_start3A_122] : memref<512x128xi32, #tpu.memory_space<vmem>> -> memref<16x128xi32, #tpu.memory_space<vmem>>
    %dma_start3A_124 = arith.constant 0 : i32
    %dma_start3A_125 = arith.constant 0 : i32
    %dma_start3A_126 = tpu.memref_slice %arg3[%dma_start3A_124, %dma_start3A_125] : memref<32768x128xi32, #tpu.memory_space<hbm>> -> memref<32768x128xi32, #tpu.memory_space<hbm>>
    tpu.enqueue_indirect_dma source(%dma_start3A_126 : memref<32768x128xi32, #tpu.memory_space<hbm>>) target(%dma_start3A_123 : memref<16x128xi32, #tpu.memory_space<vmem>>) offsets(%get3A_120 : vector<16xi32>) semaphore(%arg7 : memref<!tpu.dma_semaphore, #tpu.memory_space<semaphore_mem>>)
    %get3A_127 = arith.constant 224 : index
    %get3A_128 = tpu.vector_load %arg5[%get3A_127] {strides = array<i32>} : memref<512xi32, #tpu.memory_space<vmem>>, vector<16xi32>,
    %get3A_129 = vector.shape_cast %get3A_128 : vector<16xi32> to vector<16xi32>
    %dma_start3A_130 = arith.constant 224 : i32
    %dma_start3A_131 = arith.constant 0 : i32
    %dma_start3A_132 = tpu.memref_slice %arg6[%dma_start3A_130, %dma_start3A_131] : memref<512x128xi32, #tpu.memory_space<vmem>> -> memref<16x128xi32, #tpu.memory_space<vmem>>
    %dma_start3A_133 = arith.constant 0 : i32
    %dma_start3A_134 = arith.constant 0 : i32
    %dma_start3A_135 = tpu.memref_slice %arg3[%dma_start3A_133, %dma_start3A_134] : memref<32768x128xi32, #tpu.memory_space<hbm>> -> memref<32768x128xi32, #tpu.memory_space<hbm>>
    tpu.enqueue_indirect_dma source(%dma_start3A_135 : memref<32768x128xi32, #tpu.memory_space<hbm>>) target(%dma_start3A_132 : memref<16x128xi32, #tpu.memory_space<vmem>>) offsets(%get3A_129 : vector<16xi32>) semaphore(%arg7 : memref<!tpu.dma_semaphore, #tpu.memory_space<semaphore_mem>>)
    %get3A_136 = arith.constant 240 : index
    %get3A_137 = tpu.vector_load %arg5[%get3A_136] {strides = array<i32>} : memref<512xi32, #tpu.memory_space<vmem>>, vector<16xi32>,
    %get3A_138 = vector.shape_cast %get3A_137 : vector<16xi32> to vector<16xi32>
    %dma_start3A_139 = arith.constant 240 : i32
    %dma_start3A_140 = arith.constant 0 : i32
    %dma_start3A_141 = tpu.memref_slice %arg6[%dma_start3A_139, %dma_start3A_140] : memref<512x128xi32, #tpu.memory_space<vmem>> -> memref<16x128xi32, #tpu.memory_space<vmem>>
    %dma_start3A_142 = arith.constant 0 : i32
    %dma_start3A_143 = arith.constant 0 : i32
    %dma_start3A_144 = tpu.memref_slice %arg3[%dma_start3A_142, %dma_start3A_143] : memref<32768x128xi32, #tpu.memory_space<hbm>> -> memref<32768x128xi32, #tpu.memory_space<hbm>>
    tpu.enqueue_indirect_dma source(%dma_start3A_144 : memref<32768x128xi32, #tpu.memory_space<hbm>>) target(%dma_start3A_141 : memref<16x128xi32, #tpu.memory_space<vmem>>) offsets(%get3A_138 : vector<16xi32>) semaphore(%arg7 : memref<!tpu.dma_semaphore, #tpu.memory_space<semaphore_mem>>)
    %get3A_145 = arith.constant 256 : index
    %get3A_146 = tpu.vector_load %arg5[%get3A_145] {strides = array<i32>} : memref<512xi32, #tpu.memory_space<vmem>>, vector<16xi32>,
    %get3A_147 = vector.shape_cast %get3A_146 : vector<16xi32> to vector<16xi32>
    %dma_start3A_148 = arith.constant 256 : i32
    %dma_start3A_149 = arith.constant 0 : i32
    %dma_start3A_150 = tpu.memref_slice %arg6[%dma_start3A_148, %dma_start3A_149] : memref<512x128xi32, #tpu.memory_space<vmem>> -> memref<16x128xi32, #tpu.memory_space<vmem>>
    %dma_start3A_151 = arith.constant 0 : i32
    %dma_start3A_152 = arith.constant 0 : i32
    %dma_start3A_153 = tpu.memref_slice %arg3[%dma_start3A_151, %dma_start3A_152] : memref<32768x128xi32, #tpu.memory_space<hbm>> -> memref<32768x128xi32, #tpu.memory_space<hbm>>
    tpu.enqueue_indirect_dma source(%dma_start3A_153 : memref<32768x128xi32, #tpu.memory_space<hbm>>) target(%dma_start3A_150 : memref<16x128xi32, #tpu.memory_space<vmem>>) offsets(%get3A_147 : vector<16xi32>) semaphore(%arg7 : memref<!tpu.dma_semaphore, #tpu.memory_space<semaphore_mem>>)
    %get3A_154 = arith.constant 272 : index
    %get3A_155 = tpu.vector_load %arg5[%get3A_154] {strides = array<i32>} : memref<512xi32, #tpu.memory_space<vmem>>, vector<16xi32>,
    %get3A_156 = vector.shape_cast %get3A_155 : vector<16xi32> to vector<16xi32>
    %dma_start3A_157 = arith.constant 272 : i32
    %dma_start3A_158 = arith.constant 0 : i32
    %dma_start3A_159 = tpu.memref_slice %arg6[%dma_start3A_157, %dma_start3A_158] : memref<512x128xi32, #tpu.memory_space<vmem>> -> memref<16x128xi32, #tpu.memory_space<vmem>>
    %dma_start3A_160 = arith.constant 0 : i32
    %dma_start3A_161 = arith.constant 0 : i32
    %dma_start3A_162 = tpu.memref_slice %arg3[%dma_start3A_160, %dma_start3A_161] : memref<32768x128xi32, #tpu.memory_space<hbm>> -> memref<32768x128xi32, #tpu.memory_space<hbm>>
    tpu.enqueue_indirect_dma source(%dma_start3A_162 : memref<32768x128xi32, #tpu.memory_space<hbm>>) target(%dma_start3A_159 : memref<16x128xi32, #tpu.memory_space<vmem>>) offsets(%get3A_156 : vector<16xi32>) semaphore(%arg7 : memref<!tpu.dma_semaphore, #tpu.memory_space<semaphore_mem>>)
    %get3A_163 = arith.constant 288 : index
    %get3A_164 = tpu.vector_load %arg5[%get3A_163] {strides = array<i32>} : memref<512xi32, #tpu.memory_space<vmem>>, vector<16xi32>,
    %get3A_165 = vector.shape_cast %get3A_164 : vector<16xi32> to vector<16xi32>
    %dma_start3A_166 = arith.constant 288 : i32
    %dma_start3A_167 = arith.constant 0 : i32
    %dma_start3A_168 = tpu.memref_slice %arg6[%dma_start3A_166, %dma_start3A_167] : memref<512x128xi32, #tpu.memory_space<vmem>> -> memref<16x128xi32, #tpu.memory_space<vmem>>
    %dma_start3A_169 = arith.constant 0 : i32
    %dma_start3A_170 = arith.constant 0 : i32
    %dma_start3A_171 = tpu.memref_slice %arg3[%dma_start3A_169, %dma_start3A_170] : memref<32768x128xi32, #tpu.memory_space<hbm>> -> memref<32768x128xi32, #tpu.memory_space<hbm>>
    tpu.enqueue_indirect_dma source(%dma_start3A_171 : memref<32768x128xi32, #tpu.memory_space<hbm>>) target(%dma_start3A_168 : memref<16x128xi32, #tpu.memory_space<vmem>>) offsets(%get3A_165 : vector<16xi32>) semaphore(%arg7 : memref<!tpu.dma_semaphore, #tpu.memory_space<semaphore_mem>>)
    %get3A_172 = arith.constant 304 : index
    %get3A_173 = tpu.vector_load %arg5[%get3A_172] {strides = array<i32>} : memref<512xi32, #tpu.memory_space<vmem>>, vector<16xi32>,
    %get3A_174 = vector.shape_cast %get3A_173 : vector<16xi32> to vector<16xi32>
    %dma_start3A_175 = arith.constant 304 : i32
    %dma_start3A_176 = arith.constant 0 : i32
    %dma_start3A_177 = tpu.memref_slice %arg6[%dma_start3A_175, %dma_start3A_176] : memref<512x128xi32, #tpu.memory_space<vmem>> -> memref<16x128xi32, #tpu.memory_space<vmem>>
    %dma_start3A_178 = arith.constant 0 : i32
    %dma_start3A_179 = arith.constant 0 : i32
    %dma_start3A_180 = tpu.memref_slice %arg3[%dma_start3A_178, %dma_start3A_179] : memref<32768x128xi32, #tpu.memory_space<hbm>> -> memref<32768x128xi32, #tpu.memory_space<hbm>>
    tpu.enqueue_indirect_dma source(%dma_start3A_180 : memref<32768x128xi32, #tpu.memory_space<hbm>>) target(%dma_start3A_177 : memref<16x128xi32, #tpu.memory_space<vmem>>) offsets(%get3A_174 : vector<16xi32>) semaphore(%arg7 : memref<!tpu.dma_semaphore, #tpu.memory_space<semaphore_mem>>)
    %get3A_181 = arith.constant 320 : index
    %get3A_182 = tpu.vector_load %arg5[%get3A_181] {strides = array<i32>} : memref<512xi32, #tpu.memory_space<vmem>>, vector<16xi32>,
    %get3A_183 = vector.shape_cast %get3A_182 : vector<16xi32> to vector<16xi32>
    %dma_start3A_184 = arith.constant 320 : i32
    %dma_start3A_185 = arith.constant 0 : i32
    %dma_start3A_186 = tpu.memref_slice %arg6[%dma_start3A_184, %dma_start3A_185] : memref<512x128xi32, #tpu.memory_space<vmem>> -> memref<16x128xi32, #tpu.memory_space<vmem>>
    %dma_start3A_187 = arith.constant 0 : i32
    %dma_start3A_188 = arith.constant 0 : i32
    %dma_start3A_189 = tpu.memref_slice %arg3[%dma_start3A_187, %dma_start3A_188] : memref<32768x128xi32, #tpu.memory_space<hbm>> -> memref<32768x128xi32, #tpu.memory_space<hbm>>
    tpu.enqueue_indirect_dma source(%dma_start3A_189 : memref<32768x128xi32, #tpu.memory_space<hbm>>) target(%dma_start3A_186 : memref<16x128xi32, #tpu.memory_space<vmem>>) offsets(%get3A_183 : vector<16xi32>) semaphore(%arg7 : memref<!tpu.dma_semaphore, #tpu.memory_space<semaphore_mem>>)
    %get3A_190 = arith.constant 336 : index
    %get3A_191 = tpu.vector_load %arg5[%get3A_190] {strides = array<i32>} : memref<512xi32, #tpu.memory_space<vmem>>, vector<16xi32>,
    %get3A_192 = vector.shape_cast %get3A_191 : vector<16xi32> to vector<16xi32>
    %dma_start3A_193 = arith.constant 336 : i32
    %dma_start3A_194 = arith.constant 0 : i32
    %dma_start3A_195 = tpu.memref_slice %arg6[%dma_start3A_193, %dma_start3A_194] : memref<512x128xi32, #tpu.memory_space<vmem>> -> memref<16x128xi32, #tpu.memory_space<vmem>>
    %dma_start3A_196 = arith.constant 0 : i32
    %dma_start3A_197 = arith.constant 0 : i32
    %dma_start3A_198 = tpu.memref_slice %arg3[%dma_start3A_196, %dma_start3A_197] : memref<32768x128xi32, #tpu.memory_space<hbm>> -> memref<32768x128xi32, #tpu.memory_space<hbm>>
    tpu.enqueue_indirect_dma source(%dma_start3A_198 : memref<32768x128xi32, #tpu.memory_space<hbm>>) target(%dma_start3A_195 : memref<16x128xi32, #tpu.memory_space<vmem>>) offsets(%get3A_192 : vector<16xi32>) semaphore(%arg7 : memref<!tpu.dma_semaphore, #tpu.memory_space<semaphore_mem>>)
    %get3A_199 = arith.constant 352 : index
    %get3A_200 = tpu.vector_load %arg5[%get3A_199] {strides = array<i32>} : memref<512xi32, #tpu.memory_space<vmem>>, vector<16xi32>,
    %get3A_201 = vector.shape_cast %get3A_200 : vector<16xi32> to vector<16xi32>
    %dma_start3A_202 = arith.constant 352 : i32
    %dma_start3A_203 = arith.constant 0 : i32
    %dma_start3A_204 = tpu.memref_slice %arg6[%dma_start3A_202, %dma_start3A_203] : memref<512x128xi32, #tpu.memory_space<vmem>> -> memref<16x128xi32, #tpu.memory_space<vmem>>
    %dma_start3A_205 = arith.constant 0 : i32
    %dma_start3A_206 = arith.constant 0 : i32
    %dma_start3A_207 = tpu.memref_slice %arg3[%dma_start3A_205, %dma_start3A_206] : memref<32768x128xi32, #tpu.memory_space<hbm>> -> memref<32768x128xi32, #tpu.memory_space<hbm>>
    tpu.enqueue_indirect_dma source(%dma_start3A_207 : memref<32768x128xi32, #tpu.memory_space<hbm>>) target(%dma_start3A_204 : memref<16x128xi32, #tpu.memory_space<vmem>>) offsets(%get3A_201 : vector<16xi32>) semaphore(%arg7 : memref<!tpu.dma_semaphore, #tpu.memory_space<semaphore_mem>>)
    %get3A_208 = arith.constant 368 : index
    %get3A_209 = tpu.vector_load %arg5[%get3A_208] {strides = array<i32>} : memref<512xi32, #tpu.memory_space<vmem>>, vector<16xi32>,
    %get3A_210 = vector.shape_cast %get3A_209 : vector<16xi32> to vector<16xi32>
    %dma_start3A_211 = arith.constant 368 : i32
    %dma_start3A_212 = arith.constant 0 : i32
    %dma_start3A_213 = tpu.memref_slice %arg6[%dma_start3A_211, %dma_start3A_212] : memref<512x128xi32, #tpu.memory_space<vmem>> -> memref<16x128xi32, #tpu.memory_space<vmem>>
    %dma_start3A_214 = arith.constant 0 : i32
    %dma_start3A_215 = arith.constant 0 : i32
    %dma_start3A_216 = tpu.memref_slice %arg3[%dma_start3A_214, %dma_start3A_215] : memref<32768x128xi32, #tpu.memory_space<hbm>> -> memref<32768x128xi32, #tpu.memory_space<hbm>>
    tpu.enqueue_indirect_dma source(%dma_start3A_216 : memref<32768x128xi32, #tpu.memory_space<hbm>>) target(%dma_start3A_213 : memref<16x128xi32, #tpu.memory_space<vmem>>) offsets(%get3A_210 : vector<16xi32>) semaphore(%arg7 : memref<!tpu.dma_semaphore, #tpu.memory_space<semaphore_mem>>)
    %get3A_217 = arith.constant 384 : index
    %get3A_218 = tpu.vector_load %arg5[%get3A_217] {strides = array<i32>} : memref<512xi32, #tpu.memory_space<vmem>>, vector<16xi32>,
    %get3A_219 = vector.shape_cast %get3A_218 : vector<16xi32> to vector<16xi32>
    %dma_start3A_220 = arith.constant 384 : i32
    %dma_start3A_221 = arith.constant 0 : i32
    %dma_start3A_222 = tpu.memref_slice %arg6[%dma_start3A_220, %dma_start3A_221] : memref<512x128xi32, #tpu.memory_space<vmem>> -> memref<16x128xi32, #tpu.memory_space<vmem>>
    %dma_start3A_223 = arith.constant 0 : i32
    %dma_start3A_224 = arith.constant 0 : i32
    %dma_start3A_225 = tpu.memref_slice %arg3[%dma_start3A_223, %dma_start3A_224] : memref<32768x128xi32, #tpu.memory_space<hbm>> -> memref<32768x128xi32, #tpu.memory_space<hbm>>
    tpu.enqueue_indirect_dma source(%dma_start3A_225 : memref<32768x128xi32, #tpu.memory_space<hbm>>) target(%dma_start3A_222 : memref<16x128xi32, #tpu.memory_space<vmem>>) offsets(%get3A_219 : vector<16xi32>) semaphore(%arg7 : memref<!tpu.dma_semaphore, #tpu.memory_space<semaphore_mem>>)
    %get3A_226 = arith.constant 400 : index
    %get3A_227 = tpu.vector_load %arg5[%get3A_226] {strides = array<i32>} : memref<512xi32, #tpu.memory_space<vmem>>, vector<16xi32>,
    %get3A_228 = vector.shape_cast %get3A_227 : vector<16xi32> to vector<16xi32>
    %dma_start3A_229 = arith.constant 400 : i32
    %dma_start3A_230 = arith.constant 0 : i32
    %dma_start3A_231 = tpu.memref_slice %arg6[%dma_start3A_229, %dma_start3A_230] : memref<512x128xi32, #tpu.memory_space<vmem>> -> memref<16x128xi32, #tpu.memory_space<vmem>>
    %dma_start3A_232 = arith.constant 0 : i32
    %dma_start3A_233 = arith.constant 0 : i32
    %dma_start3A_234 = tpu.memref_slice %arg3[%dma_start3A_232, %dma_start3A_233] : memref<32768x128xi32, #tpu.memory_space<hbm>> -> memref<32768x128xi32, #tpu.memory_space<hbm>>
    tpu.enqueue_indirect_dma source(%dma_start3A_234 : memref<32768x128xi32, #tpu.memory_space<hbm>>) target(%dma_start3A_231 : memref<16x128xi32, #tpu.memory_space<vmem>>) offsets(%get3A_228 : vector<16xi32>) semaphore(%arg7 : memref<!tpu.dma_semaphore, #tpu.memory_space<semaphore_mem>>)
    %get3A_235 = arith.constant 416 : index
    %get3A_236 = tpu.vector_load %arg5[%get3A_235] {strides = array<i32>} : memref<512xi32, #tpu.memory_space<vmem>>, vector<16xi32>,
    %get3A_237 = vector.shape_cast %get3A_236 : vector<16xi32> to vector<16xi32>
    %dma_start3A_238 = arith.constant 416 : i32
    %dma_start3A_239 = arith.constant 0 : i32
    %dma_start3A_240 = tpu.memref_slice %arg6[%dma_start3A_238, %dma_start3A_239] : memref<512x128xi32, #tpu.memory_space<vmem>> -> memref<16x128xi32, #tpu.memory_space<vmem>>
    %dma_start3A_241 = arith.constant 0 : i32
    %dma_start3A_242 = arith.constant 0 : i32
    %dma_start3A_243 = tpu.memref_slice %arg3[%dma_start3A_241, %dma_start3A_242] : memref<32768x128xi32, #tpu.memory_space<hbm>> -> memref<32768x128xi32, #tpu.memory_space<hbm>>
    tpu.enqueue_indirect_dma source(%dma_start3A_243 : memref<32768x128xi32, #tpu.memory_space<hbm>>) target(%dma_start3A_240 : memref<16x128xi32, #tpu.memory_space<vmem>>) offsets(%get3A_237 : vector<16xi32>) semaphore(%arg7 : memref<!tpu.dma_semaphore, #tpu.memory_space<semaphore_mem>>)
    %get3A_244 = arith.constant 432 : index
    %get3A_245 = tpu.vector_load %arg5[%get3A_244] {strides = array<i32>} : memref<512xi32, #tpu.memory_space<vmem>>, vector<16xi32>,
    %get3A_246 = vector.shape_cast %get3A_245 : vector<16xi32> to vector<16xi32>
    %dma_start3A_247 = arith.constant 432 : i32
    %dma_start3A_248 = arith.constant 0 : i32
    %dma_start3A_249 = tpu.memref_slice %arg6[%dma_start3A_247, %dma_start3A_248] : memref<512x128xi32, #tpu.memory_space<vmem>> -> memref<16x128xi32, #tpu.memory_space<vmem>>
    %dma_start3A_250 = arith.constant 0 : i32
    %dma_start3A_251 = arith.constant 0 : i32
    %dma_start3A_252 = tpu.memref_slice %arg3[%dma_start3A_250, %dma_start3A_251] : memref<32768x128xi32, #tpu.memory_space<hbm>> -> memref<32768x128xi32, #tpu.memory_space<hbm>>
    tpu.enqueue_indirect_dma source(%dma_start3A_252 : memref<32768x128xi32, #tpu.memory_space<hbm>>) target(%dma_start3A_249 : memref<16x128xi32, #tpu.memory_space<vmem>>) offsets(%get3A_246 : vector<16xi32>) semaphore(%arg7 : memref<!tpu.dma_semaphore, #tpu.memory_space<semaphore_mem>>)
    %get3A_253 = arith.constant 448 : index
    %get3A_254 = tpu.vector_load %arg5[%get3A_253] {strides = array<i32>} : memref<512xi32, #tpu.memory_space<vmem>>, vector<16xi32>,
    %get3A_255 = vector.shape_cast %get3A_254 : vector<16xi32> to vector<16xi32>
    %dma_start3A_256 = arith.constant 448 : i32
    %dma_start3A_257 = arith.constant 0 : i32
    %dma_start3A_258 = tpu.memref_slice %arg6[%dma_start3A_256, %dma_start3A_257] : memref<512x128xi32, #tpu.memory_space<vmem>> -> memref<16x128xi32, #tpu.memory_space<vmem>>
    %dma_start3A_259 = arith.constant 0 : i32
    %dma_start3A_260 = arith.constant 0 : i32
    %dma_start3A_261 = tpu.memref_slice %arg3[%dma_start3A_259, %dma_start3A_260] : memref<32768x128xi32, #tpu.memory_space<hbm>> -> memref<32768x128xi32, #tpu.memory_space<hbm>>
    tpu.enqueue_indirect_dma source(%dma_start3A_261 : memref<32768x128xi32, #tpu.memory_space<hbm>>) target(%dma_start3A_258 : memref<16x128xi32, #tpu.memory_space<vmem>>) offsets(%get3A_255 : vector<16xi32>) semaphore(%arg7 : memref<!tpu.dma_semaphore, #tpu.memory_space<semaphore_mem>>)
    %get3A_262 = arith.constant 464 : index
    %get3A_263 = tpu.vector_load %arg5[%get3A_262] {strides = array<i32>} : memref<512xi32, #tpu.memory_space<vmem>>, vector<16xi32>,
    %get3A_264 = vector.shape_cast %get3A_263 : vector<16xi32> to vector<16xi32>
    %dma_start3A_265 = arith.constant 464 : i32
    %dma_start3A_266 = arith.constant 0 : i32
    %dma_start3A_267 = tpu.memref_slice %arg6[%dma_start3A_265, %dma_start3A_266] : memref<512x128xi32, #tpu.memory_space<vmem>> -> memref<16x128xi32, #tpu.memory_space<vmem>>
    %dma_start3A_268 = arith.constant 0 : i32
    %dma_start3A_269 = arith.constant 0 : i32
    %dma_start3A_270 = tpu.memref_slice %arg3[%dma_start3A_268, %dma_start3A_269] : memref<32768x128xi32, #tpu.memory_space<hbm>> -> memref<32768x128xi32, #tpu.memory_space<hbm>>
    tpu.enqueue_indirect_dma source(%dma_start3A_270 : memref<32768x128xi32, #tpu.memory_space<hbm>>) target(%dma_start3A_267 : memref<16x128xi32, #tpu.memory_space<vmem>>) offsets(%get3A_264 : vector<16xi32>) semaphore(%arg7 : memref<!tpu.dma_semaphore, #tpu.memory_space<semaphore_mem>>)
    %get3A_271 = arith.constant 480 : index
    %get3A_272 = tpu.vector_load %arg5[%get3A_271] {strides = array<i32>} : memref<512xi32, #tpu.memory_space<vmem>>, vector<16xi32>,
    %get3A_273 = vector.shape_cast %get3A_272 : vector<16xi32> to vector<16xi32>
    %dma_start3A_274 = arith.constant 480 : i32
    %dma_start3A_275 = arith.constant 0 : i32
    %dma_start3A_276 = tpu.memref_slice %arg6[%dma_start3A_274, %dma_start3A_275] : memref<512x128xi32, #tpu.memory_space<vmem>> -> memref<16x128xi32, #tpu.memory_space<vmem>>
    %dma_start3A_277 = arith.constant 0 : i32
    %dma_start3A_278 = arith.constant 0 : i32
    %dma_start3A_279 = tpu.memref_slice %arg3[%dma_start3A_277, %dma_start3A_278] : memref<32768x128xi32, #tpu.memory_space<hbm>> -> memref<32768x128xi32, #tpu.memory_space<hbm>>
    tpu.enqueue_indirect_dma source(%dma_start3A_279 : memref<32768x128xi32, #tpu.memory_space<hbm>>) target(%dma_start3A_276 : memref<16x128xi32, #tpu.memory_space<vmem>>) offsets(%get3A_273 : vector<16xi32>) semaphore(%arg7 : memref<!tpu.dma_semaphore, #tpu.memory_space<semaphore_mem>>)
    %get3A_280 = arith.constant 496 : index
    %get3A_281 = tpu.vector_load %arg5[%get3A_280] {strides = array<i32>} : memref<512xi32, #tpu.memory_space<vmem>>, vector<16xi32>,
    %get3A_282 = vector.shape_cast %get3A_281 : vector<16xi32> to vector<16xi32>
    %dma_start3A_283 = arith.constant 496 : i32
    %dma_start3A_284 = arith.constant 0 : i32
    %dma_start3A_285 = tpu.memref_slice %arg6[%dma_start3A_283, %dma_start3A_284] : memref<512x128xi32, #tpu.memory_space<vmem>> -> memref<16x128xi32, #tpu.memory_space<vmem>>
    %dma_start3A_286 = arith.constant 0 : i32
    %dma_start3A_287 = arith.constant 0 : i32
    %dma_start3A_288 = tpu.memref_slice %arg3[%dma_start3A_286, %dma_start3A_287] : memref<32768x128xi32, #tpu.memory_space<hbm>> -> memref<32768x128xi32, #tpu.memory_space<hbm>>
    tpu.enqueue_indirect_dma source(%dma_start3A_288 : memref<32768x128xi32, #tpu.memory_space<hbm>>) target(%dma_start3A_285 : memref<16x128xi32, #tpu.memory_space<vmem>>) offsets(%get3A_282 : vector<16xi32>) semaphore(%arg7 : memref<!tpu.dma_semaphore, #tpu.memory_space<semaphore_mem>>)
    %dma_wait3A = arith.constant 0 : i32
    %dma_wait3A_289 = arith.constant 0 : i32
    %dma_wait3A_290 = tpu.memref_slice %arg6[%dma_wait3A, %dma_wait3A_289] : memref<512x128xi32, #tpu.memory_space<vmem>> -> memref<16x128xi32, #tpu.memory_space<vmem>>
    %dma_wait3A_291 = arith.constant 0 : i32
    %dma_wait3A_292 = arith.constant 0 : i32
    %dma_wait3A_293 = tpu.memref_slice %arg3[%dma_wait3A_291, %dma_wait3A_292] : memref<32768x128xi32, #tpu.memory_space<hbm>> -> memref<32768x128xi32, #tpu.memory_space<hbm>>
    tpu.wait_indirect_dma semaphore(%arg7 : memref<!tpu.dma_semaphore, #tpu.memory_space<semaphore_mem>>) src(%dma_wait3A_293 : memref<32768x128xi32, #tpu.memory_space<hbm>>) dst(%dma_wait3A_290 : memref<16x128xi32, #tpu.memory_space<vmem>>)
    %dma_wait3A_294 = arith.constant 16 : i32
    %dma_wait3A_295 = arith.constant 0 : i32
    %dma_wait3A_296 = tpu.memref_slice %arg6[%dma_wait3A_294, %dma_wait3A_295] : memref<512x128xi32, #tpu.memory_space<vmem>> -> memref<16x128xi32, #tpu.memory_space<vmem>>
    %dma_wait3A_297 = arith.constant 0 : i32
    %dma_wait3A_298 = arith.constant 0 : i32
    %dma_wait3A_299 = tpu.memref_slice %arg3[%dma_wait3A_297, %dma_wait3A_298] : memref<32768x128xi32, #tpu.memory_space<hbm>> -> memref<32768x128xi32, #tpu.memory_space<hbm>>
    tpu.wait_indirect_dma semaphore(%arg7 : memref<!tpu.dma_semaphore, #tpu.memory_space<semaphore_mem>>) src(%dma_wait3A_299 : memref<32768x128xi32, #tpu.memory_space<hbm>>) dst(%dma_wait3A_296 : memref<16x128xi32, #tpu.memory_space<vmem>>)
    %dma_wait3A_300 = arith.constant 32 : i32
    %dma_wait3A_301 = arith.constant 0 : i32
    %dma_wait3A_302 = tpu.memref_slice %arg6[%dma_wait3A_300, %dma_wait3A_301] : memref<512x128xi32, #tpu.memory_space<vmem>> -> memref<16x128xi32, #tpu.memory_space<vmem>>
    %dma_wait3A_303 = arith.constant 0 : i32
    %dma_wait3A_304 = arith.constant 0 : i32
    %dma_wait3A_305 = tpu.memref_slice %arg3[%dma_wait3A_303, %dma_wait3A_304] : memref<32768x128xi32, #tpu.memory_space<hbm>> -> memref<32768x128xi32, #tpu.memory_space<hbm>>
    tpu.wait_indirect_dma semaphore(%arg7 : memref<!tpu.dma_semaphore, #tpu.memory_space<semaphore_mem>>) src(%dma_wait3A_305 : memref<32768x128xi32, #tpu.memory_space<hbm>>) dst(%dma_wait3A_302 : memref<16x128xi32, #tpu.memory_space<vmem>>)
    %dma_wait3A_306 = arith.constant 48 : i32
    %dma_wait3A_307 = arith.constant 0 : i32
    %dma_wait3A_308 = tpu.memref_slice %arg6[%dma_wait3A_306, %dma_wait3A_307] : memref<512x128xi32, #tpu.memory_space<vmem>> -> memref<16x128xi32, #tpu.memory_space<vmem>>
    %dma_wait3A_309 = arith.constant 0 : i32
    %dma_wait3A_310 = arith.constant 0 : i32
    %dma_wait3A_311 = tpu.memref_slice %arg3[%dma_wait3A_309, %dma_wait3A_310] : memref<32768x128xi32, #tpu.memory_space<hbm>> -> memref<32768x128xi32, #tpu.memory_space<hbm>>
    tpu.wait_indirect_dma semaphore(%arg7 : memref<!tpu.dma_semaphore, #tpu.memory_space<semaphore_mem>>) src(%dma_wait3A_311 : memref<32768x128xi32, #tpu.memory_space<hbm>>) dst(%dma_wait3A_308 : memref<16x128xi32, #tpu.memory_space<vmem>>)
    %dma_wait3A_312 = arith.constant 64 : i32
    %dma_wait3A_313 = arith.constant 0 : i32
    %dma_wait3A_314 = tpu.memref_slice %arg6[%dma_wait3A_312, %dma_wait3A_313] : memref<512x128xi32, #tpu.memory_space<vmem>> -> memref<16x128xi32, #tpu.memory_space<vmem>>
    %dma_wait3A_315 = arith.constant 0 : i32
    %dma_wait3A_316 = arith.constant 0 : i32
    %dma_wait3A_317 = tpu.memref_slice %arg3[%dma_wait3A_315, %dma_wait3A_316] : memref<32768x128xi32, #tpu.memory_space<hbm>> -> memref<32768x128xi32, #tpu.memory_space<hbm>>
    tpu.wait_indirect_dma semaphore(%arg7 : memref<!tpu.dma_semaphore, #tpu.memory_space<semaphore_mem>>) src(%dma_wait3A_317 : memref<32768x128xi32, #tpu.memory_space<hbm>>) dst(%dma_wait3A_314 : memref<16x128xi32, #tpu.memory_space<vmem>>)
    %dma_wait3A_318 = arith.constant 80 : i32
    %dma_wait3A_319 = arith.constant 0 : i32
    %dma_wait3A_320 = tpu.memref_slice %arg6[%dma_wait3A_318, %dma_wait3A_319] : memref<512x128xi32, #tpu.memory_space<vmem>> -> memref<16x128xi32, #tpu.memory_space<vmem>>
    %dma_wait3A_321 = arith.constant 0 : i32
    %dma_wait3A_322 = arith.constant 0 : i32
    %dma_wait3A_323 = tpu.memref_slice %arg3[%dma_wait3A_321, %dma_wait3A_322] : memref<32768x128xi32, #tpu.memory_space<hbm>> -> memref<32768x128xi32, #tpu.memory_space<hbm>>
    tpu.wait_indirect_dma semaphore(%arg7 : memref<!tpu.dma_semaphore, #tpu.memory_space<semaphore_mem>>) src(%dma_wait3A_323 : memref<32768x128xi32, #tpu.memory_space<hbm>>) dst(%dma_wait3A_320 : memref<16x128xi32, #tpu.memory_space<vmem>>)
    %dma_wait3A_324 = arith.constant 96 : i32
    %dma_wait3A_325 = arith.constant 0 : i32
    %dma_wait3A_326 = tpu.memref_slice %arg6[%dma_wait3A_324, %dma_wait3A_325] : memref<512x128xi32, #tpu.memory_space<vmem>> -> memref<16x128xi32, #tpu.memory_space<vmem>>
    %dma_wait3A_327 = arith.constant 0 : i32
    %dma_wait3A_328 = arith.constant 0 : i32
    %dma_wait3A_329 = tpu.memref_slice %arg3[%dma_wait3A_327, %dma_wait3A_328] : memref<32768x128xi32, #tpu.memory_space<hbm>> -> memref<32768x128xi32, #tpu.memory_space<hbm>>
    tpu.wait_indirect_dma semaphore(%arg7 : memref<!tpu.dma_semaphore, #tpu.memory_space<semaphore_mem>>) src(%dma_wait3A_329 : memref<32768x128xi32, #tpu.memory_space<hbm>>) dst(%dma_wait3A_326 : memref<16x128xi32, #tpu.memory_space<vmem>>)
    %dma_wait3A_330 = arith.constant 112 : i32
    %dma_wait3A_331 = arith.constant 0 : i32
    %dma_wait3A_332 = tpu.memref_slice %arg6[%dma_wait3A_330, %dma_wait3A_331] : memref<512x128xi32, #tpu.memory_space<vmem>> -> memref<16x128xi32, #tpu.memory_space<vmem>>
    %dma_wait3A_333 = arith.constant 0 : i32
    %dma_wait3A_334 = arith.constant 0 : i32
    %dma_wait3A_335 = tpu.memref_slice %arg3[%dma_wait3A_333, %dma_wait3A_334] : memref<32768x128xi32, #tpu.memory_space<hbm>> -> memref<32768x128xi32, #tpu.memory_space<hbm>>
    tpu.wait_indirect_dma semaphore(%arg7 : memref<!tpu.dma_semaphore, #tpu.memory_space<semaphore_mem>>) src(%dma_wait3A_335 : memref<32768x128xi32, #tpu.memory_space<hbm>>) dst(%dma_wait3A_332 : memref<16x128xi32, #tpu.memory_space<vmem>>)
    %dma_wait3A_336 = arith.constant 128 : i32
    %dma_wait3A_337 = arith.constant 0 : i32
    %dma_wait3A_338 = tpu.memref_slice %arg6[%dma_wait3A_336, %dma_wait3A_337] : memref<512x128xi32, #tpu.memory_space<vmem>> -> memref<16x128xi32, #tpu.memory_space<vmem>>
    %dma_wait3A_339 = arith.constant 0 : i32
    %dma_wait3A_340 = arith.constant 0 : i32
    %dma_wait3A_341 = tpu.memref_slice %arg3[%dma_wait3A_339, %dma_wait3A_340] : memref<32768x128xi32, #tpu.memory_space<hbm>> -> memref<32768x128xi32, #tpu.memory_space<hbm>>
    tpu.wait_indirect_dma semaphore(%arg7 : memref<!tpu.dma_semaphore, #tpu.memory_space<semaphore_mem>>) src(%dma_wait3A_341 : memref<32768x128xi32, #tpu.memory_space<hbm>>) dst(%dma_wait3A_338 : memref<16x128xi32, #tpu.memory_space<vmem>>)
    %dma_wait3A_342 = arith.constant 144 : i32
    %dma_wait3A_343 = arith.constant 0 : i32
    %dma_wait3A_344 = tpu.memref_slice %arg6[%dma_wait3A_342, %dma_wait3A_343] : memref<512x128xi32, #tpu.memory_space<vmem>> -> memref<16x128xi32, #tpu.memory_space<vmem>>
    %dma_wait3A_345 = arith.constant 0 : i32
    %dma_wait3A_346 = arith.constant 0 : i32
    %dma_wait3A_347 = tpu.memref_slice %arg3[%dma_wait3A_345, %dma_wait3A_346] : memref<32768x128xi32, #tpu.memory_space<hbm>> -> memref<32768x128xi32, #tpu.memory_space<hbm>>
    tpu.wait_indirect_dma semaphore(%arg7 : memref<!tpu.dma_semaphore, #tpu.memory_space<semaphore_mem>>) src(%dma_wait3A_347 : memref<32768x128xi32, #tpu.memory_space<hbm>>) dst(%dma_wait3A_344 : memref<16x128xi32, #tpu.memory_space<vmem>>)
    %dma_wait3A_348 = arith.constant 160 : i32
    %dma_wait3A_349 = arith.constant 0 : i32
    %dma_wait3A_350 = tpu.memref_slice %arg6[%dma_wait3A_348, %dma_wait3A_349] : memref<512x128xi32, #tpu.memory_space<vmem>> -> memref<16x128xi32, #tpu.memory_space<vmem>>
    %dma_wait3A_351 = arith.constant 0 : i32
    %dma_wait3A_352 = arith.constant 0 : i32
    %dma_wait3A_353 = tpu.memref_slice %arg3[%dma_wait3A_351, %dma_wait3A_352] : memref<32768x128xi32, #tpu.memory_space<hbm>> -> memref<32768x128xi32, #tpu.memory_space<hbm>>
    tpu.wait_indirect_dma semaphore(%arg7 : memref<!tpu.dma_semaphore, #tpu.memory_space<semaphore_mem>>) src(%dma_wait3A_353 : memref<32768x128xi32, #tpu.memory_space<hbm>>) dst(%dma_wait3A_350 : memref<16x128xi32, #tpu.memory_space<vmem>>)
    %dma_wait3A_354 = arith.constant 176 : i32
    %dma_wait3A_355 = arith.constant 0 : i32
    %dma_wait3A_356 = tpu.memref_slice %arg6[%dma_wait3A_354, %dma_wait3A_355] : memref<512x128xi32, #tpu.memory_space<vmem>> -> memref<16x128xi32, #tpu.memory_space<vmem>>
    %dma_wait3A_357 = arith.constant 0 : i32
    %dma_wait3A_358 = arith.constant 0 : i32
    %dma_wait3A_359 = tpu.memref_slice %arg3[%dma_wait3A_357, %dma_wait3A_358] : memref<32768x128xi32, #tpu.memory_space<hbm>> -> memref<32768x128xi32, #tpu.memory_space<hbm>>
    tpu.wait_indirect_dma semaphore(%arg7 : memref<!tpu.dma_semaphore, #tpu.memory_space<semaphore_mem>>) src(%dma_wait3A_359 : memref<32768x128xi32, #tpu.memory_space<hbm>>) dst(%dma_wait3A_356 : memref<16x128xi32, #tpu.memory_space<vmem>>)
    %dma_wait3A_360 = arith.constant 192 : i32
    %dma_wait3A_361 = arith.constant 0 : i32
    %dma_wait3A_362 = tpu.memref_slice %arg6[%dma_wait3A_360, %dma_wait3A_361] : memref<512x128xi32, #tpu.memory_space<vmem>> -> memref<16x128xi32, #tpu.memory_space<vmem>>
    %dma_wait3A_363 = arith.constant 0 : i32
    %dma_wait3A_364 = arith.constant 0 : i32
    %dma_wait3A_365 = tpu.memref_slice %arg3[%dma_wait3A_363, %dma_wait3A_364] : memref<32768x128xi32, #tpu.memory_space<hbm>> -> memref<32768x128xi32, #tpu.memory_space<hbm>>
    tpu.wait_indirect_dma semaphore(%arg7 : memref<!tpu.dma_semaphore, #tpu.memory_space<semaphore_mem>>) src(%dma_wait3A_365 : memref<32768x128xi32, #tpu.memory_space<hbm>>) dst(%dma_wait3A_362 : memref<16x128xi32, #tpu.memory_space<vmem>>)
    %dma_wait3A_366 = arith.constant 208 : i32
    %dma_wait3A_367 = arith.constant 0 : i32
    %dma_wait3A_368 = tpu.memref_slice %arg6[%dma_wait3A_366, %dma_wait3A_367] : memref<512x128xi32, #tpu.memory_space<vmem>> -> memref<16x128xi32, #tpu.memory_space<vmem>>
    %dma_wait3A_369 = arith.constant 0 : i32
    %dma_wait3A_370 = arith.constant 0 : i32
    %dma_wait3A_371 = tpu.memref_slice %arg3[%dma_wait3A_369, %dma_wait3A_370] : memref<32768x128xi32, #tpu.memory_space<hbm>> -> memref<32768x128xi32, #tpu.memory_space<hbm>>
    tpu.wait_indirect_dma semaphore(%arg7 : memref<!tpu.dma_semaphore, #tpu.memory_space<semaphore_mem>>) src(%dma_wait3A_371 : memref<32768x128xi32, #tpu.memory_space<hbm>>) dst(%dma_wait3A_368 : memref<16x128xi32, #tpu.memory_space<vmem>>)
    %dma_wait3A_372 = arith.constant 224 : i32
    %dma_wait3A_373 = arith.constant 0 : i32
    %dma_wait3A_374 = tpu.memref_slice %arg6[%dma_wait3A_372, %dma_wait3A_373] : memref<512x128xi32, #tpu.memory_space<vmem>> -> memref<16x128xi32, #tpu.memory_space<vmem>>
    %dma_wait3A_375 = arith.constant 0 : i32
    %dma_wait3A_376 = arith.constant 0 : i32
    %dma_wait3A_377 = tpu.memref_slice %arg3[%dma_wait3A_375, %dma_wait3A_376] : memref<32768x128xi32, #tpu.memory_space<hbm>> -> memref<32768x128xi32, #tpu.memory_space<hbm>>
    tpu.wait_indirect_dma semaphore(%arg7 : memref<!tpu.dma_semaphore, #tpu.memory_space<semaphore_mem>>) src(%dma_wait3A_377 : memref<32768x128xi32, #tpu.memory_space<hbm>>) dst(%dma_wait3A_374 : memref<16x128xi32, #tpu.memory_space<vmem>>)
    %dma_wait3A_378 = arith.constant 240 : i32
    %dma_wait3A_379 = arith.constant 0 : i32
    %dma_wait3A_380 = tpu.memref_slice %arg6[%dma_wait3A_378, %dma_wait3A_379] : memref<512x128xi32, #tpu.memory_space<vmem>> -> memref<16x128xi32, #tpu.memory_space<vmem>>
    %dma_wait3A_381 = arith.constant 0 : i32
    %dma_wait3A_382 = arith.constant 0 : i32
    %dma_wait3A_383 = tpu.memref_slice %arg3[%dma_wait3A_381, %dma_wait3A_382] : memref<32768x128xi32, #tpu.memory_space<hbm>> -> memref<32768x128xi32, #tpu.memory_space<hbm>>
    tpu.wait_indirect_dma semaphore(%arg7 : memref<!tpu.dma_semaphore, #tpu.memory_space<semaphore_mem>>) src(%dma_wait3A_383 : memref<32768x128xi32, #tpu.memory_space<hbm>>) dst(%dma_wait3A_380 : memref<16x128xi32, #tpu.memory_space<vmem>>)
    %dma_wait3A_384 = arith.constant 256 : i32
    %dma_wait3A_385 = arith.constant 0 : i32
    %dma_wait3A_386 = tpu.memref_slice %arg6[%dma_wait3A_384, %dma_wait3A_385] : memref<512x128xi32, #tpu.memory_space<vmem>> -> memref<16x128xi32, #tpu.memory_space<vmem>>
    %dma_wait3A_387 = arith.constant 0 : i32
    %dma_wait3A_388 = arith.constant 0 : i32
    %dma_wait3A_389 = tpu.memref_slice %arg3[%dma_wait3A_387, %dma_wait3A_388] : memref<32768x128xi32, #tpu.memory_space<hbm>> -> memref<32768x128xi32, #tpu.memory_space<hbm>>
    tpu.wait_indirect_dma semaphore(%arg7 : memref<!tpu.dma_semaphore, #tpu.memory_space<semaphore_mem>>) src(%dma_wait3A_389 : memref<32768x128xi32, #tpu.memory_space<hbm>>) dst(%dma_wait3A_386 : memref<16x128xi32, #tpu.memory_space<vmem>>)
    %dma_wait3A_390 = arith.constant 272 : i32
    %dma_wait3A_391 = arith.constant 0 : i32
    %dma_wait3A_392 = tpu.memref_slice %arg6[%dma_wait3A_390, %dma_wait3A_391] : memref<512x128xi32, #tpu.memory_space<vmem>> -> memref<16x128xi32, #tpu.memory_space<vmem>>
    %dma_wait3A_393 = arith.constant 0 : i32
    %dma_wait3A_394 = arith.constant 0 : i32
    %dma_wait3A_395 = tpu.memref_slice %arg3[%dma_wait3A_393, %dma_wait3A_394] : memref<32768x128xi32, #tpu.memory_space<hbm>> -> memref<32768x128xi32, #tpu.memory_space<hbm>>
    tpu.wait_indirect_dma semaphore(%arg7 : memref<!tpu.dma_semaphore, #tpu.memory_space<semaphore_mem>>) src(%dma_wait3A_395 : memref<32768x128xi32, #tpu.memory_space<hbm>>) dst(%dma_wait3A_392 : memref<16x128xi32, #tpu.memory_space<vmem>>)
    %dma_wait3A_396 = arith.constant 288 : i32
    %dma_wait3A_397 = arith.constant 0 : i32
    %dma_wait3A_398 = tpu.memref_slice %arg6[%dma_wait3A_396, %dma_wait3A_397] : memref<512x128xi32, #tpu.memory_space<vmem>> -> memref<16x128xi32, #tpu.memory_space<vmem>>
    %dma_wait3A_399 = arith.constant 0 : i32
    %dma_wait3A_400 = arith.constant 0 : i32
    %dma_wait3A_401 = tpu.memref_slice %arg3[%dma_wait3A_399, %dma_wait3A_400] : memref<32768x128xi32, #tpu.memory_space<hbm>> -> memref<32768x128xi32, #tpu.memory_space<hbm>>
    tpu.wait_indirect_dma semaphore(%arg7 : memref<!tpu.dma_semaphore, #tpu.memory_space<semaphore_mem>>) src(%dma_wait3A_401 : memref<32768x128xi32, #tpu.memory_space<hbm>>) dst(%dma_wait3A_398 : memref<16x128xi32, #tpu.memory_space<vmem>>)
    %dma_wait3A_402 = arith.constant 304 : i32
    %dma_wait3A_403 = arith.constant 0 : i32
    %dma_wait3A_404 = tpu.memref_slice %arg6[%dma_wait3A_402, %dma_wait3A_403] : memref<512x128xi32, #tpu.memory_space<vmem>> -> memref<16x128xi32, #tpu.memory_space<vmem>>
    %dma_wait3A_405 = arith.constant 0 : i32
    %dma_wait3A_406 = arith.constant 0 : i32
    %dma_wait3A_407 = tpu.memref_slice %arg3[%dma_wait3A_405, %dma_wait3A_406] : memref<32768x128xi32, #tpu.memory_space<hbm>> -> memref<32768x128xi32, #tpu.memory_space<hbm>>
    tpu.wait_indirect_dma semaphore(%arg7 : memref<!tpu.dma_semaphore, #tpu.memory_space<semaphore_mem>>) src(%dma_wait3A_407 : memref<32768x128xi32, #tpu.memory_space<hbm>>) dst(%dma_wait3A_404 : memref<16x128xi32, #tpu.memory_space<vmem>>)
    %dma_wait3A_408 = arith.constant 320 : i32
    %dma_wait3A_409 = arith.constant 0 : i32
    %dma_wait3A_410 = tpu.memref_slice %arg6[%dma_wait3A_408, %dma_wait3A_409] : memref<512x128xi32, #tpu.memory_space<vmem>> -> memref<16x128xi32, #tpu.memory_space<vmem>>
    %dma_wait3A_411 = arith.constant 0 : i32
    %dma_wait3A_412 = arith.constant 0 : i32
    %dma_wait3A_413 = tpu.memref_slice %arg3[%dma_wait3A_411, %dma_wait3A_412] : memref<32768x128xi32, #tpu.memory_space<hbm>> -> memref<32768x128xi32, #tpu.memory_space<hbm>>
    tpu.wait_indirect_dma semaphore(%arg7 : memref<!tpu.dma_semaphore, #tpu.memory_space<semaphore_mem>>) src(%dma_wait3A_413 : memref<32768x128xi32, #tpu.memory_space<hbm>>) dst(%dma_wait3A_410 : memref<16x128xi32, #tpu.memory_space<vmem>>)
    %dma_wait3A_414 = arith.constant 336 : i32
    %dma_wait3A_415 = arith.constant 0 : i32
    %dma_wait3A_416 = tpu.memref_slice %arg6[%dma_wait3A_414, %dma_wait3A_415] : memref<512x128xi32, #tpu.memory_space<vmem>> -> memref<16x128xi32, #tpu.memory_space<vmem>>
    %dma_wait3A_417 = arith.constant 0 : i32
    %dma_wait3A_418 = arith.constant 0 : i32
    %dma_wait3A_419 = tpu.memref_slice %arg3[%dma_wait3A_417, %dma_wait3A_418] : memref<32768x128xi32, #tpu.memory_space<hbm>> -> memref<32768x128xi32, #tpu.memory_space<hbm>>
    tpu.wait_indirect_dma semaphore(%arg7 : memref<!tpu.dma_semaphore, #tpu.memory_space<semaphore_mem>>) src(%dma_wait3A_419 : memref<32768x128xi32, #tpu.memory_space<hbm>>) dst(%dma_wait3A_416 : memref<16x128xi32, #tpu.memory_space<vmem>>)
    %dma_wait3A_420 = arith.constant 352 : i32
    %dma_wait3A_421 = arith.constant 0 : i32
    %dma_wait3A_422 = tpu.memref_slice %arg6[%dma_wait3A_420, %dma_wait3A_421] : memref<512x128xi32, #tpu.memory_space<vmem>> -> memref<16x128xi32, #tpu.memory_space<vmem>>
    %dma_wait3A_423 = arith.constant 0 : i32
    %dma_wait3A_424 = arith.constant 0 : i32
    %dma_wait3A_425 = tpu.memref_slice %arg3[%dma_wait3A_423, %dma_wait3A_424] : memref<32768x128xi32, #tpu.memory_space<hbm>> -> memref<32768x128xi32, #tpu.memory_space<hbm>>
    tpu.wait_indirect_dma semaphore(%arg7 : memref<!tpu.dma_semaphore, #tpu.memory_space<semaphore_mem>>) src(%dma_wait3A_425 : memref<32768x128xi32, #tpu.memory_space<hbm>>) dst(%dma_wait3A_422 : memref<16x128xi32, #tpu.memory_space<vmem>>)
    %dma_wait3A_426 = arith.constant 368 : i32
    %dma_wait3A_427 = arith.constant 0 : i32
    %dma_wait3A_428 = tpu.memref_slice %arg6[%dma_wait3A_426, %dma_wait3A_427] : memref<512x128xi32, #tpu.memory_space<vmem>> -> memref<16x128xi32, #tpu.memory_space<vmem>>
    %dma_wait3A_429 = arith.constant 0 : i32
    %dma_wait3A_430 = arith.constant 0 : i32
    %dma_wait3A_431 = tpu.memref_slice %arg3[%dma_wait3A_429, %dma_wait3A_430] : memref<32768x128xi32, #tpu.memory_space<hbm>> -> memref<32768x128xi32, #tpu.memory_space<hbm>>
    tpu.wait_indirect_dma semaphore(%arg7 : memref<!tpu.dma_semaphore, #tpu.memory_space<semaphore_mem>>) src(%dma_wait3A_431 : memref<32768x128xi32, #tpu.memory_space<hbm>>) dst(%dma_wait3A_428 : memref<16x128xi32, #tpu.memory_space<vmem>>)
    %dma_wait3A_432 = arith.constant 384 : i32
    %dma_wait3A_433 = arith.constant 0 : i32
    %dma_wait3A_434 = tpu.memref_slice %arg6[%dma_wait3A_432, %dma_wait3A_433] : memref<512x128xi32, #tpu.memory_space<vmem>> -> memref<16x128xi32, #tpu.memory_space<vmem>>
    %dma_wait3A_435 = arith.constant 0 : i32
    %dma_wait3A_436 = arith.constant 0 : i32
    %dma_wait3A_437 = tpu.memref_slice %arg3[%dma_wait3A_435, %dma_wait3A_436] : memref<32768x128xi32, #tpu.memory_space<hbm>> -> memref<32768x128xi32, #tpu.memory_space<hbm>>
    tpu.wait_indirect_dma semaphore(%arg7 : memref<!tpu.dma_semaphore, #tpu.memory_space<semaphore_mem>>) src(%dma_wait3A_437 : memref<32768x128xi32, #tpu.memory_space<hbm>>) dst(%dma_wait3A_434 : memref<16x128xi32, #tpu.memory_space<vmem>>)
    %dma_wait3A_438 = arith.constant 400 : i32
    %dma_wait3A_439 = arith.constant 0 : i32
    %dma_wait3A_440 = tpu.memref_slice %arg6[%dma_wait3A_438, %dma_wait3A_439] : memref<512x128xi32, #tpu.memory_space<vmem>> -> memref<16x128xi32, #tpu.memory_space<vmem>>
    %dma_wait3A_441 = arith.constant 0 : i32
    %dma_wait3A_442 = arith.constant 0 : i32
    %dma_wait3A_443 = tpu.memref_slice %arg3[%dma_wait3A_441, %dma_wait3A_442] : memref<32768x128xi32, #tpu.memory_space<hbm>> -> memref<32768x128xi32, #tpu.memory_space<hbm>>
    tpu.wait_indirect_dma semaphore(%arg7 : memref<!tpu.dma_semaphore, #tpu.memory_space<semaphore_mem>>) src(%dma_wait3A_443 : memref<32768x128xi32, #tpu.memory_space<hbm>>) dst(%dma_wait3A_440 : memref<16x128xi32, #tpu.memory_space<vmem>>)
    %dma_wait3A_444 = arith.constant 416 : i32
    %dma_wait3A_445 = arith.constant 0 : i32
    %dma_wait3A_446 = tpu.memref_slice %arg6[%dma_wait3A_444, %dma_wait3A_445] : memref<512x128xi32, #tpu.memory_space<vmem>> -> memref<16x128xi32, #tpu.memory_space<vmem>>
    %dma_wait3A_447 = arith.constant 0 : i32
    %dma_wait3A_448 = arith.constant 0 : i32
    %dma_wait3A_449 = tpu.memref_slice %arg3[%dma_wait3A_447, %dma_wait3A_448] : memref<32768x128xi32, #tpu.memory_space<hbm>> -> memref<32768x128xi32, #tpu.memory_space<hbm>>
    tpu.wait_indirect_dma semaphore(%arg7 : memref<!tpu.dma_semaphore, #tpu.memory_space<semaphore_mem>>) src(%dma_wait3A_449 : memref<32768x128xi32, #tpu.memory_space<hbm>>) dst(%dma_wait3A_446 : memref<16x128xi32, #tpu.memory_space<vmem>>)
    %dma_wait3A_450 = arith.constant 432 : i32
    %dma_wait3A_451 = arith.constant 0 : i32
    %dma_wait3A_452 = tpu.memref_slice %arg6[%dma_wait3A_450, %dma_wait3A_451] : memref<512x128xi32, #tpu.memory_space<vmem>> -> memref<16x128xi32, #tpu.memory_space<vmem>>
    %dma_wait3A_453 = arith.constant 0 : i32
    %dma_wait3A_454 = arith.constant 0 : i32
    %dma_wait3A_455 = tpu.memref_slice %arg3[%dma_wait3A_453, %dma_wait3A_454] : memref<32768x128xi32, #tpu.memory_space<hbm>> -> memref<32768x128xi32, #tpu.memory_space<hbm>>
    tpu.wait_indirect_dma semaphore(%arg7 : memref<!tpu.dma_semaphore, #tpu.memory_space<semaphore_mem>>) src(%dma_wait3A_455 : memref<32768x128xi32, #tpu.memory_space<hbm>>) dst(%dma_wait3A_452 : memref<16x128xi32, #tpu.memory_space<vmem>>)
    %dma_wait3A_456 = arith.constant 448 : i32
    %dma_wait3A_457 = arith.constant 0 : i32
    %dma_wait3A_458 = tpu.memref_slice %arg6[%dma_wait3A_456, %dma_wait3A_457] : memref<512x128xi32, #tpu.memory_space<vmem>> -> memref<16x128xi32, #tpu.memory_space<vmem>>
    %dma_wait3A_459 = arith.constant 0 : i32
    %dma_wait3A_460 = arith.constant 0 : i32
    %dma_wait3A_461 = tpu.memref_slice %arg3[%dma_wait3A_459, %dma_wait3A_460] : memref<32768x128xi32, #tpu.memory_space<hbm>> -> memref<32768x128xi32, #tpu.memory_space<hbm>>
    tpu.wait_indirect_dma semaphore(%arg7 : memref<!tpu.dma_semaphore, #tpu.memory_space<semaphore_mem>>) src(%dma_wait3A_461 : memref<32768x128xi32, #tpu.memory_space<hbm>>) dst(%dma_wait3A_458 : memref<16x128xi32, #tpu.memory_space<vmem>>)
    %dma_wait3A_462 = arith.constant 464 : i32
    %dma_wait3A_463 = arith.constant 0 : i32
    %dma_wait3A_464 = tpu.memref_slice %arg6[%dma_wait3A_462, %dma_wait3A_463] : memref<512x128xi32, #tpu.memory_space<vmem>> -> memref<16x128xi32, #tpu.memory_space<vmem>>
    %dma_wait3A_465 = arith.constant 0 : i32
    %dma_wait3A_466 = arith.constant 0 : i32
    %dma_wait3A_467 = tpu.memref_slice %arg3[%dma_wait3A_465, %dma_wait3A_466] : memref<32768x128xi32, #tpu.memory_space<hbm>> -> memref<32768x128xi32, #tpu.memory_space<hbm>>
    tpu.wait_indirect_dma semaphore(%arg7 : memref<!tpu.dma_semaphore, #tpu.memory_space<semaphore_mem>>) src(%dma_wait3A_467 : memref<32768x128xi32, #tpu.memory_space<hbm>>) dst(%dma_wait3A_464 : memref<16x128xi32, #tpu.memory_space<vmem>>)
    %dma_wait3A_468 = arith.constant 480 : i32
    %dma_wait3A_469 = arith.constant 0 : i32
    %dma_wait3A_470 = tpu.memref_slice %arg6[%dma_wait3A_468, %dma_wait3A_469] : memref<512x128xi32, #tpu.memory_space<vmem>> -> memref<16x128xi32, #tpu.memory_space<vmem>>
    %dma_wait3A_471 = arith.constant 0 : i32
    %dma_wait3A_472 = arith.constant 0 : i32
    %dma_wait3A_473 = tpu.memref_slice %arg3[%dma_wait3A_471, %dma_wait3A_472] : memref<32768x128xi32, #tpu.memory_space<hbm>> -> memref<32768x128xi32, #tpu.memory_space<hbm>>
    tpu.wait_indirect_dma semaphore(%arg7 : memref<!tpu.dma_semaphore, #tpu.memory_space<semaphore_mem>>) src(%dma_wait3A_473 : memref<32768x128xi32, #tpu.memory_space<hbm>>) dst(%dma_wait3A_470 : memref<16x128xi32, #tpu.memory_space<vmem>>)
    %dma_wait3A_474 = arith.constant 496 : i32
    %dma_wait3A_475 = arith.constant 0 : i32
    %dma_wait3A_476 = tpu.memref_slice %arg6[%dma_wait3A_474, %dma_wait3A_475] : memref<512x128xi32, #tpu.memory_space<vmem>> -> memref<16x128xi32, #tpu.memory_space<vmem>>
    %dma_wait3A_477 = arith.constant 0 : i32
    %dma_wait3A_478 = arith.constant 0 : i32
    %dma_wait3A_479 = tpu.memref_slice %arg3[%dma_wait3A_477, %dma_wait3A_478] : memref<32768x128xi32, #tpu.memory_space<hbm>> -> memref<32768x128xi32, #tpu.memory_space<hbm>>
    tpu.wait_indirect_dma semaphore(%arg7 : memref<!tpu.dma_semaphore, #tpu.memory_space<semaphore_mem>>) src(%dma_wait3A_479 : memref<32768x128xi32, #tpu.memory_space<hbm>>) dst(%dma_wait3A_476 : memref<16x128xi32, #tpu.memory_space<vmem>>)
    "tpu.region"() ({
      %run_scoped3A = tpu.sem_alloc : memref<!tpu.dma_semaphore, #tpu.memory_space<semaphore_mem>>
      %dma_start3A_480 = arith.constant 0 : i32
      %dma_start3A_481 = tpu.memref_slice %arg4[%mul3A_2, %dma_start3A_480] : memref<16384x128xi32, #tpu.memory_space<hbm>> -> memref<512x128xi32, #tpu.memory_space<hbm>>
      %dma_start3A_482 = arith.constant 0 : i32
      %dma_start3A_483 = tpu.memref_slice %arg4[%mul3A_2, %dma_start3A_482] : memref<16384x128xi32, #tpu.memory_space<hbm>> -> memref<512x128xi32, #tpu.memory_space<hbm>>
      tpu.enqueue_dma source(%arg6 : memref<512x128xi32, #tpu.memory_space<vmem>>) target(%dma_start3A_483 : memref<512x128xi32, #tpu.memory_space<hbm>>) target_semaphore(%run_scoped3A : memref<!tpu.dma_semaphore, #tpu.memory_space<semaphore_mem>>)
      %dma_wait3A_484 = arith.constant 0 : i32
      %dma_wait3A_485 = tpu.memref_slice %arg4[%mul3A_2, %dma_wait3A_484] : memref<16384x128xi32, #tpu.memory_space<hbm>> -> memref<512x128xi32, #tpu.memory_space<hbm>>
      %dma_wait3A_486 = arith.constant 0 : i32
      %dma_wait3A_487 = tpu.memref_slice %arg4[%mul3A_2, %dma_wait3A_486] : memref<16384x128xi32, #tpu.memory_space<hbm>> -> memref<512x128xi32, #tpu.memory_space<hbm>>
      tpu.wait_dma2 semaphore(%run_scoped3A : memref<!tpu.dma_semaphore, #tpu.memory_space<semaphore_mem>>) src(%arg6 : memref<512x128xi32, #tpu.memory_space<vmem>>) dst(%dma_wait3A_487 : memref<512x128xi32, #tpu.memory_space<hbm>>)
      tpu.yield
    }) : () -> ()
    return
  }
}

#map = affine_map<(d0, d1) -> (0)>
#map1 = affine_map<(d0, d1) -> (0, 0)>
module attributes {stable_mosaic.version = 14 : i64} {
  func.func @k(%arg0: i32, %arg1: i32, %arg2: memref<16384xi32, #tpu.memory_space<hbm>>, %arg3: memref<253952x128xi32, #tpu.memory_space<hbm>>, %arg4: memref<16384x128xi32, #tpu.memory_space<hbm>>, %arg5: memref<512xi32, #tpu.memory_space<vmem>>, %arg6: memref<512x128xi32, #tpu.memory_space<vmem>>, %arg7: memref<!tpu.dma_semaphore, #tpu.memory_space<semaphore_mem>>) attributes {dimension_semantics = [#tpu.dimension_semantics<core_parallel>, #tpu.dimension_semantics<subcore_parallel>], iteration_bounds = array<i64: 2, 16>, scalar_prefetch = 0 : i64, scratch_operands = 3 : i64, tpu.core_type = #tpu.core_type<sc_vector_subcore>, window_params = [{transform_indices = #map}, {transform_indices = #map1}, {transform_indices = #map1}]} {
    %mul3A = arith.constant 2 : i32
    %mul3A_0 = arith.muli %arg1, %mul3A : i32
    %add3A = arith.addi %mul3A_0, %arg0 : i32
    %mul3A_1 = arith.constant 512 : i32
    %mul3A_2 = arith.muli %add3A, %mul3A_1 : i32
    "tpu.region"() ({
      %run_scoped3A = tpu.sem_alloc : memref<!tpu.dma_semaphore, #tpu.memory_space<semaphore_mem>>
      %dma_start3A_480 = tpu.memref_slice %arg2[%mul3A_2] : memref<16384xi32, #tpu.memory_space<hbm>> -> memref<512xi32, #tpu.memory_space<hbm>>
      %dma_start3A_481 = tpu.memref_slice %arg2[%mul3A_2] : memref<16384xi32, #tpu.memory_space<hbm>> -> memref<512xi32, #tpu.memory_space<hbm>>
      tpu.enqueue_dma source(%dma_start3A_481 : memref<512xi32, #tpu.memory_space<hbm>>) target(%arg5 : memref<512xi32, #tpu.memory_space<vmem>>) target_semaphore(%run_scoped3A : memref<!tpu.dma_semaphore, #tpu.memory_space<semaphore_mem>>)
      %dma_wait3A_482 = tpu.memref_slice %arg2[%mul3A_2] : memref<16384xi32, #tpu.memory_space<hbm>> -> memref<512xi32, #tpu.memory_space<hbm>>
      %dma_wait3A_483 = tpu.memref_slice %arg2[%mul3A_2] : memref<16384xi32, #tpu.memory_space<hbm>> -> memref<512xi32, #tpu.memory_space<hbm>>
      tpu.wait_dma2 semaphore(%run_scoped3A : memref<!tpu.dma_semaphore, #tpu.memory_space<semaphore_mem>>) src(%dma_wait3A_483 : memref<512xi32, #tpu.memory_space<hbm>>) dst(%arg5 : memref<512xi32, #tpu.memory_space<vmem>>)
      tpu.yield
    }) : () -> ()
    %get3A = arith.constant 0 : index
    %get3A_3 = tpu.vector_load %arg5[%get3A] {strides = array<i32>} : memref<512xi32, #tpu.memory_space<vmem>>, vector<16xi32>,
    %get3A_4 = vector.shape_cast %get3A_3 : vector<16xi32> to vector<16xi32>
    %dma_start3A = arith.constant 0 : i32
    %dma_start3A_5 = arith.constant 0 : i32
    %dma_start3A_6 = tpu.memref_slice %arg6[%dma_start3A, %dma_start3A_5] : memref<512x128xi32, #tpu.memory_space<vmem>> -> memref<16x128xi32, #tpu.memory_space<vmem>>
    %dma_start3A_7 = arith.constant 0 : i32
    %dma_start3A_8 = arith.constant 0 : i32
    %dma_start3A_9 = tpu.memref_slice %arg3[%dma_start3A_7, %dma_start3A_8] : memref<253952x128xi32, #tpu.memory_space<hbm>> -> memref<253952x128xi32, #tpu.memory_space<hbm>>
    tpu.enqueue_indirect_dma source(%dma_start3A_9 : memref<253952x128xi32, #tpu.memory_space<hbm>>) target(%dma_start3A_6 : memref<16x128xi32, #tpu.memory_space<vmem>>) offsets(%get3A_4 : vector<16xi32>) semaphore(%arg7 : memref<!tpu.dma_semaphore, #tpu.memory_space<semaphore_mem>>)
    %get3A_10 = arith.constant 16 : index
    %get3A_11 = tpu.vector_load %arg5[%get3A_10] {strides = array<i32>} : memref<512xi32, #tpu.memory_space<vmem>>, vector<16xi32>,
    %get3A_12 = vector.shape_cast %get3A_11 : vector<16xi32> to vector<16xi32>
    %dma_start3A_13 = arith.constant 16 : i32
    %dma_start3A_14 = arith.constant 0 : i32
    %dma_start3A_15 = tpu.memref_slice %arg6[%dma_start3A_13, %dma_start3A_14] : memref<512x128xi32, #tpu.memory_space<vmem>> -> memref<16x128xi32, #tpu.memory_space<vmem>>
    %dma_start3A_16 = arith.constant 0 : i32
    %dma_start3A_17 = arith.constant 0 : i32
    %dma_start3A_18 = tpu.memref_slice %arg3[%dma_start3A_16, %dma_start3A_17] : memref<253952x128xi32, #tpu.memory_space<hbm>> -> memref<253952x128xi32, #tpu.memory_space<hbm>>
    tpu.enqueue_indirect_dma source(%dma_start3A_18 : memref<253952x128xi32, #tpu.memory_space<hbm>>) target(%dma_start3A_15 : memref<16x128xi32, #tpu.memory_space<vmem>>) offsets(%get3A_12 : vector<16xi32>) semaphore(%arg7 : memref<!tpu.dma_semaphore, #tpu.memory_space<semaphore_mem>>)
    %get3A_19 = arith.constant 32 : index
    %get3A_20 = tpu.vector_load %arg5[%get3A_19] {strides = array<i32>} : memref<512xi32, #tpu.memory_space<vmem>>, vector<16xi32>,
    %get3A_21 = vector.shape_cast %get3A_20 : vector<16xi32> to vector<16xi32>
    %dma_start3A_22 = arith.constant 32 : i32
    %dma_start3A_23 = arith.constant 0 : i32
    %dma_start3A_24 = tpu.memref_slice %arg6[%dma_start3A_22, %dma_start3A_23] : memref<512x128xi32, #tpu.memory_space<vmem>> -> memref<16x128xi32, #tpu.memory_space<vmem>>
    %dma_start3A_25 = arith.constant 0 : i32
    %dma_start3A_26 = arith.constant 0 : i32
    %dma_start3A_27 = tpu.memref_slice %arg3[%dma_start3A_25, %dma_start3A_26] : memref<253952x128xi32, #tpu.memory_space<hbm>> -> memref<253952x128xi32, #tpu.memory_space<hbm>>
    tpu.enqueue_indirect_dma source(%dma_start3A_27 : memref<253952x128xi32, #tpu.memory_space<hbm>>) target(%dma_start3A_24 : memref<16x128xi32, #tpu.memory_space<vmem>>) offsets(%get3A_21 : vector<16xi32>) semaphore(%arg7 : memref<!tpu.dma_semaphore, #tpu.memory_space<semaphore_mem>>)
    %get3A_28 = arith.constant 48 : index
    %get3A_29 = tpu.vector_load %arg5[%get3A_28] {strides = array<i32>} : memref<512xi32, #tpu.memory_space<vmem>>, vector<16xi32>,
    %get3A_30 = vector.shape_cast %get3A_29 : vector<16xi32> to vector<16xi32>
    %dma_start3A_31 = arith.constant 48 : i32
    %dma_start3A_32 = arith.constant 0 : i32
    %dma_start3A_33 = tpu.memref_slice %arg6[%dma_start3A_31, %dma_start3A_32] : memref<512x128xi32, #tpu.memory_space<vmem>> -> memref<16x128xi32, #tpu.memory_space<vmem>>
    %dma_start3A_34 = arith.constant 0 : i32
    %dma_start3A_35 = arith.constant 0 : i32
    %dma_start3A_36 = tpu.memref_slice %arg3[%dma_start3A_34, %dma_start3A_35] : memref<253952x128xi32, #tpu.memory_space<hbm>> -> memref<253952x128xi32, #tpu.memory_space<hbm>>
    tpu.enqueue_indirect_dma source(%dma_start3A_36 : memref<253952x128xi32, #tpu.memory_space<hbm>>) target(%dma_start3A_33 : memref<16x128xi32, #tpu.memory_space<vmem>>) offsets(%get3A_30 : vector<16xi32>) semaphore(%arg7 : memref<!tpu.dma_semaphore, #tpu.memory_space<semaphore_mem>>)
    %get3A_37 = arith.constant 64 : index
    %get3A_38 = tpu.vector_load %arg5[%get3A_37] {strides = array<i32>} : memref<512xi32, #tpu.memory_space<vmem>>, vector<16xi32>,
    %get3A_39 = vector.shape_cast %get3A_38 : vector<16xi32> to vector<16xi32>
    %dma_start3A_40 = arith.constant 64 : i32
    %dma_start3A_41 = arith.constant 0 : i32
    %dma_start3A_42 = tpu.memref_slice %arg6[%dma_start3A_40, %dma_start3A_41] : memref<512x128xi32, #tpu.memory_space<vmem>> -> memref<16x128xi32, #tpu.memory_space<vmem>>
    %dma_start3A_43 = arith.constant 0 : i32
    %dma_start3A_44 = arith.constant 0 : i32
    %dma_start3A_45 = tpu.memref_slice %arg3[%dma_start3A_43, %dma_start3A_44] : memref<253952x128xi32, #tpu.memory_space<hbm>> -> memref<253952x128xi32, #tpu.memory_space<hbm>>
    tpu.enqueue_indirect_dma source(%dma_start3A_45 : memref<253952x128xi32, #tpu.memory_space<hbm>>) target(%dma_start3A_42 : memref<16x128xi32, #tpu.memory_space<vmem>>) offsets(%get3A_39 : vector<16xi32>) semaphore(%arg7 : memref<!tpu.dma_semaphore, #tpu.memory_space<semaphore_mem>>)
    %get3A_46 = arith.constant 80 : index
    %get3A_47 = tpu.vector_load %arg5[%get3A_46] {strides = array<i32>} : memref<512xi32, #tpu.memory_space<vmem>>, vector<16xi32>,
    %get3A_48 = vector.shape_cast %get3A_47 : vector<16xi32> to vector<16xi32>
    %dma_start3A_49 = arith.constant 80 : i32
    %dma_start3A_50 = arith.constant 0 : i32
    %dma_start3A_51 = tpu.memref_slice %arg6[%dma_start3A_49, %dma_start3A_50] : memref<512x128xi32, #tpu.memory_space<vmem>> -> memref<16x128xi32, #tpu.memory_space<vmem>>
    %dma_start3A_52 = arith.constant 0 : i32
    %dma_start3A_53 = arith.constant 0 : i32
    %dma_start3A_54 = tpu.memref_slice %arg3[%dma_start3A_52, %dma_start3A_53] : memref<253952x128xi32, #tpu.memory_space<hbm>> -> memref<253952x128xi32, #tpu.memory_space<hbm>>
    tpu.enqueue_indirect_dma source(%dma_start3A_54 : memref<253952x128xi32, #tpu.memory_space<hbm>>) target(%dma_start3A_51 : memref<16x128xi32, #tpu.memory_space<vmem>>) offsets(%get3A_48 : vector<16xi32>) semaphore(%arg7 : memref<!tpu.dma_semaphore, #tpu.memory_space<semaphore_mem>>)
    %get3A_55 = arith.constant 96 : index
    %get3A_56 = tpu.vector_load %arg5[%get3A_55] {strides = array<i32>} : memref<512xi32, #tpu.memory_space<vmem>>, vector<16xi32>,
    %get3A_57 = vector.shape_cast %get3A_56 : vector<16xi32> to vector<16xi32>
    %dma_start3A_58 = arith.constant 96 : i32
    %dma_start3A_59 = arith.constant 0 : i32
    %dma_start3A_60 = tpu.memref_slice %arg6[%dma_start3A_58, %dma_start3A_59] : memref<512x128xi32, #tpu.memory_space<vmem>> -> memref<16x128xi32, #tpu.memory_space<vmem>>
    %dma_start3A_61 = arith.constant 0 : i32
    %dma_start3A_62 = arith.constant 0 : i32
    %dma_start3A_63 = tpu.memref_slice %arg3[%dma_start3A_61, %dma_start3A_62] : memref<253952x128xi32, #tpu.memory_space<hbm>> -> memref<253952x128xi32, #tpu.memory_space<hbm>>
    tpu.enqueue_indirect_dma source(%dma_start3A_63 : memref<253952x128xi32, #tpu.memory_space<hbm>>) target(%dma_start3A_60 : memref<16x128xi32, #tpu.memory_space<vmem>>) offsets(%get3A_57 : vector<16xi32>) semaphore(%arg7 : memref<!tpu.dma_semaphore, #tpu.memory_space<semaphore_mem>>)
    %get3A_64 = arith.constant 112 : index
    %get3A_65 = tpu.vector_load %arg5[%get3A_64] {strides = array<i32>} : memref<512xi32, #tpu.memory_space<vmem>>, vector<16xi32>,
    %get3A_66 = vector.shape_cast %get3A_65 : vector<16xi32> to vector<16xi32>
    %dma_start3A_67 = arith.constant 112 : i32
    %dma_start3A_68 = arith.constant 0 : i32
    %dma_start3A_69 = tpu.memref_slice %arg6[%dma_start3A_67, %dma_start3A_68] : memref<512x128xi32, #tpu.memory_space<vmem>> -> memref<16x128xi32, #tpu.memory_space<vmem>>
    %dma_start3A_70 = arith.constant 0 : i32
    %dma_start3A_71 = arith.constant 0 : i32
    %dma_start3A_72 = tpu.memref_slice %arg3[%dma_start3A_70, %dma_start3A_71] : memref<253952x128xi32, #tpu.memory_space<hbm>> -> memref<253952x128xi32, #tpu.memory_space<hbm>>
    tpu.enqueue_indirect_dma source(%dma_start3A_72 : memref<253952x128xi32, #tpu.memory_space<hbm>>) target(%dma_start3A_69 : memref<16x128xi32, #tpu.memory_space<vmem>>) offsets(%get3A_66 : vector<16xi32>) semaphore(%arg7 : memref<!tpu.dma_semaphore, #tpu.memory_space<semaphore_mem>>)
    %get3A_73 = arith.constant 128 : index
    %get3A_74 = tpu.vector_load %arg5[%get3A_73] {strides = array<i32>} : memref<512xi32, #tpu.memory_space<vmem>>, vector<16xi32>,
    %get3A_75 = vector.shape_cast %get3A_74 : vector<16xi32> to vector<16xi32>
    %dma_start3A_76 = arith.constant 128 : i32
    %dma_start3A_77 = arith.constant 0 : i32
    %dma_start3A_78 = tpu.memref_slice %arg6[%dma_start3A_76, %dma_start3A_77] : memref<512x128xi32, #tpu.memory_space<vmem>> -> memref<16x128xi32, #tpu.memory_space<vmem>>
    %dma_start3A_79 = arith.constant 0 : i32
    %dma_start3A_80 = arith.constant 0 : i32
    %dma_start3A_81 = tpu.memref_slice %arg3[%dma_start3A_79, %dma_start3A_80] : memref<253952x128xi32, #tpu.memory_space<hbm>> -> memref<253952x128xi32, #tpu.memory_space<hbm>>
    tpu.enqueue_indirect_dma source(%dma_start3A_81 : memref<253952x128xi32, #tpu.memory_space<hbm>>) target(%dma_start3A_78 : memref<16x128xi32, #tpu.memory_space<vmem>>) offsets(%get3A_75 : vector<16xi32>) semaphore(%arg7 : memref<!tpu.dma_semaphore, #tpu.memory_space<semaphore_mem>>)
    %get3A_82 = arith.constant 144 : index
    %get3A_83 = tpu.vector_load %arg5[%get3A_82] {strides = array<i32>} : memref<512xi32, #tpu.memory_space<vmem>>, vector<16xi32>,
    %get3A_84 = vector.shape_cast %get3A_83 : vector<16xi32> to vector<16xi32>
    %dma_start3A_85 = arith.constant 144 : i32
    %dma_start3A_86 = arith.constant 0 : i32
    %dma_start3A_87 = tpu.memref_slice %arg6[%dma_start3A_85, %dma_start3A_86] : memref<512x128xi32, #tpu.memory_space<vmem>> -> memref<16x128xi32, #tpu.memory_space<vmem>>
    %dma_start3A_88 = arith.constant 0 : i32
    %dma_start3A_89 = arith.constant 0 : i32
    %dma_start3A_90 = tpu.memref_slice %arg3[%dma_start3A_88, %dma_start3A_89] : memref<253952x128xi32, #tpu.memory_space<hbm>> -> memref<253952x128xi32, #tpu.memory_space<hbm>>
    tpu.enqueue_indirect_dma source(%dma_start3A_90 : memref<253952x128xi32, #tpu.memory_space<hbm>>) target(%dma_start3A_87 : memref<16x128xi32, #tpu.memory_space<vmem>>) offsets(%get3A_84 : vector<16xi32>) semaphore(%arg7 : memref<!tpu.dma_semaphore, #tpu.memory_space<semaphore_mem>>)
    %get3A_91 = arith.constant 160 : index
    %get3A_92 = tpu.vector_load %arg5[%get3A_91] {strides = array<i32>} : memref<512xi32, #tpu.memory_space<vmem>>, vector<16xi32>,
    %get3A_93 = vector.shape_cast %get3A_92 : vector<16xi32> to vector<16xi32>
    %dma_start3A_94 = arith.constant 160 : i32
    %dma_start3A_95 = arith.constant 0 : i32
    %dma_start3A_96 = tpu.memref_slice %arg6[%dma_start3A_94, %dma_start3A_95] : memref<512x128xi32, #tpu.memory_space<vmem>> -> memref<16x128xi32, #tpu.memory_space<vmem>>
    %dma_start3A_97 = arith.constant 0 : i32
    %dma_start3A_98 = arith.constant 0 : i32
    %dma_start3A_99 = tpu.memref_slice %arg3[%dma_start3A_97, %dma_start3A_98] : memref<253952x128xi32, #tpu.memory_space<hbm>> -> memref<253952x128xi32, #tpu.memory_space<hbm>>
    tpu.enqueue_indirect_dma source(%dma_start3A_99 : memref<253952x128xi32, #tpu.memory_space<hbm>>) target(%dma_start3A_96 : memref<16x128xi32, #tpu.memory_space<vmem>>) offsets(%get3A_93 : vector<16xi32>) semaphore(%arg7 : memref<!tpu.dma_semaphore, #tpu.memory_space<semaphore_mem>>)
    %get3A_100 = arith.constant 176 : index
    %get3A_101 = tpu.vector_load %arg5[%get3A_100] {strides = array<i32>} : memref<512xi32, #tpu.memory_space<vmem>>, vector<16xi32>,
    %get3A_102 = vector.shape_cast %get3A_101 : vector<16xi32> to vector<16xi32>
    %dma_start3A_103 = arith.constant 176 : i32
    %dma_start3A_104 = arith.constant 0 : i32
    %dma_start3A_105 = tpu.memref_slice %arg6[%dma_start3A_103, %dma_start3A_104] : memref<512x128xi32, #tpu.memory_space<vmem>> -> memref<16x128xi32, #tpu.memory_space<vmem>>
    %dma_start3A_106 = arith.constant 0 : i32
    %dma_start3A_107 = arith.constant 0 : i32
    %dma_start3A_108 = tpu.memref_slice %arg3[%dma_start3A_106, %dma_start3A_107] : memref<253952x128xi32, #tpu.memory_space<hbm>> -> memref<253952x128xi32, #tpu.memory_space<hbm>>
    tpu.enqueue_indirect_dma source(%dma_start3A_108 : memref<253952x128xi32, #tpu.memory_space<hbm>>) target(%dma_start3A_105 : memref<16x128xi32, #tpu.memory_space<vmem>>) offsets(%get3A_102 : vector<16xi32>) semaphore(%arg7 : memref<!tpu.dma_semaphore, #tpu.memory_space<semaphore_mem>>)
    %get3A_109 = arith.constant 192 : index
    %get3A_110 = tpu.vector_load %arg5[%get3A_109] {strides = array<i32>} : memref<512xi32, #tpu.memory_space<vmem>>, vector<16xi32>,
    %get3A_111 = vector.shape_cast %get3A_110 : vector<16xi32> to vector<16xi32>
    %dma_start3A_112 = arith.constant 192 : i32
    %dma_start3A_113 = arith.constant 0 : i32
    %dma_start3A_114 = tpu.memref_slice %arg6[%dma_start3A_112, %dma_start3A_113] : memref<512x128xi32, #tpu.memory_space<vmem>> -> memref<16x128xi32, #tpu.memory_space<vmem>>
    %dma_start3A_115 = arith.constant 0 : i32
    %dma_start3A_116 = arith.constant 0 : i32
    %dma_start3A_117 = tpu.memref_slice %arg3[%dma_start3A_115, %dma_start3A_116] : memref<253952x128xi32, #tpu.memory_space<hbm>> -> memref<253952x128xi32, #tpu.memory_space<hbm>>
    tpu.enqueue_indirect_dma source(%dma_start3A_117 : memref<253952x128xi32, #tpu.memory_space<hbm>>) target(%dma_start3A_114 : memref<16x128xi32, #tpu.memory_space<vmem>>) offsets(%get3A_111 : vector<16xi32>) semaphore(%arg7 : memref<!tpu.dma_semaphore, #tpu.memory_space<semaphore_mem>>)
    %get3A_118 = arith.constant 208 : index
    %get3A_119 = tpu.vector_load %arg5[%get3A_118] {strides = array<i32>} : memref<512xi32, #tpu.memory_space<vmem>>, vector<16xi32>,
    %get3A_120 = vector.shape_cast %get3A_119 : vector<16xi32> to vector<16xi32>
    %dma_start3A_121 = arith.constant 208 : i32
    %dma_start3A_122 = arith.constant 0 : i32
    %dma_start3A_123 = tpu.memref_slice %arg6[%dma_start3A_121, %dma_start3A_122] : memref<512x128xi32, #tpu.memory_space<vmem>> -> memref<16x128xi32, #tpu.memory_space<vmem>>
    %dma_start3A_124 = arith.constant 0 : i32
    %dma_start3A_125 = arith.constant 0 : i32
    %dma_start3A_126 = tpu.memref_slice %arg3[%dma_start3A_124, %dma_start3A_125] : memref<253952x128xi32, #tpu.memory_space<hbm>> -> memref<253952x128xi32, #tpu.memory_space<hbm>>
    tpu.enqueue_indirect_dma source(%dma_start3A_126 : memref<253952x128xi32, #tpu.memory_space<hbm>>) target(%dma_start3A_123 : memref<16x128xi32, #tpu.memory_space<vmem>>) offsets(%get3A_120 : vector<16xi32>) semaphore(%arg7 : memref<!tpu.dma_semaphore, #tpu.memory_space<semaphore_mem>>)
    %get3A_127 = arith.constant 224 : index
    %get3A_128 = tpu.vector_load %arg5[%get3A_127] {strides = array<i32>} : memref<512xi32, #tpu.memory_space<vmem>>, vector<16xi32>,
    %get3A_129 = vector.shape_cast %get3A_128 : vector<16xi32> to vector<16xi32>
    %dma_start3A_130 = arith.constant 224 : i32
    %dma_start3A_131 = arith.constant 0 : i32
    %dma_start3A_132 = tpu.memref_slice %arg6[%dma_start3A_130, %dma_start3A_131] : memref<512x128xi32, #tpu.memory_space<vmem>> -> memref<16x128xi32, #tpu.memory_space<vmem>>
    %dma_start3A_133 = arith.constant 0 : i32
    %dma_start3A_134 = arith.constant 0 : i32
    %dma_start3A_135 = tpu.memref_slice %arg3[%dma_start3A_133, %dma_start3A_134] : memref<253952x128xi32, #tpu.memory_space<hbm>> -> memref<253952x128xi32, #tpu.memory_space<hbm>>
    tpu.enqueue_indirect_dma source(%dma_start3A_135 : memref<253952x128xi32, #tpu.memory_space<hbm>>) target(%dma_start3A_132 : memref<16x128xi32, #tpu.memory_space<vmem>>) offsets(%get3A_129 : vector<16xi32>) semaphore(%arg7 : memref<!tpu.dma_semaphore, #tpu.memory_space<semaphore_mem>>)
    %get3A_136 = arith.constant 240 : index
    %get3A_137 = tpu.vector_load %arg5[%get3A_136] {strides = array<i32>} : memref<512xi32, #tpu.memory_space<vmem>>, vector<16xi32>,
    %get3A_138 = vector.shape_cast %get3A_137 : vector<16xi32> to vector<16xi32>
    %dma_start3A_139 = arith.constant 240 : i32
    %dma_start3A_140 = arith.constant 0 : i32
    %dma_start3A_141 = tpu.memref_slice %arg6[%dma_start3A_139, %dma_start3A_140] : memref<512x128xi32, #tpu.memory_space<vmem>> -> memref<16x128xi32, #tpu.memory_space<vmem>>
    %dma_start3A_142 = arith.constant 0 : i32
    %dma_start3A_143 = arith.constant 0 : i32
    %dma_start3A_144 = tpu.memref_slice %arg3[%dma_start3A_142, %dma_start3A_143] : memref<253952x128xi32, #tpu.memory_space<hbm>> -> memref<253952x128xi32, #tpu.memory_space<hbm>>
    tpu.enqueue_indirect_dma source(%dma_start3A_144 : memref<253952x128xi32, #tpu.memory_space<hbm>>) target(%dma_start3A_141 : memref<16x128xi32, #tpu.memory_space<vmem>>) offsets(%get3A_138 : vector<16xi32>) semaphore(%arg7 : memref<!tpu.dma_semaphore, #tpu.memory_space<semaphore_mem>>)
    %get3A_145 = arith.constant 256 : index
    %get3A_146 = tpu.vector_load %arg5[%get3A_145] {strides = array<i32>} : memref<512xi32, #tpu.memory_space<vmem>>, vector<16xi32>,
    %get3A_147 = vector.shape_cast %get3A_146 : vector<16xi32> to vector<16xi32>
    %dma_start3A_148 = arith.constant 256 : i32
    %dma_start3A_149 = arith.constant 0 : i32
    %dma_start3A_150 = tpu.memref_slice %arg6[%dma_start3A_148, %dma_start3A_149] : memref<512x128xi32, #tpu.memory_space<vmem>> -> memref<16x128xi32, #tpu.memory_space<vmem>>
    %dma_start3A_151 = arith.constant 0 : i32
    %dma_start3A_152 = arith.constant 0 : i32
    %dma_start3A_153 = tpu.memref_slice %arg3[%dma_start3A_151, %dma_start3A_152] : memref<253952x128xi32, #tpu.memory_space<hbm>> -> memref<253952x128xi32, #tpu.memory_space<hbm>>
    tpu.enqueue_indirect_dma source(%dma_start3A_153 : memref<253952x128xi32, #tpu.memory_space<hbm>>) target(%dma_start3A_150 : memref<16x128xi32, #tpu.memory_space<vmem>>) offsets(%get3A_147 : vector<16xi32>) semaphore(%arg7 : memref<!tpu.dma_semaphore, #tpu.memory_space<semaphore_mem>>)
    %get3A_154 = arith.constant 272 : index
    %get3A_155 = tpu.vector_load %arg5[%get3A_154] {strides = array<i32>} : memref<512xi32, #tpu.memory_space<vmem>>, vector<16xi32>,
    %get3A_156 = vector.shape_cast %get3A_155 : vector<16xi32> to vector<16xi32>
    %dma_start3A_157 = arith.constant 272 : i32
    %dma_start3A_158 = arith.constant 0 : i32
    %dma_start3A_159 = tpu.memref_slice %arg6[%dma_start3A_157, %dma_start3A_158] : memref<512x128xi32, #tpu.memory_space<vmem>> -> memref<16x128xi32, #tpu.memory_space<vmem>>
    %dma_start3A_160 = arith.constant 0 : i32
    %dma_start3A_161 = arith.constant 0 : i32
    %dma_start3A_162 = tpu.memref_slice %arg3[%dma_start3A_160, %dma_start3A_161] : memref<253952x128xi32, #tpu.memory_space<hbm>> -> memref<253952x128xi32, #tpu.memory_space<hbm>>
    tpu.enqueue_indirect_dma source(%dma_start3A_162 : memref<253952x128xi32, #tpu.memory_space<hbm>>) target(%dma_start3A_159 : memref<16x128xi32, #tpu.memory_space<vmem>>) offsets(%get3A_156 : vector<16xi32>) semaphore(%arg7 : memref<!tpu.dma_semaphore, #tpu.memory_space<semaphore_mem>>)
    %get3A_163 = arith.constant 288 : index
    %get3A_164 = tpu.vector_load %arg5[%get3A_163] {strides = array<i32>} : memref<512xi32, #tpu.memory_space<vmem>>, vector<16xi32>,
    %get3A_165 = vector.shape_cast %get3A_164 : vector<16xi32> to vector<16xi32>
    %dma_start3A_166 = arith.constant 288 : i32
    %dma_start3A_167 = arith.constant 0 : i32
    %dma_start3A_168 = tpu.memref_slice %arg6[%dma_start3A_166, %dma_start3A_167] : memref<512x128xi32, #tpu.memory_space<vmem>> -> memref<16x128xi32, #tpu.memory_space<vmem>>
    %dma_start3A_169 = arith.constant 0 : i32
    %dma_start3A_170 = arith.constant 0 : i32
    %dma_start3A_171 = tpu.memref_slice %arg3[%dma_start3A_169, %dma_start3A_170] : memref<253952x128xi32, #tpu.memory_space<hbm>> -> memref<253952x128xi32, #tpu.memory_space<hbm>>
    tpu.enqueue_indirect_dma source(%dma_start3A_171 : memref<253952x128xi32, #tpu.memory_space<hbm>>) target(%dma_start3A_168 : memref<16x128xi32, #tpu.memory_space<vmem>>) offsets(%get3A_165 : vector<16xi32>) semaphore(%arg7 : memref<!tpu.dma_semaphore, #tpu.memory_space<semaphore_mem>>)
    %get3A_172 = arith.constant 304 : index
    %get3A_173 = tpu.vector_load %arg5[%get3A_172] {strides = array<i32>} : memref<512xi32, #tpu.memory_space<vmem>>, vector<16xi32>,
    %get3A_174 = vector.shape_cast %get3A_173 : vector<16xi32> to vector<16xi32>
    %dma_start3A_175 = arith.constant 304 : i32
    %dma_start3A_176 = arith.constant 0 : i32
    %dma_start3A_177 = tpu.memref_slice %arg6[%dma_start3A_175, %dma_start3A_176] : memref<512x128xi32, #tpu.memory_space<vmem>> -> memref<16x128xi32, #tpu.memory_space<vmem>>
    %dma_start3A_178 = arith.constant 0 : i32
    %dma_start3A_179 = arith.constant 0 : i32
    %dma_start3A_180 = tpu.memref_slice %arg3[%dma_start3A_178, %dma_start3A_179] : memref<253952x128xi32, #tpu.memory_space<hbm>> -> memref<253952x128xi32, #tpu.memory_space<hbm>>
    tpu.enqueue_indirect_dma source(%dma_start3A_180 : memref<253952x128xi32, #tpu.memory_space<hbm>>) target(%dma_start3A_177 : memref<16x128xi32, #tpu.memory_space<vmem>>) offsets(%get3A_174 : vector<16xi32>) semaphore(%arg7 : memref<!tpu.dma_semaphore, #tpu.memory_space<semaphore_mem>>)
    %get3A_181 = arith.constant 320 : index
    %get3A_182 = tpu.vector_load %arg5[%get3A_181] {strides = array<i32>} : memref<512xi32, #tpu.memory_space<vmem>>, vector<16xi32>,
    %get3A_183 = vector.shape_cast %get3A_182 : vector<16xi32> to vector<16xi32>
    %dma_start3A_184 = arith.constant 320 : i32
    %dma_start3A_185 = arith.constant 0 : i32
    %dma_start3A_186 = tpu.memref_slice %arg6[%dma_start3A_184, %dma_start3A_185] : memref<512x128xi32, #tpu.memory_space<vmem>> -> memref<16x128xi32, #tpu.memory_space<vmem>>
    %dma_start3A_187 = arith.constant 0 : i32
    %dma_start3A_188 = arith.constant 0 : i32
    %dma_start3A_189 = tpu.memref_slice %arg3[%dma_start3A_187, %dma_start3A_188] : memref<253952x128xi32, #tpu.memory_space<hbm>> -> memref<253952x128xi32, #tpu.memory_space<hbm>>
    tpu.enqueue_indirect_dma source(%dma_start3A_189 : memref<253952x128xi32, #tpu.memory_space<hbm>>) target(%dma_start3A_186 : memref<16x128xi32, #tpu.memory_space<vmem>>) offsets(%get3A_183 : vector<16xi32>) semaphore(%arg7 : memref<!tpu.dma_semaphore, #tpu.memory_space<semaphore_mem>>)
    %get3A_190 = arith.constant 336 : index
    %get3A_191 = tpu.vector_load %arg5[%get3A_190] {strides = array<i32>} : memref<512xi32, #tpu.memory_space<vmem>>, vector<16xi32>,
    %get3A_192 = vector.shape_cast %get3A_191 : vector<16xi32> to vector<16xi32>
    %dma_start3A_193 = arith.constant 336 : i32
    %dma_start3A_194 = arith.constant 0 : i32
    %dma_start3A_195 = tpu.memref_slice %arg6[%dma_start3A_193, %dma_start3A_194] : memref<512x128xi32, #tpu.memory_space<vmem>> -> memref<16x128xi32, #tpu.memory_space<vmem>>
    %dma_start3A_196 = arith.constant 0 : i32
    %dma_start3A_197 = arith.constant 0 : i32
    %dma_start3A_198 = tpu.memref_slice %arg3[%dma_start3A_196, %dma_start3A_197] : memref<253952x128xi32, #tpu.memory_space<hbm>> -> memref<253952x128xi32, #tpu.memory_space<hbm>>
    tpu.enqueue_indirect_dma source(%dma_start3A_198 : memref<253952x128xi32, #tpu.memory_space<hbm>>) target(%dma_start3A_195 : memref<16x128xi32, #tpu.memory_space<vmem>>) offsets(%get3A_192 : vector<16xi32>) semaphore(%arg7 : memref<!tpu.dma_semaphore, #tpu.memory_space<semaphore_mem>>)
    %get3A_199 = arith.constant 352 : index
    %get3A_200 = tpu.vector_load %arg5[%get3A_199] {strides = array<i32>} : memref<512xi32, #tpu.memory_space<vmem>>, vector<16xi32>,
    %get3A_201 = vector.shape_cast %get3A_200 : vector<16xi32> to vector<16xi32>
    %dma_start3A_202 = arith.constant 352 : i32
    %dma_start3A_203 = arith.constant 0 : i32
    %dma_start3A_204 = tpu.memref_slice %arg6[%dma_start3A_202, %dma_start3A_203] : memref<512x128xi32, #tpu.memory_space<vmem>> -> memref<16x128xi32, #tpu.memory_space<vmem>>
    %dma_start3A_205 = arith.constant 0 : i32
    %dma_start3A_206 = arith.constant 0 : i32
    %dma_start3A_207 = tpu.memref_slice %arg3[%dma_start3A_205, %dma_start3A_206] : memref<253952x128xi32, #tpu.memory_space<hbm>> -> memref<253952x128xi32, #tpu.memory_space<hbm>>
    tpu.enqueue_indirect_dma source(%dma_start3A_207 : memref<253952x128xi32, #tpu.memory_space<hbm>>) target(%dma_start3A_204 : memref<16x128xi32, #tpu.memory_space<vmem>>) offsets(%get3A_201 : vector<16xi32>) semaphore(%arg7 : memref<!tpu.dma_semaphore, #tpu.memory_space<semaphore_mem>>)
    %get3A_208 = arith.constant 368 : index
    %get3A_209 = tpu.vector_load %arg5[%get3A_208] {strides = array<i32>} : memref<512xi32, #tpu.memory_space<vmem>>, vector<16xi32>,
    %get3A_210 = vector.shape_cast %get3A_209 : vector<16xi32> to vector<16xi32>
    %dma_start3A_211 = arith.constant 368 : i32
    %dma_start3A_212 = arith.constant 0 : i32
    %dma_start3A_213 = tpu.memref_slice %arg6[%dma_start3A_211, %dma_start3A_212] : memref<512x128xi32, #tpu.memory_space<vmem>> -> memref<16x128xi32, #tpu.memory_space<vmem>>
    %dma_start3A_214 = arith.constant 0 : i32
    %dma_start3A_215 = arith.constant 0 : i32
    %dma_start3A_216 = tpu.memref_slice %arg3[%dma_start3A_214, %dma_start3A_215] : memref<253952x128xi32, #tpu.memory_space<hbm>> -> memref<253952x128xi32, #tpu.memory_space<hbm>>
    tpu.enqueue_indirect_dma source(%dma_start3A_216 : memref<253952x128xi32, #tpu.memory_space<hbm>>) target(%dma_start3A_213 : memref<16x128xi32, #tpu.memory_space<vmem>>) offsets(%get3A_210 : vector<16xi32>) semaphore(%arg7 : memref<!tpu.dma_semaphore, #tpu.memory_space<semaphore_mem>>)
    %get3A_217 = arith.constant 384 : index
    %get3A_218 = tpu.vector_load %arg5[%get3A_217] {strides = array<i32>} : memref<512xi32, #tpu.memory_space<vmem>>, vector<16xi32>,
    %get3A_219 = vector.shape_cast %get3A_218 : vector<16xi32> to vector<16xi32>
    %dma_start3A_220 = arith.constant 384 : i32
    %dma_start3A_221 = arith.constant 0 : i32
    %dma_start3A_222 = tpu.memref_slice %arg6[%dma_start3A_220, %dma_start3A_221] : memref<512x128xi32, #tpu.memory_space<vmem>> -> memref<16x128xi32, #tpu.memory_space<vmem>>
    %dma_start3A_223 = arith.constant 0 : i32
    %dma_start3A_224 = arith.constant 0 : i32
    %dma_start3A_225 = tpu.memref_slice %arg3[%dma_start3A_223, %dma_start3A_224] : memref<253952x128xi32, #tpu.memory_space<hbm>> -> memref<253952x128xi32, #tpu.memory_space<hbm>>
    tpu.enqueue_indirect_dma source(%dma_start3A_225 : memref<253952x128xi32, #tpu.memory_space<hbm>>) target(%dma_start3A_222 : memref<16x128xi32, #tpu.memory_space<vmem>>) offsets(%get3A_219 : vector<16xi32>) semaphore(%arg7 : memref<!tpu.dma_semaphore, #tpu.memory_space<semaphore_mem>>)
    %get3A_226 = arith.constant 400 : index
    %get3A_227 = tpu.vector_load %arg5[%get3A_226] {strides = array<i32>} : memref<512xi32, #tpu.memory_space<vmem>>, vector<16xi32>,
    %get3A_228 = vector.shape_cast %get3A_227 : vector<16xi32> to vector<16xi32>
    %dma_start3A_229 = arith.constant 400 : i32
    %dma_start3A_230 = arith.constant 0 : i32
    %dma_start3A_231 = tpu.memref_slice %arg6[%dma_start3A_229, %dma_start3A_230] : memref<512x128xi32, #tpu.memory_space<vmem>> -> memref<16x128xi32, #tpu.memory_space<vmem>>
    %dma_start3A_232 = arith.constant 0 : i32
    %dma_start3A_233 = arith.constant 0 : i32
    %dma_start3A_234 = tpu.memref_slice %arg3[%dma_start3A_232, %dma_start3A_233] : memref<253952x128xi32, #tpu.memory_space<hbm>> -> memref<253952x128xi32, #tpu.memory_space<hbm>>
    tpu.enqueue_indirect_dma source(%dma_start3A_234 : memref<253952x128xi32, #tpu.memory_space<hbm>>) target(%dma_start3A_231 : memref<16x128xi32, #tpu.memory_space<vmem>>) offsets(%get3A_228 : vector<16xi32>) semaphore(%arg7 : memref<!tpu.dma_semaphore, #tpu.memory_space<semaphore_mem>>)
    %get3A_235 = arith.constant 416 : index
    %get3A_236 = tpu.vector_load %arg5[%get3A_235] {strides = array<i32>} : memref<512xi32, #tpu.memory_space<vmem>>, vector<16xi32>,
    %get3A_237 = vector.shape_cast %get3A_236 : vector<16xi32> to vector<16xi32>
    %dma_start3A_238 = arith.constant 416 : i32
    %dma_start3A_239 = arith.constant 0 : i32
    %dma_start3A_240 = tpu.memref_slice %arg6[%dma_start3A_238, %dma_start3A_239] : memref<512x128xi32, #tpu.memory_space<vmem>> -> memref<16x128xi32, #tpu.memory_space<vmem>>
    %dma_start3A_241 = arith.constant 0 : i32
    %dma_start3A_242 = arith.constant 0 : i32
    %dma_start3A_243 = tpu.memref_slice %arg3[%dma_start3A_241, %dma_start3A_242] : memref<253952x128xi32, #tpu.memory_space<hbm>> -> memref<253952x128xi32, #tpu.memory_space<hbm>>
    tpu.enqueue_indirect_dma source(%dma_start3A_243 : memref<253952x128xi32, #tpu.memory_space<hbm>>) target(%dma_start3A_240 : memref<16x128xi32, #tpu.memory_space<vmem>>) offsets(%get3A_237 : vector<16xi32>) semaphore(%arg7 : memref<!tpu.dma_semaphore, #tpu.memory_space<semaphore_mem>>)
    %get3A_244 = arith.constant 432 : index
    %get3A_245 = tpu.vector_load %arg5[%get3A_244] {strides = array<i32>} : memref<512xi32, #tpu.memory_space<vmem>>, vector<16xi32>,
    %get3A_246 = vector.shape_cast %get3A_245 : vector<16xi32> to vector<16xi32>
    %dma_start3A_247 = arith.constant 432 : i32
    %dma_start3A_248 = arith.constant 0 : i32
    %dma_start3A_249 = tpu.memref_slice %arg6[%dma_start3A_247, %dma_start3A_248] : memref<512x128xi32, #tpu.memory_space<vmem>> -> memref<16x128xi32, #tpu.memory_space<vmem>>
    %dma_start3A_250 = arith.constant 0 : i32
    %dma_start3A_251 = arith.constant 0 : i32
    %dma_start3A_252 = tpu.memref_slice %arg3[%dma_start3A_250, %dma_start3A_251] : memref<253952x128xi32, #tpu.memory_space<hbm>> -> memref<253952x128xi32, #tpu.memory_space<hbm>>
    tpu.enqueue_indirect_dma source(%dma_start3A_252 : memref<253952x128xi32, #tpu.memory_space<hbm>>) target(%dma_start3A_249 : memref<16x128xi32, #tpu.memory_space<vmem>>) offsets(%get3A_246 : vector<16xi32>) semaphore(%arg7 : memref<!tpu.dma_semaphore, #tpu.memory_space<semaphore_mem>>)
    %get3A_253 = arith.constant 448 : index
    %get3A_254 = tpu.vector_load %arg5[%get3A_253] {strides = array<i32>} : memref<512xi32, #tpu.memory_space<vmem>>, vector<16xi32>,
    %get3A_255 = vector.shape_cast %get3A_254 : vector<16xi32> to vector<16xi32>
    %dma_start3A_256 = arith.constant 448 : i32
    %dma_start3A_257 = arith.constant 0 : i32
    %dma_start3A_258 = tpu.memref_slice %arg6[%dma_start3A_256, %dma_start3A_257] : memref<512x128xi32, #tpu.memory_space<vmem>> -> memref<16x128xi32, #tpu.memory_space<vmem>>
    %dma_start3A_259 = arith.constant 0 : i32
    %dma_start3A_260 = arith.constant 0 : i32
    %dma_start3A_261 = tpu.memref_slice %arg3[%dma_start3A_259, %dma_start3A_260] : memref<253952x128xi32, #tpu.memory_space<hbm>> -> memref<253952x128xi32, #tpu.memory_space<hbm>>
    tpu.enqueue_indirect_dma source(%dma_start3A_261 : memref<253952x128xi32, #tpu.memory_space<hbm>>) target(%dma_start3A_258 : memref<16x128xi32, #tpu.memory_space<vmem>>) offsets(%get3A_255 : vector<16xi32>) semaphore(%arg7 : memref<!tpu.dma_semaphore, #tpu.memory_space<semaphore_mem>>)
    %get3A_262 = arith.constant 464 : index
    %get3A_263 = tpu.vector_load %arg5[%get3A_262] {strides = array<i32>} : memref<512xi32, #tpu.memory_space<vmem>>, vector<16xi32>,
    %get3A_264 = vector.shape_cast %get3A_263 : vector<16xi32> to vector<16xi32>
    %dma_start3A_265 = arith.constant 464 : i32
    %dma_start3A_266 = arith.constant 0 : i32
    %dma_start3A_267 = tpu.memref_slice %arg6[%dma_start3A_265, %dma_start3A_266] : memref<512x128xi32, #tpu.memory_space<vmem>> -> memref<16x128xi32, #tpu.memory_space<vmem>>
    %dma_start3A_268 = arith.constant 0 : i32
    %dma_start3A_269 = arith.constant 0 : i32
    %dma_start3A_270 = tpu.memref_slice %arg3[%dma_start3A_268, %dma_start3A_269] : memref<253952x128xi32, #tpu.memory_space<hbm>> -> memref<253952x128xi32, #tpu.memory_space<hbm>>
    tpu.enqueue_indirect_dma source(%dma_start3A_270 : memref<253952x128xi32, #tpu.memory_space<hbm>>) target(%dma_start3A_267 : memref<16x128xi32, #tpu.memory_space<vmem>>) offsets(%get3A_264 : vector<16xi32>) semaphore(%arg7 : memref<!tpu.dma_semaphore, #tpu.memory_space<semaphore_mem>>)
    %get3A_271 = arith.constant 480 : index
    %get3A_272 = tpu.vector_load %arg5[%get3A_271] {strides = array<i32>} : memref<512xi32, #tpu.memory_space<vmem>>, vector<16xi32>,
    %get3A_273 = vector.shape_cast %get3A_272 : vector<16xi32> to vector<16xi32>
    %dma_start3A_274 = arith.constant 480 : i32
    %dma_start3A_275 = arith.constant 0 : i32
    %dma_start3A_276 = tpu.memref_slice %arg6[%dma_start3A_274, %dma_start3A_275] : memref<512x128xi32, #tpu.memory_space<vmem>> -> memref<16x128xi32, #tpu.memory_space<vmem>>
    %dma_start3A_277 = arith.constant 0 : i32
    %dma_start3A_278 = arith.constant 0 : i32
    %dma_start3A_279 = tpu.memref_slice %arg3[%dma_start3A_277, %dma_start3A_278] : memref<253952x128xi32, #tpu.memory_space<hbm>> -> memref<253952x128xi32, #tpu.memory_space<hbm>>
    tpu.enqueue_indirect_dma source(%dma_start3A_279 : memref<253952x128xi32, #tpu.memory_space<hbm>>) target(%dma_start3A_276 : memref<16x128xi32, #tpu.memory_space<vmem>>) offsets(%get3A_273 : vector<16xi32>) semaphore(%arg7 : memref<!tpu.dma_semaphore, #tpu.memory_space<semaphore_mem>>)
    %get3A_280 = arith.constant 496 : index
    %get3A_281 = tpu.vector_load %arg5[%get3A_280] {strides = array<i32>} : memref<512xi32, #tpu.memory_space<vmem>>, vector<16xi32>,
    %get3A_282 = vector.shape_cast %get3A_281 : vector<16xi32> to vector<16xi32>
    %dma_start3A_283 = arith.constant 496 : i32
    %dma_start3A_284 = arith.constant 0 : i32
    %dma_start3A_285 = tpu.memref_slice %arg6[%dma_start3A_283, %dma_start3A_284] : memref<512x128xi32, #tpu.memory_space<vmem>> -> memref<16x128xi32, #tpu.memory_space<vmem>>
    %dma_start3A_286 = arith.constant 0 : i32
    %dma_start3A_287 = arith.constant 0 : i32
    %dma_start3A_288 = tpu.memref_slice %arg3[%dma_start3A_286, %dma_start3A_287] : memref<253952x128xi32, #tpu.memory_space<hbm>> -> memref<253952x128xi32, #tpu.memory_space<hbm>>
    tpu.enqueue_indirect_dma source(%dma_start3A_288 : memref<253952x128xi32, #tpu.memory_space<hbm>>) target(%dma_start3A_285 : memref<16x128xi32, #tpu.memory_space<vmem>>) offsets(%get3A_282 : vector<16xi32>) semaphore(%arg7 : memref<!tpu.dma_semaphore, #tpu.memory_space<semaphore_mem>>)
    %dma_wait3A = arith.constant 0 : i32
    %dma_wait3A_289 = arith.constant 0 : i32
    %dma_wait3A_290 = tpu.memref_slice %arg6[%dma_wait3A, %dma_wait3A_289] : memref<512x128xi32, #tpu.memory_space<vmem>> -> memref<16x128xi32, #tpu.memory_space<vmem>>
    %dma_wait3A_291 = arith.constant 0 : i32
    %dma_wait3A_292 = arith.constant 0 : i32
    %dma_wait3A_293 = tpu.memref_slice %arg3[%dma_wait3A_291, %dma_wait3A_292] : memref<253952x128xi32, #tpu.memory_space<hbm>> -> memref<253952x128xi32, #tpu.memory_space<hbm>>
    tpu.wait_indirect_dma semaphore(%arg7 : memref<!tpu.dma_semaphore, #tpu.memory_space<semaphore_mem>>) src(%dma_wait3A_293 : memref<253952x128xi32, #tpu.memory_space<hbm>>) dst(%dma_wait3A_290 : memref<16x128xi32, #tpu.memory_space<vmem>>)
    %dma_wait3A_294 = arith.constant 16 : i32
    %dma_wait3A_295 = arith.constant 0 : i32
    %dma_wait3A_296 = tpu.memref_slice %arg6[%dma_wait3A_294, %dma_wait3A_295] : memref<512x128xi32, #tpu.memory_space<vmem>> -> memref<16x128xi32, #tpu.memory_space<vmem>>
    %dma_wait3A_297 = arith.constant 0 : i32
    %dma_wait3A_298 = arith.constant 0 : i32
    %dma_wait3A_299 = tpu.memref_slice %arg3[%dma_wait3A_297, %dma_wait3A_298] : memref<253952x128xi32, #tpu.memory_space<hbm>> -> memref<253952x128xi32, #tpu.memory_space<hbm>>
    tpu.wait_indirect_dma semaphore(%arg7 : memref<!tpu.dma_semaphore, #tpu.memory_space<semaphore_mem>>) src(%dma_wait3A_299 : memref<253952x128xi32, #tpu.memory_space<hbm>>) dst(%dma_wait3A_296 : memref<16x128xi32, #tpu.memory_space<vmem>>)
    %dma_wait3A_300 = arith.constant 32 : i32
    %dma_wait3A_301 = arith.constant 0 : i32
    %dma_wait3A_302 = tpu.memref_slice %arg6[%dma_wait3A_300, %dma_wait3A_301] : memref<512x128xi32, #tpu.memory_space<vmem>> -> memref<16x128xi32, #tpu.memory_space<vmem>>
    %dma_wait3A_303 = arith.constant 0 : i32
    %dma_wait3A_304 = arith.constant 0 : i32
    %dma_wait3A_305 = tpu.memref_slice %arg3[%dma_wait3A_303, %dma_wait3A_304] : memref<253952x128xi32, #tpu.memory_space<hbm>> -> memref<253952x128xi32, #tpu.memory_space<hbm>>
    tpu.wait_indirect_dma semaphore(%arg7 : memref<!tpu.dma_semaphore, #tpu.memory_space<semaphore_mem>>) src(%dma_wait3A_305 : memref<253952x128xi32, #tpu.memory_space<hbm>>) dst(%dma_wait3A_302 : memref<16x128xi32, #tpu.memory_space<vmem>>)
    %dma_wait3A_306 = arith.constant 48 : i32
    %dma_wait3A_307 = arith.constant 0 : i32
    %dma_wait3A_308 = tpu.memref_slice %arg6[%dma_wait3A_306, %dma_wait3A_307] : memref<512x128xi32, #tpu.memory_space<vmem>> -> memref<16x128xi32, #tpu.memory_space<vmem>>
    %dma_wait3A_309 = arith.constant 0 : i32
    %dma_wait3A_310 = arith.constant 0 : i32
    %dma_wait3A_311 = tpu.memref_slice %arg3[%dma_wait3A_309, %dma_wait3A_310] : memref<253952x128xi32, #tpu.memory_space<hbm>> -> memref<253952x128xi32, #tpu.memory_space<hbm>>
    tpu.wait_indirect_dma semaphore(%arg7 : memref<!tpu.dma_semaphore, #tpu.memory_space<semaphore_mem>>) src(%dma_wait3A_311 : memref<253952x128xi32, #tpu.memory_space<hbm>>) dst(%dma_wait3A_308 : memref<16x128xi32, #tpu.memory_space<vmem>>)
    %dma_wait3A_312 = arith.constant 64 : i32
    %dma_wait3A_313 = arith.constant 0 : i32
    %dma_wait3A_314 = tpu.memref_slice %arg6[%dma_wait3A_312, %dma_wait3A_313] : memref<512x128xi32, #tpu.memory_space<vmem>> -> memref<16x128xi32, #tpu.memory_space<vmem>>
    %dma_wait3A_315 = arith.constant 0 : i32
    %dma_wait3A_316 = arith.constant 0 : i32
    %dma_wait3A_317 = tpu.memref_slice %arg3[%dma_wait3A_315, %dma_wait3A_316] : memref<253952x128xi32, #tpu.memory_space<hbm>> -> memref<253952x128xi32, #tpu.memory_space<hbm>>
    tpu.wait_indirect_dma semaphore(%arg7 : memref<!tpu.dma_semaphore, #tpu.memory_space<semaphore_mem>>) src(%dma_wait3A_317 : memref<253952x128xi32, #tpu.memory_space<hbm>>) dst(%dma_wait3A_314 : memref<16x128xi32, #tpu.memory_space<vmem>>)
    %dma_wait3A_318 = arith.constant 80 : i32
    %dma_wait3A_319 = arith.constant 0 : i32
    %dma_wait3A_320 = tpu.memref_slice %arg6[%dma_wait3A_318, %dma_wait3A_319] : memref<512x128xi32, #tpu.memory_space<vmem>> -> memref<16x128xi32, #tpu.memory_space<vmem>>
    %dma_wait3A_321 = arith.constant 0 : i32
    %dma_wait3A_322 = arith.constant 0 : i32
    %dma_wait3A_323 = tpu.memref_slice %arg3[%dma_wait3A_321, %dma_wait3A_322] : memref<253952x128xi32, #tpu.memory_space<hbm>> -> memref<253952x128xi32, #tpu.memory_space<hbm>>
    tpu.wait_indirect_dma semaphore(%arg7 : memref<!tpu.dma_semaphore, #tpu.memory_space<semaphore_mem>>) src(%dma_wait3A_323 : memref<253952x128xi32, #tpu.memory_space<hbm>>) dst(%dma_wait3A_320 : memref<16x128xi32, #tpu.memory_space<vmem>>)
    %dma_wait3A_324 = arith.constant 96 : i32
    %dma_wait3A_325 = arith.constant 0 : i32
    %dma_wait3A_326 = tpu.memref_slice %arg6[%dma_wait3A_324, %dma_wait3A_325] : memref<512x128xi32, #tpu.memory_space<vmem>> -> memref<16x128xi32, #tpu.memory_space<vmem>>
    %dma_wait3A_327 = arith.constant 0 : i32
    %dma_wait3A_328 = arith.constant 0 : i32
    %dma_wait3A_329 = tpu.memref_slice %arg3[%dma_wait3A_327, %dma_wait3A_328] : memref<253952x128xi32, #tpu.memory_space<hbm>> -> memref<253952x128xi32, #tpu.memory_space<hbm>>
    tpu.wait_indirect_dma semaphore(%arg7 : memref<!tpu.dma_semaphore, #tpu.memory_space<semaphore_mem>>) src(%dma_wait3A_329 : memref<253952x128xi32, #tpu.memory_space<hbm>>) dst(%dma_wait3A_326 : memref<16x128xi32, #tpu.memory_space<vmem>>)
    %dma_wait3A_330 = arith.constant 112 : i32
    %dma_wait3A_331 = arith.constant 0 : i32
    %dma_wait3A_332 = tpu.memref_slice %arg6[%dma_wait3A_330, %dma_wait3A_331] : memref<512x128xi32, #tpu.memory_space<vmem>> -> memref<16x128xi32, #tpu.memory_space<vmem>>
    %dma_wait3A_333 = arith.constant 0 : i32
    %dma_wait3A_334 = arith.constant 0 : i32
    %dma_wait3A_335 = tpu.memref_slice %arg3[%dma_wait3A_333, %dma_wait3A_334] : memref<253952x128xi32, #tpu.memory_space<hbm>> -> memref<253952x128xi32, #tpu.memory_space<hbm>>
    tpu.wait_indirect_dma semaphore(%arg7 : memref<!tpu.dma_semaphore, #tpu.memory_space<semaphore_mem>>) src(%dma_wait3A_335 : memref<253952x128xi32, #tpu.memory_space<hbm>>) dst(%dma_wait3A_332 : memref<16x128xi32, #tpu.memory_space<vmem>>)
    %dma_wait3A_336 = arith.constant 128 : i32
    %dma_wait3A_337 = arith.constant 0 : i32
    %dma_wait3A_338 = tpu.memref_slice %arg6[%dma_wait3A_336, %dma_wait3A_337] : memref<512x128xi32, #tpu.memory_space<vmem>> -> memref<16x128xi32, #tpu.memory_space<vmem>>
    %dma_wait3A_339 = arith.constant 0 : i32
    %dma_wait3A_340 = arith.constant 0 : i32
    %dma_wait3A_341 = tpu.memref_slice %arg3[%dma_wait3A_339, %dma_wait3A_340] : memref<253952x128xi32, #tpu.memory_space<hbm>> -> memref<253952x128xi32, #tpu.memory_space<hbm>>
    tpu.wait_indirect_dma semaphore(%arg7 : memref<!tpu.dma_semaphore, #tpu.memory_space<semaphore_mem>>) src(%dma_wait3A_341 : memref<253952x128xi32, #tpu.memory_space<hbm>>) dst(%dma_wait3A_338 : memref<16x128xi32, #tpu.memory_space<vmem>>)
    %dma_wait3A_342 = arith.constant 144 : i32
    %dma_wait3A_343 = arith.constant 0 : i32
    %dma_wait3A_344 = tpu.memref_slice %arg6[%dma_wait3A_342, %dma_wait3A_343] : memref<512x128xi32, #tpu.memory_space<vmem>> -> memref<16x128xi32, #tpu.memory_space<vmem>>
    %dma_wait3A_345 = arith.constant 0 : i32
    %dma_wait3A_346 = arith.constant 0 : i32
    %dma_wait3A_347 = tpu.memref_slice %arg3[%dma_wait3A_345, %dma_wait3A_346] : memref<253952x128xi32, #tpu.memory_space<hbm>> -> memref<253952x128xi32, #tpu.memory_space<hbm>>
    tpu.wait_indirect_dma semaphore(%arg7 : memref<!tpu.dma_semaphore, #tpu.memory_space<semaphore_mem>>) src(%dma_wait3A_347 : memref<253952x128xi32, #tpu.memory_space<hbm>>) dst(%dma_wait3A_344 : memref<16x128xi32, #tpu.memory_space<vmem>>)
    %dma_wait3A_348 = arith.constant 160 : i32
    %dma_wait3A_349 = arith.constant 0 : i32
    %dma_wait3A_350 = tpu.memref_slice %arg6[%dma_wait3A_348, %dma_wait3A_349] : memref<512x128xi32, #tpu.memory_space<vmem>> -> memref<16x128xi32, #tpu.memory_space<vmem>>
    %dma_wait3A_351 = arith.constant 0 : i32
    %dma_wait3A_352 = arith.constant 0 : i32
    %dma_wait3A_353 = tpu.memref_slice %arg3[%dma_wait3A_351, %dma_wait3A_352] : memref<253952x128xi32, #tpu.memory_space<hbm>> -> memref<253952x128xi32, #tpu.memory_space<hbm>>
    tpu.wait_indirect_dma semaphore(%arg7 : memref<!tpu.dma_semaphore, #tpu.memory_space<semaphore_mem>>) src(%dma_wait3A_353 : memref<253952x128xi32, #tpu.memory_space<hbm>>) dst(%dma_wait3A_350 : memref<16x128xi32, #tpu.memory_space<vmem>>)
    %dma_wait3A_354 = arith.constant 176 : i32
    %dma_wait3A_355 = arith.constant 0 : i32
    %dma_wait3A_356 = tpu.memref_slice %arg6[%dma_wait3A_354, %dma_wait3A_355] : memref<512x128xi32, #tpu.memory_space<vmem>> -> memref<16x128xi32, #tpu.memory_space<vmem>>
    %dma_wait3A_357 = arith.constant 0 : i32
    %dma_wait3A_358 = arith.constant 0 : i32
    %dma_wait3A_359 = tpu.memref_slice %arg3[%dma_wait3A_357, %dma_wait3A_358] : memref<253952x128xi32, #tpu.memory_space<hbm>> -> memref<253952x128xi32, #tpu.memory_space<hbm>>
    tpu.wait_indirect_dma semaphore(%arg7 : memref<!tpu.dma_semaphore, #tpu.memory_space<semaphore_mem>>) src(%dma_wait3A_359 : memref<253952x128xi32, #tpu.memory_space<hbm>>) dst(%dma_wait3A_356 : memref<16x128xi32, #tpu.memory_space<vmem>>)
    %dma_wait3A_360 = arith.constant 192 : i32
    %dma_wait3A_361 = arith.constant 0 : i32
    %dma_wait3A_362 = tpu.memref_slice %arg6[%dma_wait3A_360, %dma_wait3A_361] : memref<512x128xi32, #tpu.memory_space<vmem>> -> memref<16x128xi32, #tpu.memory_space<vmem>>
    %dma_wait3A_363 = arith.constant 0 : i32
    %dma_wait3A_364 = arith.constant 0 : i32
    %dma_wait3A_365 = tpu.memref_slice %arg3[%dma_wait3A_363, %dma_wait3A_364] : memref<253952x128xi32, #tpu.memory_space<hbm>> -> memref<253952x128xi32, #tpu.memory_space<hbm>>
    tpu.wait_indirect_dma semaphore(%arg7 : memref<!tpu.dma_semaphore, #tpu.memory_space<semaphore_mem>>) src(%dma_wait3A_365 : memref<253952x128xi32, #tpu.memory_space<hbm>>) dst(%dma_wait3A_362 : memref<16x128xi32, #tpu.memory_space<vmem>>)
    %dma_wait3A_366 = arith.constant 208 : i32
    %dma_wait3A_367 = arith.constant 0 : i32
    %dma_wait3A_368 = tpu.memref_slice %arg6[%dma_wait3A_366, %dma_wait3A_367] : memref<512x128xi32, #tpu.memory_space<vmem>> -> memref<16x128xi32, #tpu.memory_space<vmem>>
    %dma_wait3A_369 = arith.constant 0 : i32
    %dma_wait3A_370 = arith.constant 0 : i32
    %dma_wait3A_371 = tpu.memref_slice %arg3[%dma_wait3A_369, %dma_wait3A_370] : memref<253952x128xi32, #tpu.memory_space<hbm>> -> memref<253952x128xi32, #tpu.memory_space<hbm>>
    tpu.wait_indirect_dma semaphore(%arg7 : memref<!tpu.dma_semaphore, #tpu.memory_space<semaphore_mem>>) src(%dma_wait3A_371 : memref<253952x128xi32, #tpu.memory_space<hbm>>) dst(%dma_wait3A_368 : memref<16x128xi32, #tpu.memory_space<vmem>>)
    %dma_wait3A_372 = arith.constant 224 : i32
    %dma_wait3A_373 = arith.constant 0 : i32
    %dma_wait3A_374 = tpu.memref_slice %arg6[%dma_wait3A_372, %dma_wait3A_373] : memref<512x128xi32, #tpu.memory_space<vmem>> -> memref<16x128xi32, #tpu.memory_space<vmem>>
    %dma_wait3A_375 = arith.constant 0 : i32
    %dma_wait3A_376 = arith.constant 0 : i32
    %dma_wait3A_377 = tpu.memref_slice %arg3[%dma_wait3A_375, %dma_wait3A_376] : memref<253952x128xi32, #tpu.memory_space<hbm>> -> memref<253952x128xi32, #tpu.memory_space<hbm>>
    tpu.wait_indirect_dma semaphore(%arg7 : memref<!tpu.dma_semaphore, #tpu.memory_space<semaphore_mem>>) src(%dma_wait3A_377 : memref<253952x128xi32, #tpu.memory_space<hbm>>) dst(%dma_wait3A_374 : memref<16x128xi32, #tpu.memory_space<vmem>>)
    %dma_wait3A_378 = arith.constant 240 : i32
    %dma_wait3A_379 = arith.constant 0 : i32
    %dma_wait3A_380 = tpu.memref_slice %arg6[%dma_wait3A_378, %dma_wait3A_379] : memref<512x128xi32, #tpu.memory_space<vmem>> -> memref<16x128xi32, #tpu.memory_space<vmem>>
    %dma_wait3A_381 = arith.constant 0 : i32
    %dma_wait3A_382 = arith.constant 0 : i32
    %dma_wait3A_383 = tpu.memref_slice %arg3[%dma_wait3A_381, %dma_wait3A_382] : memref<253952x128xi32, #tpu.memory_space<hbm>> -> memref<253952x128xi32, #tpu.memory_space<hbm>>
    tpu.wait_indirect_dma semaphore(%arg7 : memref<!tpu.dma_semaphore, #tpu.memory_space<semaphore_mem>>) src(%dma_wait3A_383 : memref<253952x128xi32, #tpu.memory_space<hbm>>) dst(%dma_wait3A_380 : memref<16x128xi32, #tpu.memory_space<vmem>>)
    %dma_wait3A_384 = arith.constant 256 : i32
    %dma_wait3A_385 = arith.constant 0 : i32
    %dma_wait3A_386 = tpu.memref_slice %arg6[%dma_wait3A_384, %dma_wait3A_385] : memref<512x128xi32, #tpu.memory_space<vmem>> -> memref<16x128xi32, #tpu.memory_space<vmem>>
    %dma_wait3A_387 = arith.constant 0 : i32
    %dma_wait3A_388 = arith.constant 0 : i32
    %dma_wait3A_389 = tpu.memref_slice %arg3[%dma_wait3A_387, %dma_wait3A_388] : memref<253952x128xi32, #tpu.memory_space<hbm>> -> memref<253952x128xi32, #tpu.memory_space<hbm>>
    tpu.wait_indirect_dma semaphore(%arg7 : memref<!tpu.dma_semaphore, #tpu.memory_space<semaphore_mem>>) src(%dma_wait3A_389 : memref<253952x128xi32, #tpu.memory_space<hbm>>) dst(%dma_wait3A_386 : memref<16x128xi32, #tpu.memory_space<vmem>>)
    %dma_wait3A_390 = arith.constant 272 : i32
    %dma_wait3A_391 = arith.constant 0 : i32
    %dma_wait3A_392 = tpu.memref_slice %arg6[%dma_wait3A_390, %dma_wait3A_391] : memref<512x128xi32, #tpu.memory_space<vmem>> -> memref<16x128xi32, #tpu.memory_space<vmem>>
    %dma_wait3A_393 = arith.constant 0 : i32
    %dma_wait3A_394 = arith.constant 0 : i32
    %dma_wait3A_395 = tpu.memref_slice %arg3[%dma_wait3A_393, %dma_wait3A_394] : memref<253952x128xi32, #tpu.memory_space<hbm>> -> memref<253952x128xi32, #tpu.memory_space<hbm>>
    tpu.wait_indirect_dma semaphore(%arg7 : memref<!tpu.dma_semaphore, #tpu.memory_space<semaphore_mem>>) src(%dma_wait3A_395 : memref<253952x128xi32, #tpu.memory_space<hbm>>) dst(%dma_wait3A_392 : memref<16x128xi32, #tpu.memory_space<vmem>>)
    %dma_wait3A_396 = arith.constant 288 : i32
    %dma_wait3A_397 = arith.constant 0 : i32
    %dma_wait3A_398 = tpu.memref_slice %arg6[%dma_wait3A_396, %dma_wait3A_397] : memref<512x128xi32, #tpu.memory_space<vmem>> -> memref<16x128xi32, #tpu.memory_space<vmem>>
    %dma_wait3A_399 = arith.constant 0 : i32
    %dma_wait3A_400 = arith.constant 0 : i32
    %dma_wait3A_401 = tpu.memref_slice %arg3[%dma_wait3A_399, %dma_wait3A_400] : memref<253952x128xi32, #tpu.memory_space<hbm>> -> memref<253952x128xi32, #tpu.memory_space<hbm>>
    tpu.wait_indirect_dma semaphore(%arg7 : memref<!tpu.dma_semaphore, #tpu.memory_space<semaphore_mem>>) src(%dma_wait3A_401 : memref<253952x128xi32, #tpu.memory_space<hbm>>) dst(%dma_wait3A_398 : memref<16x128xi32, #tpu.memory_space<vmem>>)
    %dma_wait3A_402 = arith.constant 304 : i32
    %dma_wait3A_403 = arith.constant 0 : i32
    %dma_wait3A_404 = tpu.memref_slice %arg6[%dma_wait3A_402, %dma_wait3A_403] : memref<512x128xi32, #tpu.memory_space<vmem>> -> memref<16x128xi32, #tpu.memory_space<vmem>>
    %dma_wait3A_405 = arith.constant 0 : i32
    %dma_wait3A_406 = arith.constant 0 : i32
    %dma_wait3A_407 = tpu.memref_slice %arg3[%dma_wait3A_405, %dma_wait3A_406] : memref<253952x128xi32, #tpu.memory_space<hbm>> -> memref<253952x128xi32, #tpu.memory_space<hbm>>
    tpu.wait_indirect_dma semaphore(%arg7 : memref<!tpu.dma_semaphore, #tpu.memory_space<semaphore_mem>>) src(%dma_wait3A_407 : memref<253952x128xi32, #tpu.memory_space<hbm>>) dst(%dma_wait3A_404 : memref<16x128xi32, #tpu.memory_space<vmem>>)
    %dma_wait3A_408 = arith.constant 320 : i32
    %dma_wait3A_409 = arith.constant 0 : i32
    %dma_wait3A_410 = tpu.memref_slice %arg6[%dma_wait3A_408, %dma_wait3A_409] : memref<512x128xi32, #tpu.memory_space<vmem>> -> memref<16x128xi32, #tpu.memory_space<vmem>>
    %dma_wait3A_411 = arith.constant 0 : i32
    %dma_wait3A_412 = arith.constant 0 : i32
    %dma_wait3A_413 = tpu.memref_slice %arg3[%dma_wait3A_411, %dma_wait3A_412] : memref<253952x128xi32, #tpu.memory_space<hbm>> -> memref<253952x128xi32, #tpu.memory_space<hbm>>
    tpu.wait_indirect_dma semaphore(%arg7 : memref<!tpu.dma_semaphore, #tpu.memory_space<semaphore_mem>>) src(%dma_wait3A_413 : memref<253952x128xi32, #tpu.memory_space<hbm>>) dst(%dma_wait3A_410 : memref<16x128xi32, #tpu.memory_space<vmem>>)
    %dma_wait3A_414 = arith.constant 336 : i32
    %dma_wait3A_415 = arith.constant 0 : i32
    %dma_wait3A_416 = tpu.memref_slice %arg6[%dma_wait3A_414, %dma_wait3A_415] : memref<512x128xi32, #tpu.memory_space<vmem>> -> memref<16x128xi32, #tpu.memory_space<vmem>>
    %dma_wait3A_417 = arith.constant 0 : i32
    %dma_wait3A_418 = arith.constant 0 : i32
    %dma_wait3A_419 = tpu.memref_slice %arg3[%dma_wait3A_417, %dma_wait3A_418] : memref<253952x128xi32, #tpu.memory_space<hbm>> -> memref<253952x128xi32, #tpu.memory_space<hbm>>
    tpu.wait_indirect_dma semaphore(%arg7 : memref<!tpu.dma_semaphore, #tpu.memory_space<semaphore_mem>>) src(%dma_wait3A_419 : memref<253952x128xi32, #tpu.memory_space<hbm>>) dst(%dma_wait3A_416 : memref<16x128xi32, #tpu.memory_space<vmem>>)
    %dma_wait3A_420 = arith.constant 352 : i32
    %dma_wait3A_421 = arith.constant 0 : i32
    %dma_wait3A_422 = tpu.memref_slice %arg6[%dma_wait3A_420, %dma_wait3A_421] : memref<512x128xi32, #tpu.memory_space<vmem>> -> memref<16x128xi32, #tpu.memory_space<vmem>>
    %dma_wait3A_423 = arith.constant 0 : i32
    %dma_wait3A_424 = arith.constant 0 : i32
    %dma_wait3A_425 = tpu.memref_slice %arg3[%dma_wait3A_423, %dma_wait3A_424] : memref<253952x128xi32, #tpu.memory_space<hbm>> -> memref<253952x128xi32, #tpu.memory_space<hbm>>
    tpu.wait_indirect_dma semaphore(%arg7 : memref<!tpu.dma_semaphore, #tpu.memory_space<semaphore_mem>>) src(%dma_wait3A_425 : memref<253952x128xi32, #tpu.memory_space<hbm>>) dst(%dma_wait3A_422 : memref<16x128xi32, #tpu.memory_space<vmem>>)
    %dma_wait3A_426 = arith.constant 368 : i32
    %dma_wait3A_427 = arith.constant 0 : i32
    %dma_wait3A_428 = tpu.memref_slice %arg6[%dma_wait3A_426, %dma_wait3A_427] : memref<512x128xi32, #tpu.memory_space<vmem>> -> memref<16x128xi32, #tpu.memory_space<vmem>>
    %dma_wait3A_429 = arith.constant 0 : i32
    %dma_wait3A_430 = arith.constant 0 : i32
    %dma_wait3A_431 = tpu.memref_slice %arg3[%dma_wait3A_429, %dma_wait3A_430] : memref<253952x128xi32, #tpu.memory_space<hbm>> -> memref<253952x128xi32, #tpu.memory_space<hbm>>
    tpu.wait_indirect_dma semaphore(%arg7 : memref<!tpu.dma_semaphore, #tpu.memory_space<semaphore_mem>>) src(%dma_wait3A_431 : memref<253952x128xi32, #tpu.memory_space<hbm>>) dst(%dma_wait3A_428 : memref<16x128xi32, #tpu.memory_space<vmem>>)
    %dma_wait3A_432 = arith.constant 384 : i32
    %dma_wait3A_433 = arith.constant 0 : i32
    %dma_wait3A_434 = tpu.memref_slice %arg6[%dma_wait3A_432, %dma_wait3A_433] : memref<512x128xi32, #tpu.memory_space<vmem>> -> memref<16x128xi32, #tpu.memory_space<vmem>>
    %dma_wait3A_435 = arith.constant 0 : i32
    %dma_wait3A_436 = arith.constant 0 : i32
    %dma_wait3A_437 = tpu.memref_slice %arg3[%dma_wait3A_435, %dma_wait3A_436] : memref<253952x128xi32, #tpu.memory_space<hbm>> -> memref<253952x128xi32, #tpu.memory_space<hbm>>
    tpu.wait_indirect_dma semaphore(%arg7 : memref<!tpu.dma_semaphore, #tpu.memory_space<semaphore_mem>>) src(%dma_wait3A_437 : memref<253952x128xi32, #tpu.memory_space<hbm>>) dst(%dma_wait3A_434 : memref<16x128xi32, #tpu.memory_space<vmem>>)
    %dma_wait3A_438 = arith.constant 400 : i32
    %dma_wait3A_439 = arith.constant 0 : i32
    %dma_wait3A_440 = tpu.memref_slice %arg6[%dma_wait3A_438, %dma_wait3A_439] : memref<512x128xi32, #tpu.memory_space<vmem>> -> memref<16x128xi32, #tpu.memory_space<vmem>>
    %dma_wait3A_441 = arith.constant 0 : i32
    %dma_wait3A_442 = arith.constant 0 : i32
    %dma_wait3A_443 = tpu.memref_slice %arg3[%dma_wait3A_441, %dma_wait3A_442] : memref<253952x128xi32, #tpu.memory_space<hbm>> -> memref<253952x128xi32, #tpu.memory_space<hbm>>
    tpu.wait_indirect_dma semaphore(%arg7 : memref<!tpu.dma_semaphore, #tpu.memory_space<semaphore_mem>>) src(%dma_wait3A_443 : memref<253952x128xi32, #tpu.memory_space<hbm>>) dst(%dma_wait3A_440 : memref<16x128xi32, #tpu.memory_space<vmem>>)
    %dma_wait3A_444 = arith.constant 416 : i32
    %dma_wait3A_445 = arith.constant 0 : i32
    %dma_wait3A_446 = tpu.memref_slice %arg6[%dma_wait3A_444, %dma_wait3A_445] : memref<512x128xi32, #tpu.memory_space<vmem>> -> memref<16x128xi32, #tpu.memory_space<vmem>>
    %dma_wait3A_447 = arith.constant 0 : i32
    %dma_wait3A_448 = arith.constant 0 : i32
    %dma_wait3A_449 = tpu.memref_slice %arg3[%dma_wait3A_447, %dma_wait3A_448] : memref<253952x128xi32, #tpu.memory_space<hbm>> -> memref<253952x128xi32, #tpu.memory_space<hbm>>
    tpu.wait_indirect_dma semaphore(%arg7 : memref<!tpu.dma_semaphore, #tpu.memory_space<semaphore_mem>>) src(%dma_wait3A_449 : memref<253952x128xi32, #tpu.memory_space<hbm>>) dst(%dma_wait3A_446 : memref<16x128xi32, #tpu.memory_space<vmem>>)
    %dma_wait3A_450 = arith.constant 432 : i32
    %dma_wait3A_451 = arith.constant 0 : i32
    %dma_wait3A_452 = tpu.memref_slice %arg6[%dma_wait3A_450, %dma_wait3A_451] : memref<512x128xi32, #tpu.memory_space<vmem>> -> memref<16x128xi32, #tpu.memory_space<vmem>>
    %dma_wait3A_453 = arith.constant 0 : i32
    %dma_wait3A_454 = arith.constant 0 : i32
    %dma_wait3A_455 = tpu.memref_slice %arg3[%dma_wait3A_453, %dma_wait3A_454] : memref<253952x128xi32, #tpu.memory_space<hbm>> -> memref<253952x128xi32, #tpu.memory_space<hbm>>
    tpu.wait_indirect_dma semaphore(%arg7 : memref<!tpu.dma_semaphore, #tpu.memory_space<semaphore_mem>>) src(%dma_wait3A_455 : memref<253952x128xi32, #tpu.memory_space<hbm>>) dst(%dma_wait3A_452 : memref<16x128xi32, #tpu.memory_space<vmem>>)
    %dma_wait3A_456 = arith.constant 448 : i32
    %dma_wait3A_457 = arith.constant 0 : i32
    %dma_wait3A_458 = tpu.memref_slice %arg6[%dma_wait3A_456, %dma_wait3A_457] : memref<512x128xi32, #tpu.memory_space<vmem>> -> memref<16x128xi32, #tpu.memory_space<vmem>>
    %dma_wait3A_459 = arith.constant 0 : i32
    %dma_wait3A_460 = arith.constant 0 : i32
    %dma_wait3A_461 = tpu.memref_slice %arg3[%dma_wait3A_459, %dma_wait3A_460] : memref<253952x128xi32, #tpu.memory_space<hbm>> -> memref<253952x128xi32, #tpu.memory_space<hbm>>
    tpu.wait_indirect_dma semaphore(%arg7 : memref<!tpu.dma_semaphore, #tpu.memory_space<semaphore_mem>>) src(%dma_wait3A_461 : memref<253952x128xi32, #tpu.memory_space<hbm>>) dst(%dma_wait3A_458 : memref<16x128xi32, #tpu.memory_space<vmem>>)
    %dma_wait3A_462 = arith.constant 464 : i32
    %dma_wait3A_463 = arith.constant 0 : i32
    %dma_wait3A_464 = tpu.memref_slice %arg6[%dma_wait3A_462, %dma_wait3A_463] : memref<512x128xi32, #tpu.memory_space<vmem>> -> memref<16x128xi32, #tpu.memory_space<vmem>>
    %dma_wait3A_465 = arith.constant 0 : i32
    %dma_wait3A_466 = arith.constant 0 : i32
    %dma_wait3A_467 = tpu.memref_slice %arg3[%dma_wait3A_465, %dma_wait3A_466] : memref<253952x128xi32, #tpu.memory_space<hbm>> -> memref<253952x128xi32, #tpu.memory_space<hbm>>
    tpu.wait_indirect_dma semaphore(%arg7 : memref<!tpu.dma_semaphore, #tpu.memory_space<semaphore_mem>>) src(%dma_wait3A_467 : memref<253952x128xi32, #tpu.memory_space<hbm>>) dst(%dma_wait3A_464 : memref<16x128xi32, #tpu.memory_space<vmem>>)
    %dma_wait3A_468 = arith.constant 480 : i32
    %dma_wait3A_469 = arith.constant 0 : i32
    %dma_wait3A_470 = tpu.memref_slice %arg6[%dma_wait3A_468, %dma_wait3A_469] : memref<512x128xi32, #tpu.memory_space<vmem>> -> memref<16x128xi32, #tpu.memory_space<vmem>>
    %dma_wait3A_471 = arith.constant 0 : i32
    %dma_wait3A_472 = arith.constant 0 : i32
    %dma_wait3A_473 = tpu.memref_slice %arg3[%dma_wait3A_471, %dma_wait3A_472] : memref<253952x128xi32, #tpu.memory_space<hbm>> -> memref<253952x128xi32, #tpu.memory_space<hbm>>
    tpu.wait_indirect_dma semaphore(%arg7 : memref<!tpu.dma_semaphore, #tpu.memory_space<semaphore_mem>>) src(%dma_wait3A_473 : memref<253952x128xi32, #tpu.memory_space<hbm>>) dst(%dma_wait3A_470 : memref<16x128xi32, #tpu.memory_space<vmem>>)
    %dma_wait3A_474 = arith.constant 496 : i32
    %dma_wait3A_475 = arith.constant 0 : i32
    %dma_wait3A_476 = tpu.memref_slice %arg6[%dma_wait3A_474, %dma_wait3A_475] : memref<512x128xi32, #tpu.memory_space<vmem>> -> memref<16x128xi32, #tpu.memory_space<vmem>>
    %dma_wait3A_477 = arith.constant 0 : i32
    %dma_wait3A_478 = arith.constant 0 : i32
    %dma_wait3A_479 = tpu.memref_slice %arg3[%dma_wait3A_477, %dma_wait3A_478] : memref<253952x128xi32, #tpu.memory_space<hbm>> -> memref<253952x128xi32, #tpu.memory_space<hbm>>
    tpu.wait_indirect_dma semaphore(%arg7 : memref<!tpu.dma_semaphore, #tpu.memory_space<semaphore_mem>>) src(%dma_wait3A_479 : memref<253952x128xi32, #tpu.memory_space<hbm>>) dst(%dma_wait3A_476 : memref<16x128xi32, #tpu.memory_space<vmem>>)
    "tpu.region"() ({
      %run_scoped3A = tpu.sem_alloc : memref<!tpu.dma_semaphore, #tpu.memory_space<semaphore_mem>>
      %dma_start3A_480 = arith.constant 0 : i32
      %dma_start3A_481 = tpu.memref_slice %arg4[%mul3A_2, %dma_start3A_480] : memref<16384x128xi32, #tpu.memory_space<hbm>> -> memref<512x128xi32, #tpu.memory_space<hbm>>
      %dma_start3A_482 = arith.constant 0 : i32
      %dma_start3A_483 = tpu.memref_slice %arg4[%mul3A_2, %dma_start3A_482] : memref<16384x128xi32, #tpu.memory_space<hbm>> -> memref<512x128xi32, #tpu.memory_space<hbm>>
      tpu.enqueue_dma source(%arg6 : memref<512x128xi32, #tpu.memory_space<vmem>>) target(%dma_start3A_483 : memref<512x128xi32, #tpu.memory_space<hbm>>) target_semaphore(%run_scoped3A : memref<!tpu.dma_semaphore, #tpu.memory_space<semaphore_mem>>)
      %dma_wait3A_484 = arith.constant 0 : i32
      %dma_wait3A_485 = tpu.memref_slice %arg4[%mul3A_2, %dma_wait3A_484] : memref<16384x128xi32, #tpu.memory_space<hbm>> -> memref<512x128xi32, #tpu.memory_space<hbm>>
      %dma_wait3A_486 = arith.constant 0 : i32
      %dma_wait3A_487 = tpu.memref_slice %arg4[%mul3A_2, %dma_wait3A_486] : memref<16384x128xi32, #tpu.memory_space<hbm>> -> memref<512x128xi32, #tpu.memory_space<hbm>>
      tpu.wait_dma2 semaphore(%run_scoped3A : memref<!tpu.dma_semaphore, #tpu.memory_space<semaphore_mem>>) src(%arg6 : memref<512x128xi32, #tpu.memory_space<vmem>>) dst(%dma_wait3A_487 : memref<512x128xi32, #tpu.memory_space<hbm>>)
      tpu.yield
    }) : () -> ()
    return
  }
}

module attributes {stable_mosaic.version = 14 : i64} {
  func.func @_pack_body(%arg0: i32, %arg1: memref<64x8192xf32, #tpu.memory_space<vmem>>, %arg2: memref<64x8192xf32, #tpu.memory_space<vmem>>, %arg3: memref<64x8192xf32, #tpu.memory_space<vmem>>, %arg4: memref<64x8192xf32, #tpu.memory_space<vmem>>, %arg5: memref<8192x128xi32, #tpu.memory_space<vmem>>) attributes {dimension_semantics = [#tpu.dimension_semantics<arbitrary>], iteration_bounds = array<i64: 4>, scalar_prefetch = 0 : i64, scratch_operands = 0 : i64, tpu.core_type = #tpu.core_type<tc>, window_params = [{transform_indices = @transform_0, window_bounds = array<i64: 64, 8192>}, {transform_indices = @transform_1, window_bounds = array<i64: 64, 8192>}, {transform_indices = @transform_2, window_bounds = array<i64: 64, 8192>}, {transform_indices = @transform_3, window_bounds = array<i64: 64, 8192>}, {transform_indices = @transform_4, window_bounds = array<i64: 8192, 128>}]} {
    %get3A = arith.constant 0 : index
    %get3A_0 = arith.constant 0 : index
    %get3A_1 = vector.load %arg1[%get3A, %get3A_0] : memref<64x8192xf32, #tpu.memory_space<vmem>>, vector<64x8192xf32>
    %get3A_2 = arith.constant 0 : index
    %get3A_3 = arith.constant 0 : index
    %get3A_4 = vector.load %arg2[%get3A_2, %get3A_3] : memref<64x8192xf32, #tpu.memory_space<vmem>>, vector<64x8192xf32>
    %concatenate3A = tpu.concatenate %get3A_1, %get3A_4 in 0 : vector<64x8192xf32>, vector<64x8192xf32> -> vector<128x8192xf32>
    %transpose3A = tpu.transpose %concatenate3A, [1, 0] : vector<128x8192xf32> -> vector<8192x128xf32>
    %get3A_5 = arith.constant 0 : index
    %get3A_6 = arith.constant 0 : index
    %get3A_7 = vector.load %arg3[%get3A_5, %get3A_6] : memref<64x8192xf32, #tpu.memory_space<vmem>>, vector<64x8192xf32>
    %get3A_8 = arith.constant 0 : index
    %get3A_9 = arith.constant 0 : index
    %get3A_10 = vector.load %arg4[%get3A_8, %get3A_9] : memref<64x8192xf32, #tpu.memory_space<vmem>>, vector<64x8192xf32>
    %concatenate3A_11 = tpu.concatenate %get3A_7, %get3A_10 in 0 : vector<64x8192xf32>, vector<64x8192xf32> -> vector<128x8192xf32>
    %transpose3A_12 = tpu.transpose %concatenate3A_11, [1, 0] : vector<128x8192xf32> -> vector<8192x128xf32>
    %bitcast_convert_type3A = tpu.bitcast %transpose3A : vector<8192x128xf32> -> vector<8192x128xi32>
    %shift_right_logical3A = arith.constant 16 : i32
    %shift_right_logical3A_13 = vector.broadcast %shift_right_logical3A : i32 to vector<8192x128xi32>
    %shift_right_logical3A_14 = arith.shrui %bitcast_convert_type3A, %shift_right_logical3A_13 : vector<8192x128xi32>
    %and3A = arith.constant 1 : i32
    %and3A_15 = vector.broadcast %and3A : i32 to vector<8192x128xi32>
    %and3A_16 = arith.andi %shift_right_logical3A_14, %and3A_15 : vector<8192x128xi32>
    %add3A = arith.constant 32767 : i32
    %add3A_17 = vector.broadcast %add3A : i32 to vector<8192x128xi32>
    %add3A_18 = arith.addi %add3A_17, %and3A_16 : vector<8192x128xi32>
    %add3A_19 = arith.addi %bitcast_convert_type3A, %add3A_18 : vector<8192x128xi32>
    %shift_right_logical3A_20 = arith.constant 16 : i32
    %shift_right_logical3A_21 = vector.broadcast %shift_right_logical3A_20 : i32 to vector<8192x128xi32>
    %shift_right_logical3A_22 = arith.shrui %add3A_19, %shift_right_logical3A_21 : vector<8192x128xi32>
    %bitcast_convert_type3A_23 = tpu.bitcast %transpose3A_12 : vector<8192x128xf32> -> vector<8192x128xi32>
    %shift_right_logical3A_24 = arith.constant 16 : i32
    %shift_right_logical3A_25 = vector.broadcast %shift_right_logical3A_24 : i32 to vector<8192x128xi32>
    %shift_right_logical3A_26 = arith.shrui %bitcast_convert_type3A_23, %shift_right_logical3A_25 : vector<8192x128xi32>
    %and3A_27 = arith.constant 1 : i32
    %and3A_28 = vector.broadcast %and3A_27 : i32 to vector<8192x128xi32>
    %and3A_29 = arith.andi %shift_right_logical3A_26, %and3A_28 : vector<8192x128xi32>
    %add3A_30 = arith.constant 32767 : i32
    %add3A_31 = vector.broadcast %add3A_30 : i32 to vector<8192x128xi32>
    %add3A_32 = arith.addi %add3A_31, %and3A_29 : vector<8192x128xi32>
    %add3A_33 = arith.addi %bitcast_convert_type3A_23, %add3A_32 : vector<8192x128xi32>
    %shift_right_logical3A_34 = arith.constant 16 : i32
    %shift_right_logical3A_35 = vector.broadcast %shift_right_logical3A_34 : i32 to vector<8192x128xi32>
    %shift_right_logical3A_36 = arith.shrui %add3A_33, %shift_right_logical3A_35 : vector<8192x128xi32>
    %shift_left3A = arith.constant 16 : i32
    %shift_left3A_37 = vector.broadcast %shift_left3A : i32 to vector<8192x128xi32>
    %shift_left3A_38 = arith.shli %shift_right_logical3A_36, %shift_left3A_37 : vector<8192x128xi32>
    %or3A = arith.ori %shift_right_logical3A_22, %shift_left3A_38 : vector<8192x128xi32>
    %swap3A = arith.constant 0 : index
    %swap3A_39 = arith.constant 0 : index
    %swap3A_40 = vector.load %arg5[%swap3A, %swap3A_39] : memref<8192x128xi32, #tpu.memory_space<vmem>>, vector<8192x128xi32>
    tpu.vector_store %arg5[%swap3A, %swap3A_39], %or3A {strides = array<i32>} : memref<8192x128xi32, #tpu.memory_space<vmem>>, vector<8192x128xi32>,
    return
  }
  func.func @transform_0(%arg0: i32) -> (i32, i32) {
    %mul3A = arith.constant 4 : i32
    %mul3A_0 = arith.muli %mul3A, %arg0 : i32
    %add3A = arith.constant 0 : i32
    %add3A_1 = arith.addi %mul3A_0, %add3A : i32
    %min3A = arith.constant 12 : i32
    %min3A_2 = arith.minsi %add3A_1, %min3A : i32
    %c0_i32 = arith.constant 0 : i32
    %c0_i32_3 = arith.constant 0 : i32
    return %c0_i32, %min3A_2 : i32, i32
  }
  func.func @transform_1(%arg0: i32) -> (i32, i32) {
    %mul3A = arith.constant 4 : i32
    %mul3A_0 = arith.muli %mul3A, %arg0 : i32
    %add3A = arith.constant 1 : i32
    %add3A_1 = arith.addi %mul3A_0, %add3A : i32
    %min3A = arith.constant 12 : i32
    %min3A_2 = arith.minsi %add3A_1, %min3A : i32
    %c0_i32 = arith.constant 0 : i32
    %c0_i32_3 = arith.constant 0 : i32
    return %c0_i32, %min3A_2 : i32, i32
  }
  func.func @transform_2(%arg0: i32) -> (i32, i32) {
    %mul3A = arith.constant 4 : i32
    %mul3A_0 = arith.muli %mul3A, %arg0 : i32
    %add3A = arith.constant 2 : i32
    %add3A_1 = arith.addi %mul3A_0, %add3A : i32
    %min3A = arith.constant 12 : i32
    %min3A_2 = arith.minsi %add3A_1, %min3A : i32
    %c0_i32 = arith.constant 0 : i32
    %c0_i32_3 = arith.constant 0 : i32
    return %c0_i32, %min3A_2 : i32, i32
  }
  func.func @transform_3(%arg0: i32) -> (i32, i32) {
    %mul3A = arith.constant 4 : i32
    %mul3A_0 = arith.muli %mul3A, %arg0 : i32
    %add3A = arith.constant 3 : i32
    %add3A_1 = arith.addi %mul3A_0, %add3A : i32
    %min3A = arith.constant 12 : i32
    %min3A_2 = arith.minsi %add3A_1, %min3A : i32
    %c0_i32 = arith.constant 0 : i32
    %c0_i32_3 = arith.constant 0 : i32
    return %c0_i32, %min3A_2 : i32, i32
  }
  func.func @transform_4(%arg0: i32) -> (i32, i32) {
    %c0_i32 = arith.constant 0 : i32
    %c0_i32_0 = arith.constant 0 : i32
    return %arg0, %c0_i32 : i32, i32
  }
}

module attributes {stable_mosaic.version = 14 : i64} {
  func.func @_pack_body(%arg0: i32, %arg1: memref<64x8192xf32, #tpu.memory_space<vmem>>, %arg2: memref<64x8192xf32, #tpu.memory_space<vmem>>, %arg3: memref<64x8192xf32, #tpu.memory_space<vmem>>, %arg4: memref<64x8192xf32, #tpu.memory_space<vmem>>, %arg5: memref<8192x128xi32, #tpu.memory_space<vmem>>) attributes {dimension_semantics = [#tpu.dimension_semantics<arbitrary>], iteration_bounds = array<i64: 31>, scalar_prefetch = 0 : i64, scratch_operands = 0 : i64, tpu.core_type = #tpu.core_type<tc>, window_params = [{transform_indices = @transform_0, window_bounds = array<i64: 64, 8192>}, {transform_indices = @transform_1, window_bounds = array<i64: 64, 8192>}, {transform_indices = @transform_2, window_bounds = array<i64: 64, 8192>}, {transform_indices = @transform_3, window_bounds = array<i64: 64, 8192>}, {transform_indices = @transform_4, window_bounds = array<i64: 8192, 128>}]} {
    %get3A = arith.constant 0 : index
    %get3A_0 = arith.constant 0 : index
    %get3A_1 = vector.load %arg1[%get3A, %get3A_0] : memref<64x8192xf32, #tpu.memory_space<vmem>>, vector<64x8192xf32>
    %get3A_2 = arith.constant 0 : index
    %get3A_3 = arith.constant 0 : index
    %get3A_4 = vector.load %arg2[%get3A_2, %get3A_3] : memref<64x8192xf32, #tpu.memory_space<vmem>>, vector<64x8192xf32>
    %concatenate3A = tpu.concatenate %get3A_1, %get3A_4 in 0 : vector<64x8192xf32>, vector<64x8192xf32> -> vector<128x8192xf32>
    %transpose3A = tpu.transpose %concatenate3A, [1, 0] : vector<128x8192xf32> -> vector<8192x128xf32>
    %get3A_5 = arith.constant 0 : index
    %get3A_6 = arith.constant 0 : index
    %get3A_7 = vector.load %arg3[%get3A_5, %get3A_6] : memref<64x8192xf32, #tpu.memory_space<vmem>>, vector<64x8192xf32>
    %get3A_8 = arith.constant 0 : index
    %get3A_9 = arith.constant 0 : index
    %get3A_10 = vector.load %arg4[%get3A_8, %get3A_9] : memref<64x8192xf32, #tpu.memory_space<vmem>>, vector<64x8192xf32>
    %concatenate3A_11 = tpu.concatenate %get3A_7, %get3A_10 in 0 : vector<64x8192xf32>, vector<64x8192xf32> -> vector<128x8192xf32>
    %transpose3A_12 = tpu.transpose %concatenate3A_11, [1, 0] : vector<128x8192xf32> -> vector<8192x128xf32>
    %bitcast_convert_type3A = tpu.bitcast %transpose3A : vector<8192x128xf32> -> vector<8192x128xi32>
    %shift_right_logical3A = arith.constant 16 : i32
    %shift_right_logical3A_13 = vector.broadcast %shift_right_logical3A : i32 to vector<8192x128xi32>
    %shift_right_logical3A_14 = arith.shrui %bitcast_convert_type3A, %shift_right_logical3A_13 : vector<8192x128xi32>
    %and3A = arith.constant 1 : i32
    %and3A_15 = vector.broadcast %and3A : i32 to vector<8192x128xi32>
    %and3A_16 = arith.andi %shift_right_logical3A_14, %and3A_15 : vector<8192x128xi32>
    %add3A = arith.constant 32767 : i32
    %add3A_17 = vector.broadcast %add3A : i32 to vector<8192x128xi32>
    %add3A_18 = arith.addi %add3A_17, %and3A_16 : vector<8192x128xi32>
    %add3A_19 = arith.addi %bitcast_convert_type3A, %add3A_18 : vector<8192x128xi32>
    %shift_right_logical3A_20 = arith.constant 16 : i32
    %shift_right_logical3A_21 = vector.broadcast %shift_right_logical3A_20 : i32 to vector<8192x128xi32>
    %shift_right_logical3A_22 = arith.shrui %add3A_19, %shift_right_logical3A_21 : vector<8192x128xi32>
    %bitcast_convert_type3A_23 = tpu.bitcast %transpose3A_12 : vector<8192x128xf32> -> vector<8192x128xi32>
    %shift_right_logical3A_24 = arith.constant 16 : i32
    %shift_right_logical3A_25 = vector.broadcast %shift_right_logical3A_24 : i32 to vector<8192x128xi32>
    %shift_right_logical3A_26 = arith.shrui %bitcast_convert_type3A_23, %shift_right_logical3A_25 : vector<8192x128xi32>
    %and3A_27 = arith.constant 1 : i32
    %and3A_28 = vector.broadcast %and3A_27 : i32 to vector<8192x128xi32>
    %and3A_29 = arith.andi %shift_right_logical3A_26, %and3A_28 : vector<8192x128xi32>
    %add3A_30 = arith.constant 32767 : i32
    %add3A_31 = vector.broadcast %add3A_30 : i32 to vector<8192x128xi32>
    %add3A_32 = arith.addi %add3A_31, %and3A_29 : vector<8192x128xi32>
    %add3A_33 = arith.addi %bitcast_convert_type3A_23, %add3A_32 : vector<8192x128xi32>
    %shift_right_logical3A_34 = arith.constant 16 : i32
    %shift_right_logical3A_35 = vector.broadcast %shift_right_logical3A_34 : i32 to vector<8192x128xi32>
    %shift_right_logical3A_36 = arith.shrui %add3A_33, %shift_right_logical3A_35 : vector<8192x128xi32>
    %shift_left3A = arith.constant 16 : i32
    %shift_left3A_37 = vector.broadcast %shift_left3A : i32 to vector<8192x128xi32>
    %shift_left3A_38 = arith.shli %shift_right_logical3A_36, %shift_left3A_37 : vector<8192x128xi32>
    %or3A = arith.ori %shift_right_logical3A_22, %shift_left3A_38 : vector<8192x128xi32>
    %swap3A = arith.constant 0 : index
    %swap3A_39 = arith.constant 0 : index
    %swap3A_40 = vector.load %arg5[%swap3A, %swap3A_39] : memref<8192x128xi32, #tpu.memory_space<vmem>>, vector<8192x128xi32>
    tpu.vector_store %arg5[%swap3A, %swap3A_39], %or3A {strides = array<i32>} : memref<8192x128xi32, #tpu.memory_space<vmem>>, vector<8192x128xi32>,
    return
  }
  func.func @transform_0(%arg0: i32) -> (i32, i32) {
    %mul3A = arith.constant 4 : i32
    %mul3A_0 = arith.muli %mul3A, %arg0 : i32
    %add3A = arith.constant 0 : i32
    %add3A_1 = arith.addi %mul3A_0, %add3A : i32
    %min3A = arith.constant 122 : i32
    %min3A_2 = arith.minsi %add3A_1, %min3A : i32
    %c0_i32 = arith.constant 0 : i32
    %c0_i32_3 = arith.constant 0 : i32
    return %c0_i32, %min3A_2 : i32, i32
  }
  func.func @transform_1(%arg0: i32) -> (i32, i32) {
    %mul3A = arith.constant 4 : i32
    %mul3A_0 = arith.muli %mul3A, %arg0 : i32
    %add3A = arith.constant 1 : i32
    %add3A_1 = arith.addi %mul3A_0, %add3A : i32
    %min3A = arith.constant 122 : i32
    %min3A_2 = arith.minsi %add3A_1, %min3A : i32
    %c0_i32 = arith.constant 0 : i32
    %c0_i32_3 = arith.constant 0 : i32
    return %c0_i32, %min3A_2 : i32, i32
  }
  func.func @transform_2(%arg0: i32) -> (i32, i32) {
    %mul3A = arith.constant 4 : i32
    %mul3A_0 = arith.muli %mul3A, %arg0 : i32
    %add3A = arith.constant 2 : i32
    %add3A_1 = arith.addi %mul3A_0, %add3A : i32
    %min3A = arith.constant 122 : i32
    %min3A_2 = arith.minsi %add3A_1, %min3A : i32
    %c0_i32 = arith.constant 0 : i32
    %c0_i32_3 = arith.constant 0 : i32
    return %c0_i32, %min3A_2 : i32, i32
  }
  func.func @transform_3(%arg0: i32) -> (i32, i32) {
    %mul3A = arith.constant 4 : i32
    %mul3A_0 = arith.muli %mul3A, %arg0 : i32
    %add3A = arith.constant 3 : i32
    %add3A_1 = arith.addi %mul3A_0, %add3A : i32
    %min3A = arith.constant 122 : i32
    %min3A_2 = arith.minsi %add3A_1, %min3A : i32
    %c0_i32 = arith.constant 0 : i32
    %c0_i32_3 = arith.constant 0 : i32
    return %c0_i32, %min3A_2 : i32, i32
  }
  func.func @transform_4(%arg0: i32) -> (i32, i32) {
    %c0_i32 = arith.constant 0 : i32
    %c0_i32_0 = arith.constant 0 : i32
    return %arg0, %c0_i32 : i32, i32
  }
}

module attributes {stable_mosaic.version = 14 : i64} {
  func.func @_mlp_body(%arg0: i32, %arg1: memref<4096x128xi32, #tpu.memory_space<vmem>>, %arg2: memref<4096x128xi32, #tpu.memory_space<vmem>>, %arg3: memref<4096x1xf32, #tpu.memory_space<vmem>>, %arg4: memref<4096x1xf32, #tpu.memory_space<vmem>>, %arg5: memref<64x128xf32, #tpu.memory_space<vmem>>, %arg6: memref<64x128xf32, #tpu.memory_space<vmem>>, %arg7: memref<1x128xf32, #tpu.memory_space<vmem>>, %arg8: memref<128x64xf32, #tpu.memory_space<vmem>>, %arg9: memref<1x64xf32, #tpu.memory_space<vmem>>, %arg10: memref<64x1xf32, #tpu.memory_space<vmem>>, %arg11: memref<1x1xf32, #tpu.memory_space<vmem>>, %arg12: memref<4096x1xf32, #tpu.memory_space<vmem>>) attributes {dimension_semantics = [#tpu.dimension_semantics<arbitrary>], iteration_bounds = array<i64: 4>, scalar_prefetch = 0 : i64, scratch_operands = 0 : i64, tpu.core_type = #tpu.core_type<tc>, window_params = [{transform_indices = @transform_0, window_bounds = array<i64: 4096, 128>}, {transform_indices = @transform_1, window_bounds = array<i64: 4096, 128>}, {transform_indices = @transform_2, window_bounds = array<i64: 4096, 1>}, {transform_indices = @transform_3, window_bounds = array<i64: 4096, 1>}, {pipeline_mode = #tpu.pipeline_mode<synchronous>, transform_indices = @transform_4, window_bounds = array<i64: 64, 128>}, {pipeline_mode = #tpu.pipeline_mode<synchronous>, transform_indices = @transform_5, window_bounds = array<i64: 64, 128>}, {pipeline_mode = #tpu.pipeline_mode<synchronous>, transform_indices = @transform_6, window_bounds = array<i64: 1, 128>}, {pipeline_mode = #tpu.pipeline_mode<synchronous>, transform_indices = @transform_7, window_bounds = array<i64: 128, 64>}, {pipeline_mode = #tpu.pipeline_mode<synchronous>, transform_indices = @transform_8, window_bounds = array<i64: 1, 64>}, {pipeline_mode = #tpu.pipeline_mode<synchronous>, transform_indices = @transform_9, window_bounds = array<i64: 64, 1>}, {pipeline_mode = #tpu.pipeline_mode<synchronous>, transform_indices = @transform_10, window_bounds = array<i64: 1, 1>}, {transform_indices = @transform_11, window_bounds = array<i64: 4096, 1>}]} {
    %broadcast_in_dim3A = arith.constant 1.000000e+00 : f32
    %broadcast_in_dim3A_0 = vector.broadcast %broadcast_in_dim3A : f32 to vector<1x64xf32>
    %get3A = arith.constant 0 : index
    %get3A_1 = arith.constant 0 : index
    %get3A_2 = vector.load %arg1[%get3A, %get3A_1] : memref<4096x128xi32, #tpu.memory_space<vmem>>, vector<4096x128xi32>
    %get3A_3 = arith.constant 0 : index
    %get3A_4 = arith.constant 0 : index
    %get3A_5 = vector.load %arg3[%get3A_3, %get3A_4] : memref<4096x1xf32, #tpu.memory_space<vmem>>, vector<4096x1xf32>
    %dot_general3A = arith.constant dense<0.000000e+00> : vector<4096x64xf32>
    %dot_general3A_6 = tpu.matmul %get3A_5, %broadcast_in_dim3A_0, %dot_general3A {dimension_numbers = #tpu.dot_dimension_numbers<[1], [0], [0], [1], [0, 0, 1, 1], [], []>, transpose_lhs_hint = false} : vector<4096x1xf32>, vector<1x64xf32>, vector<4096x64xf32> -> vector<4096x64xf32>
    %jit3A = arith.constant 2.000000e+00 : f32
    %rem3A = vector.broadcast %jit3A : f32 to vector<4096x64xf32>
    %rem3A_7 = arith.remf %dot_general3A_6, %rem3A : vector<4096x64xf32>
    %ne3A = arith.constant 0.000000e+00 : f32
    %ne3A_8 = vector.broadcast %ne3A : f32 to vector<4096x64xf32>
    %ne3A_9 = arith.cmpf one, %rem3A_7, %ne3A_8 : vector<4096x64xf32>
    %lt3A = arith.constant 0.000000e+00 : f32
    %lt3A_10 = vector.broadcast %lt3A : f32 to vector<4096x64xf32>
    %lt3A_11 = arith.cmpf olt, %rem3A_7, %lt3A_10 : vector<4096x64xf32>
    %lt3A_12 = arith.constant 0.000000e+00 : f32
    %lt3A_13 = arith.cmpf olt, %jit3A, %lt3A_12 : f32
    %ne3A_14 = vector.broadcast %lt3A_13 : i1 to vector<4096x64xi1>
    %ne3A_15 = vector.broadcast %ne3A_14 : vector<4096x64xi1> to vector<4096x64xi1>
    %ne3A_16 = arith.xori %lt3A_11, %ne3A_15 : vector<4096x64xi1>
    %and3A = arith.andi %ne3A_16, %ne3A_9 : vector<4096x64xi1>
    %add3A = vector.broadcast %jit3A : f32 to vector<4096x64xf32>
    %add3A_17 = arith.addf %rem3A_7, %add3A : vector<4096x64xf32>
    %select_n3A = arith.select %and3A, %add3A_17, %rem3A_7 : vector<4096x64xi1>, vector<4096x64xf32>
    %gt3A = arith.constant 5.000000e-01 : f32
    %gt3A_18 = vector.broadcast %gt3A : f32 to vector<4096x64xf32>
    %gt3A_19 = arith.cmpf ogt, %select_n3A, %gt3A_18 : vector<4096x64xf32>
    %slice3A = vector.extract_strided_slice %get3A_2 {offsets = [0, 64], sizes = [4096, 64], strides = [1, 1]} : vector<4096x128xi32> to vector<4096x64xi32>
    %slice3A_20 = vector.extract_strided_slice %get3A_2 {offsets = [0, 0], sizes = [4096, 64], strides = [1, 1]} : vector<4096x128xi32> to vector<4096x64xi32>
    %select_n3A_21 = arith.select %gt3A_19, %slice3A, %slice3A_20 : vector<4096x64xi1>, vector<4096x64xi32>
    %shift_left3A = arith.constant 16 : i32
    %shift_left3A_22 = vector.broadcast %shift_left3A : i32 to vector<4096x64xi32>
    %shift_left3A_23 = arith.shli %select_n3A_21, %shift_left3A_22 : vector<4096x64xi32>
    %bitcast_convert_type3A = tpu.bitcast %shift_left3A_23 : vector<4096x64xi32> -> vector<4096x64xf32>
    %and3A_24 = arith.constant -65536 : i32
    %and3A_25 = vector.broadcast %and3A_24 : i32 to vector<4096x64xi32>
    %and3A_26 = arith.andi %select_n3A_21, %and3A_25 : vector<4096x64xi32>
    %bitcast_convert_type3A_27 = tpu.bitcast %and3A_26 : vector<4096x64xi32> -> vector<4096x64xf32>
    %gt3A_28 = arith.constant 1.500000e+00 : f32
    %gt3A_29 = vector.broadcast %gt3A_28 : f32 to vector<4096x64xf32>
    %gt3A_30 = arith.cmpf ogt, %dot_general3A_6, %gt3A_29 : vector<4096x64xf32>
    %select_n3A_31 = arith.select %gt3A_30, %bitcast_convert_type3A_27, %bitcast_convert_type3A : vector<4096x64xi1>, vector<4096x64xf32>
    %get3A_32 = arith.constant 0 : index
    %get3A_33 = arith.constant 0 : index
    %get3A_34 = vector.load %arg2[%get3A_32, %get3A_33] : memref<4096x128xi32, #tpu.memory_space<vmem>>, vector<4096x128xi32>
    %get3A_35 = arith.constant 0 : index
    %get3A_36 = arith.constant 0 : index
    %get3A_37 = vector.load %arg4[%get3A_35, %get3A_36] : memref<4096x1xf32, #tpu.memory_space<vmem>>, vector<4096x1xf32>
    %dot_general3A_38 = arith.constant dense<0.000000e+00> : vector<4096x64xf32>
    %dot_general3A_39 = tpu.matmul %get3A_37, %broadcast_in_dim3A_0, %dot_general3A_38 {dimension_numbers = #tpu.dot_dimension_numbers<[1], [0], [0], [1], [0, 0, 1, 1], [], []>, transpose_lhs_hint = false} : vector<4096x1xf32>, vector<1x64xf32>, vector<4096x64xf32> -> vector<4096x64xf32>
    %jit3A_40 = arith.constant 2.000000e+00 : f32
    %rem3A_41 = vector.broadcast %jit3A_40 : f32 to vector<4096x64xf32>
    %rem3A_42 = arith.remf %dot_general3A_39, %rem3A_41 : vector<4096x64xf32>
    %ne3A_43 = arith.constant 0.000000e+00 : f32
    %ne3A_44 = vector.broadcast %ne3A_43 : f32 to vector<4096x64xf32>
    %ne3A_45 = arith.cmpf one, %rem3A_42, %ne3A_44 : vector<4096x64xf32>
    %lt3A_46 = arith.constant 0.000000e+00 : f32
    %lt3A_47 = vector.broadcast %lt3A_46 : f32 to vector<4096x64xf32>
    %lt3A_48 = arith.cmpf olt, %rem3A_42, %lt3A_47 : vector<4096x64xf32>
    %lt3A_49 = arith.constant 0.000000e+00 : f32
    %lt3A_50 = arith.cmpf olt, %jit3A_40, %lt3A_49 : f32
    %ne3A_51 = vector.broadcast %lt3A_50 : i1 to vector<4096x64xi1>
    %ne3A_52 = vector.broadcast %ne3A_51 : vector<4096x64xi1> to vector<4096x64xi1>
    %ne3A_53 = arith.xori %lt3A_48, %ne3A_52 : vector<4096x64xi1>
    %and3A_54 = arith.andi %ne3A_53, %ne3A_45 : vector<4096x64xi1>
    %add3A_55 = vector.broadcast %jit3A_40 : f32 to vector<4096x64xf32>
    %add3A_56 = arith.addf %rem3A_42, %add3A_55 : vector<4096x64xf32>
    %select_n3A_57 = arith.select %and3A_54, %add3A_56, %rem3A_42 : vector<4096x64xi1>, vector<4096x64xf32>
    %gt3A_58 = arith.constant 5.000000e-01 : f32
    %gt3A_59 = vector.broadcast %gt3A_58 : f32 to vector<4096x64xf32>
    %gt3A_60 = arith.cmpf ogt, %select_n3A_57, %gt3A_59 : vector<4096x64xf32>
    %slice3A_61 = vector.extract_strided_slice %get3A_34 {offsets = [0, 64], sizes = [4096, 64], strides = [1, 1]} : vector<4096x128xi32> to vector<4096x64xi32>
    %slice3A_62 = vector.extract_strided_slice %get3A_34 {offsets = [0, 0], sizes = [4096, 64], strides = [1, 1]} : vector<4096x128xi32> to vector<4096x64xi32>
    %select_n3A_63 = arith.select %gt3A_60, %slice3A_61, %slice3A_62 : vector<4096x64xi1>, vector<4096x64xi32>
    %shift_left3A_64 = arith.constant 16 : i32
    %shift_left3A_65 = vector.broadcast %shift_left3A_64 : i32 to vector<4096x64xi32>
    %shift_left3A_66 = arith.shli %select_n3A_63, %shift_left3A_65 : vector<4096x64xi32>
    %bitcast_convert_type3A_67 = tpu.bitcast %shift_left3A_66 : vector<4096x64xi32> -> vector<4096x64xf32>
    %and3A_68 = arith.constant -65536 : i32
    %and3A_69 = vector.broadcast %and3A_68 : i32 to vector<4096x64xi32>
    %and3A_70 = arith.andi %select_n3A_63, %and3A_69 : vector<4096x64xi32>
    %bitcast_convert_type3A_71 = tpu.bitcast %and3A_70 : vector<4096x64xi32> -> vector<4096x64xf32>
    %gt3A_72 = arith.constant 1.500000e+00 : f32
    %gt3A_73 = vector.broadcast %gt3A_72 : f32 to vector<4096x64xf32>
    %gt3A_74 = arith.cmpf ogt, %dot_general3A_39, %gt3A_73 : vector<4096x64xf32>
    %select_n3A_75 = arith.select %gt3A_74, %bitcast_convert_type3A_71, %bitcast_convert_type3A_67 : vector<4096x64xi1>, vector<4096x64xf32>
    %get3A_76 = arith.constant 0 : index
    %get3A_77 = arith.constant 0 : index
    %get3A_78 = vector.load %arg5[%get3A_76, %get3A_77] : memref<64x128xf32, #tpu.memory_space<vmem>>, vector<64x128xf32>
    %dot_general3A_79 = arith.constant dense<0.000000e+00> : vector<4096x128xf32>
    %dot_general3A_80 = tpu.matmul %select_n3A_31, %get3A_78, %dot_general3A_79 {dimension_numbers = #tpu.dot_dimension_numbers<[1], [0], [0], [1], [0, 0, 1, 1], [], []>, transpose_lhs_hint = false} : vector<4096x64xf32>, vector<64x128xf32>, vector<4096x128xf32> -> vector<4096x128xf32>
    %get3A_81 = arith.constant 0 : index
    %get3A_82 = arith.constant 0 : index
    %get3A_83 = vector.load %arg6[%get3A_81, %get3A_82] : memref<64x128xf32, #tpu.memory_space<vmem>>, vector<64x128xf32>
    %dot_general3A_84 = arith.constant dense<0.000000e+00> : vector<4096x128xf32>
    %dot_general3A_85 = tpu.matmul %select_n3A_75, %get3A_83, %dot_general3A_84 {dimension_numbers = #tpu.dot_dimension_numbers<[1], [0], [0], [1], [0, 0, 1, 1], [], []>, transpose_lhs_hint = false} : vector<4096x64xf32>, vector<64x128xf32>, vector<4096x128xf32> -> vector<4096x128xf32>
    %add3A_86 = arith.addf %dot_general3A_80, %dot_general3A_85 : vector<4096x128xf32>
    %get3A_87 = arith.constant 0 : index
    %get3A_88 = arith.constant 0 : index
    %get3A_89 = vector.load %arg7[%get3A_87, %get3A_88] : memref<1x128xf32, #tpu.memory_space<vmem>>, vector<1x128xf32>
    %add3A_90 = vector.broadcast %get3A_89 : vector<1x128xf32> to vector<4096x128xf32>
    %add3A_91 = arith.addf %add3A_86, %add3A_90 : vector<4096x128xf32>
    %max3A = arith.constant 0.000000e+00 : f32
    %max3A_92 = vector.broadcast %max3A : f32 to vector<4096x128xf32>
    %max3A_93 = arith.maximumf %add3A_91, %max3A_92 : vector<4096x128xf32>
    %get3A_94 = arith.constant 0 : index
    %get3A_95 = arith.constant 0 : index
    %get3A_96 = vector.load %arg8[%get3A_94, %get3A_95] : memref<128x64xf32, #tpu.memory_space<vmem>>, vector<128x64xf32>
    %dot_general3A_97 = arith.constant dense<0.000000e+00> : vector<4096x64xf32>
    %dot_general3A_98 = tpu.matmul %max3A_93, %get3A_96, %dot_general3A_97 {dimension_numbers = #tpu.dot_dimension_numbers<[1], [0], [0], [1], [0, 0, 1, 1], [], []>, transpose_lhs_hint = false} : vector<4096x128xf32>, vector<128x64xf32>, vector<4096x64xf32> -> vector<4096x64xf32>
    %get3A_99 = arith.constant 0 : index
    %get3A_100 = arith.constant 0 : index
    %get3A_101 = vector.load %arg9[%get3A_99, %get3A_100] : memref<1x64xf32, #tpu.memory_space<vmem>>, vector<1x64xf32>
    %add3A_102 = vector.broadcast %get3A_101 : vector<1x64xf32> to vector<4096x64xf32>
    %add3A_103 = arith.addf %dot_general3A_98, %add3A_102 : vector<4096x64xf32>
    %max3A_104 = arith.constant 0.000000e+00 : f32
    %max3A_105 = vector.broadcast %max3A_104 : f32 to vector<4096x64xf32>
    %max3A_106 = arith.maximumf %add3A_103, %max3A_105 : vector<4096x64xf32>
    %get3A_107 = arith.constant 0 : index
    %get3A_108 = arith.constant 0 : index
    %get3A_109 = vector.load %arg10[%get3A_107, %get3A_108] : memref<64x1xf32, #tpu.memory_space<vmem>>, vector<64x1xf32>
    %dot_general3A_110 = arith.constant dense<0.000000e+00> : vector<4096x1xf32>
    %dot_general3A_111 = tpu.matmul %max3A_106, %get3A_109, %dot_general3A_110 {dimension_numbers = #tpu.dot_dimension_numbers<[1], [0], [0], [1], [0, 0, 1, 1], [], []>, transpose_lhs_hint = false} : vector<4096x64xf32>, vector<64x1xf32>, vector<4096x1xf32> -> vector<4096x1xf32>
    %get3A_112 = arith.constant 0 : index
    %get3A_113 = arith.constant 0 : index
    %get3A_114 = vector.load %arg11[%get3A_112, %get3A_113] : memref<1x1xf32, #tpu.memory_space<vmem>>, vector<1x1xf32>
    %add3A_115 = vector.broadcast %get3A_114 : vector<1x1xf32> to vector<4096x1xf32>
    %add3A_116 = arith.addf %dot_general3A_111, %add3A_115 : vector<4096x1xf32>
    %swap3A = arith.constant 0 : index
    %swap3A_117 = arith.constant 0 : index
    %swap3A_118 = vector.load %arg12[%swap3A, %swap3A_117] : memref<4096x1xf32, #tpu.memory_space<vmem>>, vector<4096x1xf32>
    tpu.vector_store %arg12[%swap3A, %swap3A_117], %add3A_116 {strides = array<i32>} : memref<4096x1xf32, #tpu.memory_space<vmem>>, vector<4096x1xf32>,
    return
  }
  func.func @transform_0(%arg0: i32) -> (i32, i32) {
    %c0_i32 = arith.constant 0 : i32
    %c0_i32_0 = arith.constant 0 : i32
    return %arg0, %c0_i32 : i32, i32
  }
  func.func @transform_1(%arg0: i32) -> (i32, i32) {
    %c0_i32 = arith.constant 0 : i32
    %c0_i32_0 = arith.constant 0 : i32
    return %arg0, %c0_i32 : i32, i32
  }
  func.func @transform_2(%arg0: i32) -> (i32, i32) {
    %c0_i32 = arith.constant 0 : i32
    %c0_i32_0 = arith.constant 0 : i32
    return %arg0, %c0_i32 : i32, i32
  }
  func.func @transform_3(%arg0: i32) -> (i32, i32) {
    %c0_i32 = arith.constant 0 : i32
    %c0_i32_0 = arith.constant 0 : i32
    return %arg0, %c0_i32 : i32, i32
  }
  func.func @transform_4(%arg0: i32) -> (i32, i32) {
    %c0_i32 = arith.constant 0 : i32
    %c0_i32_0 = arith.constant 0 : i32
    %c0_i32_1 = arith.constant 0 : i32
    return %c0_i32, %c0_i32_0 : i32, i32
  }
  func.func @transform_5(%arg0: i32) -> (i32, i32) {
    %c0_i32 = arith.constant 0 : i32
    %c0_i32_0 = arith.constant 0 : i32
    %c0_i32_1 = arith.constant 0 : i32
    return %c0_i32, %c0_i32_0 : i32, i32
  }
  func.func @transform_6(%arg0: i32) -> (i32, i32) {
    %c0_i32 = arith.constant 0 : i32
    %c0_i32_0 = arith.constant 0 : i32
    %c0_i32_1 = arith.constant 0 : i32
    return %c0_i32, %c0_i32_0 : i32, i32
  }
  func.func @transform_7(%arg0: i32) -> (i32, i32) {
    %c0_i32 = arith.constant 0 : i32
    %c0_i32_0 = arith.constant 0 : i32
    %c0_i32_1 = arith.constant 0 : i32
    return %c0_i32, %c0_i32_0 : i32, i32
  }
  func.func @transform_8(%arg0: i32) -> (i32, i32) {
    %c0_i32 = arith.constant 0 : i32
    %c0_i32_0 = arith.constant 0 : i32
    %c0_i32_1 = arith.constant 0 : i32
    return %c0_i32, %c0_i32_0 : i32, i32
  }
  func.func @transform_9(%arg0: i32) -> (i32, i32) {
    %c0_i32 = arith.constant 0 : i32
    %c0_i32_0 = arith.constant 0 : i32
    %c0_i32_1 = arith.constant 0 : i32
    return %c0_i32, %c0_i32_0 : i32, i32
  }
  func.func @transform_10(%arg0: i32) -> (i32, i32) {
    %c0_i32 = arith.constant 0 : i32
    %c0_i32_0 = arith.constant 0 : i32
    %c0_i32_1 = arith.constant 0 : i32
    return %c0_i32, %c0_i32_0 : i32, i32
  }
  func.func @transform_11(%arg0: i32) -> (i32, i32) {
    %c0_i32 = arith.constant 0 : i32
    %c0_i32_0 = arith.constant 0 : i32
    return %arg0, %c0_i32 : i32, i32
  }
}

</mosaic_0001>

<sc_bundles>
// kernel: kernel.10.cloned.1.call-start
scs
__scs_entry_jumppad:
0x0: {  	(pc) =	sbr.rel $0x88, $3  }
0x1: {  	(tag) =	ssettag $0x0;
	lr =	simm.s32 $0x1  }
0x2: {  	[smem:$0x3F97] =	sst lr;
	_ =	strace $0xD0000000  }
0x3: {  	_ = 	snop  }
0x4: {  	_ = 	snop  }
0x5: {  	_ = 	snop  }
0x6: {  	_ = 	snop  }
0x7: {  	_ = 	snop  }
__scs_overlays_trampoline_lowered:
0x8: {  	[smem:$0x3FA6] =	sst s0  }
0x9: {  	[smem:$0x3FA7] =	sst s1  }
0xa: {  	[smem:$0x3FA8] =	sst s2  }
0xb: {  	[smem:$0x3FA9] =	sst s3  }
0xc: {  	[smem:$0x3FAA] =	sst s4  }
0xd: {  	[smem:$0x3FAB] =	sst s5  }
0xe: {  	[smem:$0x3FAC] =	sst s6  }
0xf: {  	[smem:$0x3FAD] =	sst s7  }
0x10: {  	[smem:$0x3FAE] =	sst s8  }
0x11: {  	[smem:$0x3FAF] =	sst s9;
	s0 =	simm.s32 @!p0 $0x0  }
0x12: {  	s1 =	sld [smem:$0x3F95];
	s0 =	simm.s32 @p0 $0x1  }
0x13: {  	[smem:$0x3FB0] =	sst s0;
	s0 =	simm.s32 @!p1 $0x0  }
0x14: {  	s2 =	sld [smem:$0x3F94];
	s0 =	simm.s32 @p1 $0x1  }
0x15: {  	[smem:$0x3FB1] =	sst s0;
	s0 =	simm.s32 @!p2 $0x0  }
0x16: {  	s3 =	sld [smem:$0x3FDB];
	s0 =	simm.s32 @p2 $0x1  }
0x17: {  	s4 =	simm.s32 $0x1BF5;
	[smem:$0x3FB3] =	sst s0  }
0x18: {  	s0 =	sld [smem:$0x3F96];
	_ =	swait.ge [sflag:s4], $0x0  }
0x19: {  	s7 =	sld [smem:$0x3F97]  }
0x1a: {  	s8 =	sadd.s32 $0xFFFFE003, lr  }
0x1b: {  	s9 =	sadd.s32 $0xFFFFFEF7, lr;
	s5 =	simm.s32 $0xFFFFFFFF;
	p2 =	slt.u32 s8, $0xFFFFF086  }
0x1c: {  	p1 =	slt.u32 s9, $0xF7A;
	s5 =	simm.s32 @!p2 $0x0  }
0x1d: {  	s5 =	simm.s32 @p1 $0x1;
	p0 =	seq.s32 s7, s2  }
0x1e: {  	s7 =	smul.u32 @!p0 $0xF7A, s2;
	p2 =	seq.s32 @!p0 s5, $0x0  }
0x1f: {  	s9 =	smul.u32 $0xF7A, s1;
	s8 =	simm.s32 @!p0 $0x1BF5;
	p2 =	por !p2, p0  }
0x20: {  	[sflag:s8] =	ssyncset.s32 @!p0 $0xFFFFF086;
	s6 =	sadd.s32 @!p0 s3, s7;
	s7 =	simm.s32 @!p0 $0x108  }
0x21: {  	s3 =	sadd.s32 s3, s9;
	s6 =	sadd.s32 @!p0 $0x88, s6;
	s7 =	simm.s32 @p2 $0x1082  }
0x22: {  	[simem:s7], [sflag:s8] =	dma.local @!p0 [hbm:s6], $0xF7A  }
0x23: {  	s9 =	sor.u32 $0xD0000000, s2;
	s6 =	simm.s32 $0x108;
	_ =	swait.ge @!p0 [sflag:s8], $0x0  }
0x24: {  	s3 =	sadd.s32 $0x88, s3;
	s6 =	simm.s32 @!p1 $0x1082;
	[sflag:s4] =	ssyncset.s32 $0xFFFFF086  }
0x25: {  	[simem:s6], [sflag:s4] =	dma.local [hbm:s3], $0xF7A  }
0x26: {  	[smem:$0x3F97] =	sst s1;
	(tag) =	ssettag s2;
	_ =	strace s9  }
0x27: {  	s1 =	sld [smem:$0x3FA7]  }
0x28: {  	s2 =	sld [smem:$0x3FA8]  }
0x29: {  	s4 =	sld [smem:$0x3FAA]  }
0x2a: {  	p0 =	seq.s32 s5, $0x0;
	s5 =	sld [smem:$0x3FAB]  }
0x2b: {  	s6 =	sld [smem:$0x3FAC]  }
0x2c: {  	s7 =	sld [smem:$0x3FAD]  }
0x2d: {  	s3 =	simm.s32 $0x108;
	s8 =	sld [smem:$0x3FAE]  }
0x2e: {  	s3 =	simm.s32 @!p0 $0x1082;
	s9 =	sld [smem:$0x3FAF]  }
0x2f: {  	lr =	sadd.s32 s0, s3;
	s0 =	sld [smem:$0x3FA6]  }
0x30: {  	s3 =	sld [smem:$0x3FA9]  }
0x31: {  	[smem:$0x3FB2] =	sst s10  }
0x32: {  	s10 =	sld [smem:$0x3FB0];
	_ =	sdelay $0x3  }
0x33: {  	p0 =	seq.s32 s10, $0x1;
	s10 =	sld [smem:$0x3FB2];
	_ =	sdelay $0x3  }
0x34: {  	[smem:$0x3FB2] =	sst s10  }
0x35: {  	s10 =	sld [smem:$0x3FB1];
	_ =	sdelay $0x3  }
0x36: {  	p1 =	seq.s32 s10, $0x1;
	s10 =	sld [smem:$0x3FB2];
	_ =	sdelay $0x3  }
0x37: {  	[smem:$0x3FB2] =	sst s10  }
0x38: {  	s10 =	sld [smem:$0x3FB3]  }
0x39: {  	_ = 	snop;
	(pc) =	sbr.ind lr, $3  }
0x3a: {  	_ = 	snop  }
0x3b: {  	_ = 	snop  }
0x3c: {  	p2 =	seq.s32 s10, $0x1;
	s10 =	sld [smem:$0x3FB2]  }
0x3d: {  	_ =	shalt  }
0x3e: {  	_ =	shalt  }
0x3f: {  	_ =	shalt  }
0x40: {  	_ =	shalt  }
0x41: {  	_ =	shalt  }
0x42: {  	_ =	shalt  }
0x43: {  	_ =	shalt  }
0x44: {  	_ =	shalt  }
0x45: {  	_ =	shalt  }
0x46: {  	_ =	shalt  }
0x47: {  	_ =	shalt  }
0x48: {  	_ =	shalt  }
0x49: {  	_ =	shalt  }
0x4a: {  	_ =	shalt  }
0x4b: {  	_ =	shalt  }
0x4c: {  	_ =	shalt  }
0x4d: {  	_ =	shalt  }
0x4e: {  	_ =	shalt  }
0x4f: {  	_ =	shalt  }
0x50: {  	_ =	shalt  }
0x51: {  	_ =	shalt  }
0x52: {  	_ =	shalt  }
0x53: {  	_ =	shalt  }
0x54: {  	_ =	shalt  }
0x55: {  	_ =	shalt  }
0x56: {  	_ =	shalt  }
0x57: {  	_ =	shalt  }
0x58: {  	_ =	shalt  }
0x59: {  	_ =	shalt  }
0x5a: {  	_ =	shalt  }
0x5b: {  	_ =	shalt  }
0x5c: {  	_ =	shalt  }
0x5d: {  	_ =	shalt  }
0x5e: {  	_ =	shalt  }
0x5f: {  	_ =	shalt  }
0x60: {  	_ =	shalt  }
0x61: {  	_ =	shalt  }
0x62: {  	_ =	shalt  }
0x63: {  	_ =	shalt  }
0x64: {  	_ =	shalt  }
0x65: {  	_ =	shalt  }
0x66: {  	_ =	shalt  }
0x67: {  	_ =	shalt  }
0x68: {  	_ =	shalt  }
0x69: {  	_ =	shalt  }
0x6a: {  	_ =	shalt  }
0x6b: {  	_ =	shalt  }
0x6c: {  	_ =	shalt  }
0x6d: {  	_ =	shalt  }
0x6e: {  	_ =	shalt  }
0x6f: {  	_ =	shalt  }
0x70: {  	_ =	shalt  }
0x71: {  	_ =	shalt  }
0x72: {  	_ =	shalt  }
0x73: {  	_ =	shalt  }
0x74: {  	_ =	shalt  }
0x75: {  	_ =	shalt  }
0x76: {  	_ =	shalt  }
0x77: {  	_ =	shalt  }
0x78: {  	_ =	shalt  }
0x79: {  	_ =	shalt  }
0x7a: {  	_ =	shalt  }
0x7b: {  	_ =	shalt  }
0x7c: {  	_ =	shalt  }
0x7d: {  	_ =	shalt  }
0x7e: {  	_ =	shalt  }
0x7f: {  	_ =	shalt  }
0x80: {  	_ =	shalt  }
0x81: {  	_ =	shalt  }
0x82: {  	_ =	shalt  }
0x83: {  	_ =	shalt  }
0x84: {  	_ =	shalt  }
0x85: {  	_ =	shalt  }
0x86: {  	_ =	shalt  }
0x87: {  	_ =	shalt  }
.Lfunc_end0:
.L_simem_size_0:
called_computation.1_lowered:
.L_overlay_start_0:
0x88: {  	s2 =	sld [smem:$0x3FD9]  }
0x89: {  	s3 =	sld [smem:$0x3FFE];
	_ =	sdelay $0x1  }
0x8a: {  	s1 =	srdreg.scid  }
0x8b: {  	s0 =	sand.u32 $0x1, s1  }
0x8c: {  	s16 =	sshll.u32 s0, $0xA;
	s2 =	sadd.s32 s3, s2  }
0x8d: {  	s2 =	sadd.s32 s2, s16  }
0x8e: {  	[smem:$0x3FBE] =	sst s2  }
0x8f: {  	_ = 	snop  }
0x90: {  	(tm) =	ssettm $0x1  }
0x91: {  	s17 =	sld [smem:$0x3FFB];
	_ =	sdelay $0x3  }
0x92: {  	_ =	strace s17  }
0x93: {  	s2 =	sld [smem:$0x3FFC];
	_ =	sdelay $0x3  }
0x94: {  	_ =	strace s2  }
0x95: {  	s2 =	sld [smem:$0x3FFD];
	_ =	sdelay $0x3  }
0x96: {  	_ =	strace s2  }
0x97: {  	_ =	strace $0x8FFFFFFF  }
0x98: {  	s18 =	sld [smem:$0x3FDB];
	_ =	sdelay $0x1  }
0x99: {  	s19 =	simm.s32 $_scs_section_size  }
0x9a: {  	s4 =	simm.s32 $_size__tile_overlayer_lowered;
	s5 =	simm.s32 $_tile_overlayer_lowered  }
0x9b: {  	s22 =	simm.s32 $0x1BFF;
	s21 =	sshll.u32 s5, $0x1;
	s2 =	sadd.s32 s19, s18  }
0x9c: {  	s6 =	simm.s32 $0x0;
	s20 =	sshll.u32 s4, $0x1;
	s4 =	sadd.s32 s21, s2  }
0x9d: {  	[timem:s6], [sflag:s22] =	dma.local [hbm:s4], s20  }
0x9e: {  	_ =	swait.ge [sflag:s22], s20  }
0x9f: {  	s3 =	ssub.s32 $0x0, s20;
	[sflag:s22] =	ssyncset.done $0x0  }
0xa0: {  	[sflag:s22] =	ssyncadd.s32 s3;
	_ =	sdelay $0x1  }
0xa1: {  	s23 =	simm.s32 $0x1B8B  }
0xa2: {  	_ =	swait.ge [sflag:s23], $0x1  }
0xa3: {  	[sflag:s23] =	ssyncset.done $0x0  }
0xa4: {  	s25 =	simm.s32 $0x1B8E;
	s24 =	sld [smem:$0x3FFE];
	[sflag:s23] =	ssyncadd.s32 $0xFFFFFFFF  }
0xa5: {  	s26 =	simm.s32 $execute0_lowered;
	[smem:$0x3FD2] =	sst s25  }
0xa6: {  	s4 =	sshll.u32 s26, $0x1;
	_ =	strace $0x80000046;
	[dreg:$0x1] =	wrdreg $0xFFFFFFFF  }
0xa7: {  	s28 =	simm.s32 $_size_execute0_lowered;
	s2 =	sadd.s32 s2, s4;
	[dreg:$0x0] =	wrdreg $0x0  }
0xa8: {  	s4 =	sshll.u32 s28, $0x1;
	[dreg:$0x2] =	wrdreg s2  }
0xa9: {  	[dreg:$0x3] =	wrdreg s4  }
0xaa: {  	[dreg:$0x4] =	wrdreg $0xC0  }
0xab: {  	_ =	task [dreg:s6], $0x5FFFF  }
0xac: {  	[dreg:$0x1] =	wrdreg $0xFFFFFFFF  }
0xad: {  	[dreg:$0x0] =	wrdreg $0x60  }
0xae: {  	[dreg:$0x2] =	wrdreg s24  }
0xaf: {  	[dreg:$0x3] =	wrdreg $0xA  }
0xb0: {  	_ =	task.clear_ibuf [dreg:s6], $0x4FFFF;
	_ =	strace $0x90000046  }
0xb1: {  	s29 =	simm.s32 $0xA;
	_ =	strace $0x80000048  }
0xb2: {  	_ =	swait.ge [sflag:s29], $0x1  }
0xb3: {  	[sflag:s29] =	ssyncadd.s32 $0xFFFFFFFF  }
0xb4: {  	_ =	strace $0x90000048  }
0xb5: {  	_ =	sfence  }
0xb6: {  	s30 =	sld [smem:$0x0];
	_ =	sdelay $0x2  }
0xb7: {  	s31 =	sshll.u32 s1, $0xD;
	s1 =	sshrl.u32 s1, $0x2  }
0xb8: {  	s3 =	sand.u32 $0x4000, s31;
	s1 =	sadd.s32 s1, s30  }
0xb9: {  	s0 =	sor.u32 s3, s0;
	s1 =	sshll.u32 s1, $0x11  }
0xba: {  	s0 =	sor.u32 s1, s0  }
0xbb: {  	s0 =	sadd.s32 $0x8F2B, s0  }
0xbc: {  	[sflag:s0] =	ssyncadd.remote.s32 $0x1  }
0xbd: {  	_ =	sfence.sel $0xFFFF  }
0xbe: {  	[dreg:$0x0] =	wrdreg $0xFFFFFFFF;
	(pc) =	sbr.abs _section_cstart, $3  }
0xbf: {  	[dreg:$0x1] =	wrdreg $0xFFFFFFFF  }
0xc0: {  	_ =	task.clear_ibuf [dreg:s6], $0x2FFFF;
	_ =	strace $0x9FFFFFFF  }
0xc1: {  	(tm) =	ssettm $0x7FFFFFFF  }
tec
execute0_lowered:
.L_overlay_start_1:
0x0: {  	(tag) =	ssettag $0x1  }
0x1: {  	s1 =	srdreg.scid  }
0x2: {  	s0 =	stileid.u32;
	s4 =	rddreg [dreg:$0x0];
	s19 =	simm.s32 $0xA00  }
0x3: {  	s20 =	simm.s32 $0x1200;
	s21 =	simm.s32 $0x1A00;
	s23 =	simm.s32 $0x2200  }
0x4: {  	s24 =	simm.s32 $0x2A00;
	s25 =	simm.s32 $0x3200;
	s26 =	simm.s32 $0x3A00  }
0x5: {  	s6 =	simm.s32 $0x200;
	s7 =	simm.s32 $0x4200;
	s8 =	simm.s32 $0x4A00  }
0x6: {  	s9 =	simm.s32 $0x5200;
	s10 =	simm.s32 $0x5A00;
	s11 =	simm.s32 $0x6200  }
0x7: {  	s12 =	simm.s32 $0x6A00;
	s13 =	simm.s32 $0x7200;
	s1 =	sand.u32 $0x1, s1  }
0x8: {  	s14 =	simm.s32 $0x7A00;
	s2 =	sshll.u32 s0, $0xA;
	s3 =	sshll.u32 s1, $0x9  }
0x9: {  	s15 =	simm.s32 $0x8200;
	s3 =	sor.u32 s3, s2;
	s2 =	simm.s32 $0x0  }
0xa: {  	s16 =	simm.s32 $0x8A00;
	s17 =	simm.s32 $0x9200;
	[smem:$0x7FF] =	sst s2  }
0xb: {  	s18 =	simm.s32 $0x9A00;
	_ =	strace $0x80000047;
	[dreg:$0x4] =	wrdreg s19  }
0xc: {  	s28 =	simm.s32 $0xE200;
	s29 =	simm.s32 $0xEA00;
	[dreg:$0x5] =	wrdreg s20  }
0xd: {  	s30 =	simm.s32 $0xF200;
	s1 =	ssub.s32 $0x2, s1;
	[dreg:$0x6] =	wrdreg s21  }
0xe: {  	s31 =	simm.s32 $0xFA00;
	s22 =	sshrl.u32 s1, $0x1;
	[dreg:$0x7] =	wrdreg s23  }
0xf: {  	s5 =	sshrl.u32 s3, $0x3;
	s3 =	sshll.u32 s3, $0x4;
	[dreg:$0x8] =	wrdreg s24  }
0x10: {  	s1 =	ssub.s32 s1, s22;
	s22 =	simm.s32 $0xBA00;
	[dreg:$0x9] =	wrdreg s25  }
0x11: {  	s5 =	sadd.s32 s5, s4;
	s3 =	sadd.s32 s3, s4;
	[dreg:$0xa] =	wrdreg s26  }
0x12: {  	s19 =	simm.s32 $0xA200;
	s20 =	simm.s32 $0xAA00;
	s21 =	simm.s32 $0xB200  }
0x13: {  	s23 =	simm.s32 $0xC200;
	s24 =	simm.s32 $0xCA00;
	s5 =	sadd.s32 $0x2000, s5  }
0x14: {  	s25 =	simm.s32 $0xD200;
	s3 =	sadd.s32 $0x3E2800, s3;
	[dreg:$0x2] =	wrdreg s5  }
0x15: {  	s26 =	simm.s32 $0xDA00;
	[dreg:$0x3] =	wrdreg s3;
	s3 =	sadd.s32 $0x2800, s4  }
0x16: {  	vm0 =	vmmov $0xffff;
	s4 =	smax.u32 s1, $0x1;
	s5 =	simm.s32 $0x2;
	s1 =	simm.s32 $0x1  }
.LBB2_1:
0x17: {  	s0 =	rddreg [dreg:$0x2]  }
0x18: {  	[tilespmem:s2], [sflag:$0x2] =	stream.linear.gather [hbm4b:s0+s2], $0x200, $0x38;
	[tilespmem:$0x10200] =	vst v63  }
0x19: {  	_ =	swait.ge [sflag:s5], $0x200  }
0x1a: {  	[sflag:s5] =	ssyncset.done $0x0  }
0x1b: {  	[sflag:s5] =	ssyncadd.s32 $0xFFFFFE00  }
0x1c: {  	v0 =	vld [tilespmem:$0x0];
	_ =	sdelay $0x7  }
0x1d: {  	[tilespmem:s6], [sflag:$0x1] =	stream.indirect_vreg.gather [hbm4b:s3+s2], $0x80, v0, vm0, $0xb8;
	[tilespmem:$0x10200] =	vst v63  }
0x1e: {  	v0 =	vld [tilespmem:$0x10];
	_ =	sdelay $0x6  }
0x1f: {  	s0 =	rddreg [dreg:$0x4]  }
0x20: {  	[tilespmem:s0], [sflag:$0x1] =	stream.indirect_vreg.gather [hbm4b:s3+s2], $0x80, v0, vm0, $0xb8;
	[tilespmem:$0x10200] =	vst v63  }
0x21: {  	v0 =	vld [tilespmem:$0x20];
	_ =	sdelay $0x6  }
0x22: {  	s0 =	rddreg [dreg:$0x5]  }
0x23: {  	[tilespmem:s0], [sflag:$0x1] =	stream.indirect_vreg.gather [hbm4b:s3+s2], $0x80, v0, vm0, $0xb8;
	[tilespmem:$0x10200] =	vst v63  }
0x24: {  	v0 =	vld [tilespmem:$0x30];
	_ =	sdelay $0x6  }
0x25: {  	s0 =	rddreg [dreg:$0x6]  }
0x26: {  	[tilespmem:s0], [sflag:$0x1] =	stream.indirect_vreg.gather [hbm4b:s3+s2], $0x80, v0, vm0, $0xb8;
	[tilespmem:$0x10200] =	vst v63  }
0x27: {  	v0 =	vld [tilespmem:$0x40];
	_ =	sdelay $0x6  }
0x28: {  	s0 =	rddreg [dreg:$0x7]  }
0x29: {  	[tilespmem:s0], [sflag:$0x1] =	stream.indirect_vreg.gather [hbm4b:s3+s2], $0x80, v0, vm0, $0xb8;
	[tilespmem:$0x10200] =	vst v63  }
0x2a: {  	v0 =	vld [tilespmem:$0x50];
	_ =	sdelay $0x6  }
0x2b: {  	s0 =	rddreg [dreg:$0x8]  }
0x2c: {  	[tilespmem:s0], [sflag:$0x1] =	stream.indirect_vreg.gather [hbm4b:s3+s2], $0x80, v0, vm0, $0xb8;
	[tilespmem:$0x10200] =	vst v63  }
0x2d: {  	v0 =	vld [tilespmem:$0x60];
	_ =	sdelay $0x6  }
0x2e: {  	s0 =	rddreg [dreg:$0x9]  }
0x2f: {  	[tilespmem:s0], [sflag:$0x1] =	stream.indirect_vreg.gather [hbm4b:s3+s2], $0x80, v0, vm0, $0xb8;
	[tilespmem:$0x10200] =	vst v63  }
0x30: {  	v0 =	vld [tilespmem:$0x70];
	_ =	sdelay $0x6  }
0x31: {  	s0 =	rddreg [dreg:$0xa]  }
0x32: {  	[tilespmem:s0], [sflag:$0x1] =	stream.indirect_vreg.gather [hbm4b:s3+s2], $0x80, v0, vm0, $0xb8;
	[tilespmem:$0x10200] =	vst v63  }
0x33: {  	v0 =	vld [tilespmem:$0x80];
	_ =	sdelay $0x7  }
0x34: {  	[tilespmem:s7], [sflag:$0x1] =	stream.indirect_vreg.gather [hbm4b:s3+s2], $0x80, v0, vm0, $0xb8;
	[tilespmem:$0x10200] =	vst v63  }
0x35: {  	v0 =	vld [tilespmem:$0x90];
	_ =	sdelay $0x7  }
0x36: {  	[tilespmem:s8], [sflag:$0x1] =	stream.indirect_vreg.gather [hbm4b:s3+s2], $0x80, v0, vm0, $0xb8;
	[tilespmem:$0x10200] =	vst v63  }
0x37: {  	v0 =	vld [tilespmem:$0xA0];
	_ =	sdelay $0x7  }
0x38: {  	[tilespmem:s9], [sflag:$0x1] =	stream.indirect_vreg.gather [hbm4b:s3+s2], $0x80, v0, vm0, $0xb8;
	[tilespmem:$0x10200] =	vst v63  }
0x39: {  	v0 =	vld [tilespmem:$0xB0];
	_ =	sdelay $0x7  }
0x3a: {  	[tilespmem:s10], [sflag:$0x1] =	stream.indirect_vreg.gather [hbm4b:s3+s2], $0x80, v0, vm0, $0xb8;
	[tilespmem:$0x10200] =	vst v63  }
0x3b: {  	v0 =	vld [tilespmem:$0xC0];
	_ =	sdelay $0x7  }
0x3c: {  	[tilespmem:s11], [sflag:$0x1] =	stream.indirect_vreg.gather [hbm4b:s3+s2], $0x80, v0, vm0, $0xb8;
	[tilespmem:$0x10200] =	vst v63  }
0x3d: {  	v0 =	vld [tilespmem:$0xD0];
	_ =	sdelay $0x7  }
0x3e: {  	[tilespmem:s12], [sflag:$0x1] =	stream.indirect_vreg.gather [hbm4b:s3+s2], $0x80, v0, vm0, $0xb8;
	[tilespmem:$0x10200] =	vst v63  }
0x3f: {  	v0 =	vld [tilespmem:$0xE0];
	_ =	sdelay $0x7  }
0x40: {  	[tilespmem:s13], [sflag:$0x1] =	stream.indirect_vreg.gather [hbm4b:s3+s2], $0x80, v0, vm0, $0xb8;
	[tilespmem:$0x10200] =	vst v63  }
0x41: {  	v0 =	vld [tilespmem:$0xF0];
	_ =	sdelay $0x7  }
0x42: {  	[tilespmem:s14], [sflag:$0x1] =	stream.indirect_vreg.gather [hbm4b:s3+s2], $0x80, v0, vm0, $0xb8;
	[tilespmem:$0x10200] =	vst v63  }
0x43: {  	v0 =	vld [tilespmem:$0x100];
	_ =	sdelay $0x7  }
0x44: {  	[tilespmem:s15], [sflag:$0x1] =	stream.indirect_vreg.gather [hbm4b:s3+s2], $0x80, v0, vm0, $0xb8;
	[tilespmem:$0x10200] =	vst v63  }
0x45: {  	v0 =	vld [tilespmem:$0x110];
	_ =	sdelay $0x7  }
0x46: {  	[tilespmem:s16], [sflag:$0x1] =	stream.indirect_vreg.gather [hbm4b:s3+s2], $0x80, v0, vm0, $0xb8;
	[tilespmem:$0x10200] =	vst v63  }
0x47: {  	v0 =	vld [tilespmem:$0x120];
	_ =	sdelay $0x7  }
0x48: {  	[tilespmem:s17], [sflag:$0x1] =	stream.indirect_vreg.gather [hbm4b:s3+s2], $0x80, v0, vm0, $0xb8;
	[tilespmem:$0x10200] =	vst v63  }
0x49: {  	v0 =	vld [tilespmem:$0x130];
	_ =	sdelay $0x7  }
0x4a: {  	[tilespmem:s18], [sflag:$0x1] =	stream.indirect_vreg.gather [hbm4b:s3+s2], $0x80, v0, vm0, $0xb8;
	[tilespmem:$0x10200] =	vst v63  }
0x4b: {  	v0 =	vld [tilespmem:$0x140];
	_ =	sdelay $0x7  }
0x4c: {  	[tilespmem:s19], [sflag:$0x1] =	stream.indirect_vreg.gather [hbm4b:s3+s2], $0x80, v0, vm0, $0xb8;
	[tilespmem:$0x10200] =	vst v63  }
0x4d: {  	v0 =	vld [tilespmem:$0x150];
	_ =	sdelay $0x7  }
0x4e: {  	[tilespmem:s20], [sflag:$0x1] =	stream.indirect_vreg.gather [hbm4b:s3+s2], $0x80, v0, vm0, $0xb8;
	[tilespmem:$0x10200] =	vst v63  }
0x4f: {  	v0 =	vld [tilespmem:$0x160];
	_ =	sdelay $0x7  }
0x50: {  	[tilespmem:s21], [sflag:$0x1] =	stream.indirect_vreg.gather [hbm4b:s3+s2], $0x80, v0, vm0, $0xb8;
	[tilespmem:$0x10200] =	vst v63  }
0x51: {  	v0 =	vld [tilespmem:$0x170];
	_ =	sdelay $0x7  }
0x52: {  	[tilespmem:s22], [sflag:$0x1] =	stream.indirect_vreg.gather [hbm4b:s3+s2], $0x80, v0, vm0, $0xb8;
	[tilespmem:$0x10200] =	vst v63  }
0x53: {  	v0 =	vld [tilespmem:$0x180];
	_ =	sdelay $0x7  }
0x54: {  	[tilespmem:s23], [sflag:$0x1] =	stream.indirect_vreg.gather [hbm4b:s3+s2], $0x80, v0, vm0, $0xb8;
	[tilespmem:$0x10200] =	vst v63  }
0x55: {  	v0 =	vld [tilespmem:$0x190];
	_ =	sdelay $0x7  }
0x56: {  	[tilespmem:s24], [sflag:$0x1] =	stream.indirect_vreg.gather [hbm4b:s3+s2], $0x80, v0, vm0, $0xb8;
	[tilespmem:$0x10200] =	vst v63  }
0x57: {  	v0 =	vld [tilespmem:$0x1A0];
	_ =	sdelay $0x7  }
0x58: {  	[tilespmem:s25], [sflag:$0x1] =	stream.indirect_vreg.gather [hbm4b:s3+s2], $0x80, v0, vm0, $0xb8;
	[tilespmem:$0x10200] =	vst v63  }
0x59: {  	v0 =	vld [tilespmem:$0x1B0];
	_ =	sdelay $0x7  }
0x5a: {  	[tilespmem:s26], [sflag:$0x1] =	stream.indirect_vreg.gather [hbm4b:s3+s2], $0x80, v0, vm0, $0xb8;
	[tilespmem:$0x10200] =	vst v63  }
0x5b: {  	v0 =	vld [tilespmem:$0x1C0];
	_ =	sdelay $0x7  }
0x5c: {  	[tilespmem:s28], [sflag:$0x1] =	stream.indirect_vreg.gather [hbm4b:s3+s2], $0x80, v0, vm0, $0xb8;
	[tilespmem:$0x10200] =	vst v63  }
0x5d: {  	v0 =	vld [tilespmem:$0x1D0];
	_ =	sdelay $0x7  }
0x5e: {  	[tilespmem:s29], [sflag:$0x1] =	stream.indirect_vreg.gather [hbm4b:s3+s2], $0x80, v0, vm0, $0xb8;
	[tilespmem:$0x10200] =	vst v63  }
0x5f: {  	v0 =	vld [tilespmem:$0x1E0];
	_ =	sdelay $0x7  }
0x60: {  	[tilespmem:s30], [sflag:$0x1] =	stream.indirect_vreg.gather [hbm4b:s3+s2], $0x80, v0, vm0, $0xb8;
	[tilespmem:$0x10200] =	vst v63  }
0x61: {  	v0 =	vld [tilespmem:$0x1F0];
	_ =	sdelay $0x7  }
0x62: {  	[tilespmem:s31], [sflag:$0x1] =	stream.indirect_vreg.gather [hbm4b:s3+s2], $0x80, v0, vm0, $0xb8;
	[tilespmem:$0x10200] =	vst v63  }
0x63: {  	_ =	swait.ge [sflag:s1], $0x800  }
0x64: {  	[sflag:s1] =	ssyncset.done $0x0  }
0x65: {  	[sflag:s1] =	ssyncadd.s32 $0xFFFFF800  }
0x66: {  	_ =	swait.ge [sflag:s1], $0x800  }
0x67: {  	[sflag:s1] =	ssyncset.done $0x0  }
0x68: {  	[sflag:s1] =	ssyncadd.s32 $0xFFFFF800  }
0x69: {  	_ =	swait.ge [sflag:s1], $0x800  }
0x6a: {  	[sflag:s1] =	ssyncset.done $0x0  }
0x6b: {  	[sflag:s1] =	ssyncadd.s32 $0xFFFFF800  }
0x6c: {  	_ =	swait.ge [sflag:s1], $0x800  }
0x6d: {  	[sflag:s1] =	ssyncset.done $0x0  }
0x6e: {  	[sflag:s1] =	ssyncadd.s32 $0xFFFFF800  }
0x6f: {  	_ =	swait.ge [sflag:s1], $0x800  }
0x70: {  	[sflag:s1] =	ssyncset.done $0x0  }
0x71: {  	[sflag:s1] =	ssyncadd.s32 $0xFFFFF800  }
0x72: {  	_ =	swait.ge [sflag:s1], $0x800  }
0x73: {  	[sflag:s1] =	ssyncset.done $0x0  }
0x74: {  	[sflag:s1] =	ssyncadd.s32 $0xFFFFF800  }
0x75: {  	_ =	swait.ge [sflag:s1], $0x800  }
0x76: {  	[sflag:s1] =	ssyncset.done $0x0  }
0x77: {  	[sflag:s1] =	ssyncadd.s32 $0xFFFFF800  }
0x78: {  	_ =	swait.ge [sflag:s1], $0x800  }
0x79: {  	[sflag:s1] =	ssyncset.done $0x0  }
0x7a: {  	[sflag:s1] =	ssyncadd.s32 $0xFFFFF800  }
0x7b: {  	_ =	swait.ge [sflag:s1], $0x800  }
0x7c: {  	[sflag:s1] =	ssyncset.done $0x0  }
0x7d: {  	[sflag:s1] =	ssyncadd.s32 $0xFFFFF800  }
0x7e: {  	_ =	swait.ge [sflag:s1], $0x800  }
0x7f: {  	[sflag:s1] =	ssyncset.done $0x0  }
0x80: {  	[sflag:s1] =	ssyncadd.s32 $0xFFFFF800  }
0x81: {  	_ =	swait.ge [sflag:s1], $0x800  }
0x82: {  	[sflag:s1] =	ssyncset.done $0x0  }
0x83: {  	[sflag:s1] =	ssyncadd.s32 $0xFFFFF800  }
0x84: {  	_ =	swait.ge [sflag:s1], $0x800  }
0x85: {  	[sflag:s1] =	ssyncset.done $0x0  }
0x86: {  	[sflag:s1] =	ssyncadd.s32 $0xFFFFF800  }
0x87: {  	_ =	swait.ge [sflag:s1], $0x800  }
0x88: {  	[sflag:s1] =	ssyncset.done $0x0  }
0x89: {  	[sflag:s1] =	ssyncadd.s32 $0xFFFFF800  }
0x8a: {  	_ =	swait.ge [sflag:s1], $0x800  }
0x8b: {  	[sflag:s1] =	ssyncset.done $0x0  }
0x8c: {  	[sflag:s1] =	ssyncadd.s32 $0xFFFFF800  }
0x8d: {  	_ =	swait.ge [sflag:s1], $0x800  }
0x8e: {  	[sflag:s1] =	ssyncset.done $0x0  }
0x8f: {  	[sflag:s1] =	ssyncadd.s32 $0xFFFFF800  }
0x90: {  	_ =	swait.ge [sflag:s1], $0x800  }
0x91: {  	[sflag:s1] =	ssyncset.done $0x0  }
0x92: {  	[sflag:s1] =	ssyncadd.s32 $0xFFFFF800  }
0x93: {  	_ =	swait.ge [sflag:s1], $0x800  }
0x94: {  	[sflag:s1] =	ssyncset.done $0x0  }
0x95: {  	[sflag:s1] =	ssyncadd.s32 $0xFFFFF800  }
0x96: {  	_ =	swait.ge [sflag:s1], $0x800  }
0x97: {  	[sflag:s1] =	ssyncset.done $0x0  }
0x98: {  	[sflag:s1] =	ssyncadd.s32 $0xFFFFF800  }
0x99: {  	_ =	swait.ge [sflag:s1], $0x800  }
0x9a: {  	[sflag:s1] =	ssyncset.done $0x0  }
0x9b: {  	[sflag:s1] =	ssyncadd.s32 $0xFFFFF800  }
0x9c: {  	_ =	swait.ge [sflag:s1], $0x800  }
0x9d: {  	[sflag:s1] =	ssyncset.done $0x0  }
0x9e: {  	[sflag:s1] =	ssyncadd.s32 $0xFFFFF800  }
0x9f: {  	_ =	swait.ge [sflag:s1], $0x800  }
0xa0: {  	[sflag:s1] =	ssyncset.done $0x0  }
0xa1: {  	[sflag:s1] =	ssyncadd.s32 $0xFFFFF800  }
0xa2: {  	_ =	swait.ge [sflag:s1], $0x800  }
0xa3: {  	[sflag:s1] =	ssyncset.done $0x0  }
0xa4: {  	[sflag:s1] =	ssyncadd.s32 $0xFFFFF800  }
0xa5: {  	_ =	swait.ge [sflag:s1], $0x800  }
0xa6: {  	[sflag:s1] =	ssyncset.done $0x0  }
0xa7: {  	[sflag:s1] =	ssyncadd.s32 $0xFFFFF800  }
0xa8: {  	_ =	swait.ge [sflag:s1], $0x800  }
0xa9: {  	[sflag:s1] =	ssyncset.done $0x0  }
0xaa: {  	[sflag:s1] =	ssyncadd.s32 $0xFFFFF800  }
0xab: {  	_ =	swait.ge [sflag:s1], $0x800  }
0xac: {  	[sflag:s1] =	ssyncset.done $0x0  }
0xad: {  	[sflag:s1] =	ssyncadd.s32 $0xFFFFF800  }
0xae: {  	_ =	swait.ge [sflag:s1], $0x800  }
0xaf: {  	[sflag:s1] =	ssyncset.done $0x0  }
0xb0: {  	[sflag:s1] =	ssyncadd.s32 $0xFFFFF800  }
0xb1: {  	_ =	swait.ge [sflag:s1], $0x800  }
0xb2: {  	[sflag:s1] =	ssyncset.done $0x0  }
0xb3: {  	[sflag:s1] =	ssyncadd.s32 $0xFFFFF800  }
0xb4: {  	_ =	swait.ge [sflag:s1], $0x800  }
0xb5: {  	[sflag:s1] =	ssyncset.done $0x0  }
0xb6: {  	[sflag:s1] =	ssyncadd.s32 $0xFFFFF800  }
0xb7: {  	_ =	swait.ge [sflag:s1], $0x800  }
0xb8: {  	[sflag:s1] =	ssyncset.done $0x0  }
0xb9: {  	[sflag:s1] =	ssyncadd.s32 $0xFFFFF800  }
0xba: {  	_ =	swait.ge [sflag:s1], $0x800  }
0xbb: {  	[sflag:s1] =	ssyncset.done $0x0  }
0xbc: {  	[sflag:s1] =	ssyncadd.s32 $0xFFFFF800  }
0xbd: {  	_ =	swait.ge [sflag:s1], $0x800  }
0xbe: {  	[sflag:s1] =	ssyncset.done $0x0  }
0xbf: {  	[sflag:s1] =	ssyncadd.s32 $0xFFFFF800  }
0xc0: {  	_ =	swait.ge [sflag:s1], $0x800  }
0xc1: {  	p0 =	sne.s32 s4, $0x1;
	[sflag:s1] =	ssyncset.done $0x0  }
.Ltmp0:
0xc2: {  	s0 =	rddreg [dreg:$0x3];
	[sflag:s1] =	ssyncadd.s32 $0xFFFFF800;
	(pc) =	sbr.rel @p0 .LBB2_1-.Ltmp0, $4  }
0xc3: {  	[hbm4b:s0+s2] =	stream.linear.scatter [tilespmem:s6], [sflag:$0x2], $0x10000, $0x38;
	[tilespmem:$0x10200] =	vst v63  }
0xc4: {  	_ =	swait.ge [sflag:s5], $0x10000  }
0xc5: {  	[sflag:s5] =	ssyncset.done $0x0  }
0xc6: {  	s4 =	sadd.s32 $0xFFFFFFFF, s4;
	[sflag:s5] =	ssyncadd.s32 $0xFFFF0000  }
0xc7: {  	_ =	sfence.sel $0x180000  }
0xc8: {  	[bflag:$0x0] =	sbarrier.arrive $0xFFFF  }
0xc9: {  	_ =	strace $0x90000047  }
0xca: {  	s0 =	stileid.u32;
	[bflag:$0x2] =	sbarrier.arrive $0xFFFF  }
0xcb: {  	p0 =	sne.s32 s0, $0x0;
	s0 =	rddreg [dreg:$0x1]  }
0xcc: {  	s0 =	sadd.s32 @!p0 $0x100000, s0  }
0xcd: {  	[sflag:s0] =	ssyncadd.tile.s32 @!p0 $0x1;
	_ =	shalt  }
.Lfunc_end2:
_tile_overlayer_lowered:
.L_overlay_start_2:
0xce: {  	(tag) =	ssettag $0x2  }
0xcf: {  	s0 =	rddreg [dreg:$0x0];
	s2 =	stileid.u32  }
0xd0: {  	s1 =	rddreg [dreg:$0x1];
	p0 =	sne.s32 s2, $0x0  }
0xd1: {  	s3 =	rddreg [dreg:$0x2];
	[bflag:$0x3] =	sbarrier.arrive $0xFFFF;
	s2 =	simm.s32 @!p0 $0x1C02  }
0xd2: {  	[timem:s3], [sflag:s2] =	dma.local @!p0 [hbm:s0], s1  }
0xd3: {  	s0 =	simm.s32 @!p0 $0x2  }
0xd4: {  	_ =	swait.ge @!p0 [sflag:s0], s1  }
0xd5: {  	s1 =	ssub.s32 @!p0 $0x0, s1;
	[sflag:s0] =	ssyncset.done @!p0 $0x0  }
0xd6: {  	[sflag:s0] =	ssyncadd.s32 @!p0 s1  }
0xd7: {  	[bflag:$0x3] =	sbarrier.arrive $0xFFFF  }
0xd8: {  	_ =	shalt  }

// kernel: kernel.7.cloned.1.call-start
scs
__scs_entry_jumppad:
0x0: {  	(pc) =	sbr.rel $0x88, $3  }
0x1: {  	(tag) =	ssettag $0x0;
	lr =	simm.s32 $0x1  }
0x2: {  	[smem:$0x3F97] =	sst lr;
	_ =	strace $0xD0000000  }
0x3: {  	_ = 	snop  }
0x4: {  	_ = 	snop  }
0x5: {  	_ = 	snop  }
0x6: {  	_ = 	snop  }
0x7: {  	_ = 	snop  }
__scs_overlays_trampoline_lowered:
0x8: {  	[smem:$0x3FA6] =	sst s0  }
0x9: {  	[smem:$0x3FA7] =	sst s1  }
0xa: {  	[smem:$0x3FA8] =	sst s2  }
0xb: {  	[smem:$0x3FA9] =	sst s3  }
0xc: {  	[smem:$0x3FAA] =	sst s4  }
0xd: {  	[smem:$0x3FAB] =	sst s5  }
0xe: {  	[smem:$0x3FAC] =	sst s6  }
0xf: {  	[smem:$0x3FAD] =	sst s7  }
0x10: {  	[smem:$0x3FAE] =	sst s8  }
0x11: {  	[smem:$0x3FAF] =	sst s9;
	s0 =	simm.s32 @!p0 $0x0  }
0x12: {  	s1 =	sld [smem:$0x3F95];
	s0 =	simm.s32 @p0 $0x1  }
0x13: {  	[smem:$0x3FB0] =	sst s0;
	s0 =	simm.s32 @!p1 $0x0  }
0x14: {  	s2 =	sld [smem:$0x3F94];
	s0 =	simm.s32 @p1 $0x1  }
0x15: {  	[smem:$0x3FB1] =	sst s0;
	s0 =	simm.s32 @!p2 $0x0  }
0x16: {  	s3 =	sld [smem:$0x3FDB];
	s0 =	simm.s32 @p2 $0x1  }
0x17: {  	s4 =	simm.s32 $0x1BF5;
	[smem:$0x3FB3] =	sst s0  }
0x18: {  	s0 =	sld [smem:$0x3F96];
	_ =	swait.ge [sflag:s4], $0x0  }
0x19: {  	s7 =	sld [smem:$0x3F97]  }
0x1a: {  	s8 =	sadd.s32 $0xFFFFE003, lr  }
0x1b: {  	s9 =	sadd.s32 $0xFFFFFEF7, lr;
	s5 =	simm.s32 $0xFFFFFFFF;
	p2 =	slt.u32 s8, $0xFFFFF086  }
0x1c: {  	p1 =	slt.u32 s9, $0xF7A;
	s5 =	simm.s32 @!p2 $0x0  }
0x1d: {  	s5 =	simm.s32 @p1 $0x1;
	p0 =	seq.s32 s7, s2  }
0x1e: {  	s7 =	smul.u32 @!p0 $0xF7A, s2;
	p2 =	seq.s32 @!p0 s5, $0x0  }
0x1f: {  	s9 =	smul.u32 $0xF7A, s1;
	s8 =	simm.s32 @!p0 $0x1BF5;
	p2 =	por !p2, p0  }
0x20: {  	[sflag:s8] =	ssyncset.s32 @!p0 $0xFFFFF086;
	s6 =	sadd.s32 @!p0 s3, s7;
	s7 =	simm.s32 @!p0 $0x108  }
0x21: {  	s3 =	sadd.s32 s3, s9;
	s6 =	sadd.s32 @!p0 $0x88, s6;
	s7 =	simm.s32 @p2 $0x1082  }
0x22: {  	[simem:s7], [sflag:s8] =	dma.local @!p0 [hbm:s6], $0xF7A  }
0x23: {  	s9 =	sor.u32 $0xD0000000, s2;
	s6 =	simm.s32 $0x108;
	_ =	swait.ge @!p0 [sflag:s8], $0x0  }
0x24: {  	s3 =	sadd.s32 $0x88, s3;
	s6 =	simm.s32 @!p1 $0x1082;
	[sflag:s4] =	ssyncset.s32 $0xFFFFF086  }
0x25: {  	[simem:s6], [sflag:s4] =	dma.local [hbm:s3], $0xF7A  }
0x26: {  	[smem:$0x3F97] =	sst s1;
	(tag) =	ssettag s2;
	_ =	strace s9  }
0x27: {  	s1 =	sld [smem:$0x3FA7]  }
0x28: {  	s2 =	sld [smem:$0x3FA8]  }
0x29: {  	s4 =	sld [smem:$0x3FAA]  }
0x2a: {  	p0 =	seq.s32 s5, $0x0;
	s5 =	sld [smem:$0x3FAB]  }
0x2b: {  	s6 =	sld [smem:$0x3FAC]  }
0x2c: {  	s7 =	sld [smem:$0x3FAD]  }
0x2d: {  	s3 =	simm.s32 $0x108;
	s8 =	sld [smem:$0x3FAE]  }
0x2e: {  	s3 =	simm.s32 @!p0 $0x1082;
	s9 =	sld [smem:$0x3FAF]  }
0x2f: {  	lr =	sadd.s32 s0, s3;
	s0 =	sld [smem:$0x3FA6]  }
0x30: {  	s3 =	sld [smem:$0x3FA9]  }
0x31: {  	[smem:$0x3FB2] =	sst s10  }
0x32: {  	s10 =	sld [smem:$0x3FB0];
	_ =	sdelay $0x3  }
0x33: {  	p0 =	seq.s32 s10, $0x1;
	s10 =	sld [smem:$0x3FB2];
	_ =	sdelay $0x3  }
0x34: {  	[smem:$0x3FB2] =	sst s10  }
0x35: {  	s10 =	sld [smem:$0x3FB1];
	_ =	sdelay $0x3  }
0x36: {  	p1 =	seq.s32 s10, $0x1;
	s10 =	sld [smem:$0x3FB2];
	_ =	sdelay $0x3  }
0x37: {  	[smem:$0x3FB2] =	sst s10  }
0x38: {  	s10 =	sld [smem:$0x3FB3]  }
0x39: {  	_ = 	snop;
	(pc) =	sbr.ind lr, $3  }
0x3a: {  	_ = 	snop  }
0x3b: {  	_ = 	snop  }
0x3c: {  	p2 =	seq.s32 s10, $0x1;
	s10 =	sld [smem:$0x3FB2]  }
0x3d: {  	_ =	shalt  }
0x3e: {  	_ =	shalt  }
0x3f: {  	_ =	shalt  }
0x40: {  	_ =	shalt  }
0x41: {  	_ =	shalt  }
0x42: {  	_ =	shalt  }
0x43: {  	_ =	shalt  }
0x44: {  	_ =	shalt  }
0x45: {  	_ =	shalt  }
0x46: {  	_ =	shalt  }
0x47: {  	_ =	shalt  }
0x48: {  	_ =	shalt  }
0x49: {  	_ =	shalt  }
0x4a: {  	_ =	shalt  }
0x4b: {  	_ =	shalt  }
0x4c: {  	_ =	shalt  }
0x4d: {  	_ =	shalt  }
0x4e: {  	_ =	shalt  }
0x4f: {  	_ =	shalt  }
0x50: {  	_ =	shalt  }
0x51: {  	_ =	shalt  }
0x52: {  	_ =	shalt  }
0x53: {  	_ =	shalt  }
0x54: {  	_ =	shalt  }
0x55: {  	_ =	shalt  }
0x56: {  	_ =	shalt  }
0x57: {  	_ =	shalt  }
0x58: {  	_ =	shalt  }
0x59: {  	_ =	shalt  }
0x5a: {  	_ =	shalt  }
0x5b: {  	_ =	shalt  }
0x5c: {  	_ =	shalt  }
0x5d: {  	_ =	shalt  }
0x5e: {  	_ =	shalt  }
0x5f: {  	_ =	shalt  }
0x60: {  	_ =	shalt  }
0x61: {  	_ =	shalt  }
0x62: {  	_ =	shalt  }
0x63: {  	_ =	shalt  }
0x64: {  	_ =	shalt  }
0x65: {  	_ =	shalt  }
0x66: {  	_ =	shalt  }
0x67: {  	_ =	shalt  }
0x68: {  	_ =	shalt  }
0x69: {  	_ =	shalt  }
0x6a: {  	_ =	shalt  }
0x6b: {  	_ =	shalt  }
0x6c: {  	_ =	shalt  }
0x6d: {  	_ =	shalt  }
0x6e: {  	_ =	shalt  }
0x6f: {  	_ =	shalt  }
0x70: {  	_ =	shalt  }
0x71: {  	_ =	shalt  }
0x72: {  	_ =	shalt  }
0x73: {  	_ =	shalt  }
0x74: {  	_ =	shalt  }
0x75: {  	_ =	shalt  }
0x76: {  	_ =	shalt  }
0x77: {  	_ =	shalt  }
0x78: {  	_ =	shalt  }
0x79: {  	_ =	shalt  }
0x7a: {  	_ =	shalt  }
0x7b: {  	_ =	shalt  }
0x7c: {  	_ =	shalt  }
0x7d: {  	_ =	shalt  }
0x7e: {  	_ =	shalt  }
0x7f: {  	_ =	shalt  }
0x80: {  	_ =	shalt  }
0x81: {  	_ =	shalt  }
0x82: {  	_ =	shalt  }
0x83: {  	_ =	shalt  }
0x84: {  	_ =	shalt  }
0x85: {  	_ =	shalt  }
0x86: {  	_ =	shalt  }
0x87: {  	_ =	shalt  }
.Lfunc_end0:
.L_simem_size_0:
called_computation_lowered:
.L_overlay_start_0:
0x88: {  	s2 =	sld [smem:$0x3FD9]  }
0x89: {  	s3 =	sld [smem:$0x3FFE];
	_ =	sdelay $0x1  }
0x8a: {  	s1 =	srdreg.scid  }
0x8b: {  	s0 =	sand.u32 $0x1, s1  }
0x8c: {  	s17 =	sshll.u32 s0, $0xA;
	s2 =	sadd.s32 s3, s2  }
0x8d: {  	s2 =	sadd.s32 s2, s17  }
0x8e: {  	[smem:$0x3FBE] =	sst s2  }
0x8f: {  	_ = 	snop  }
0x90: {  	(tm) =	ssettm $0x1  }
0x91: {  	s18 =	sld [smem:$0x3FFB];
	_ =	sdelay $0x3  }
0x92: {  	_ =	strace s18  }
0x93: {  	s2 =	sld [smem:$0x3FFC];
	_ =	sdelay $0x3  }
0x94: {  	_ =	strace s2  }
0x95: {  	s2 =	sld [smem:$0x3FFD];
	_ =	sdelay $0x3  }
0x96: {  	_ =	strace s2  }
0x97: {  	_ =	strace $0x8FFFFFFF  }
0x98: {  	s19 =	sld [smem:$0x3FDB];
	_ =	sdelay $0x1  }
0x99: {  	s20 =	simm.s32 $_scs_section_size  }
0x9a: {  	s4 =	simm.s32 $_size__tile_overlayer_lowered;
	s5 =	simm.s32 $_tile_overlayer_lowered  }
0x9b: {  	s6 =	simm.s32 $0x1BFF;
	s21 =	sshll.u32 s5, $0x1;
	s3 =	sadd.s32 s20, s19  }
0x9c: {  	s22 =	simm.s32 $0x0;
	s4 =	sshll.u32 s4, $0x1;
	s5 =	sadd.s32 s21, s3  }
0x9d: {  	[timem:s22], [sflag:s6] =	dma.local [hbm:s5], s4  }
0x9e: {  	_ =	swait.ge [sflag:s6], s4  }
0x9f: {  	s4 =	ssub.s32 $0x0, s4;
	[sflag:s6] =	ssyncset.done $0x0  }
0xa0: {  	[sflag:s6] =	ssyncadd.s32 s4;
	_ =	sdelay $0x1  }
0xa1: {  	s23 =	simm.s32 $0x1B8B  }
0xa2: {  	_ =	swait.ge [sflag:s23], $0x1  }
0xa3: {  	[sflag:s23] =	ssyncset.done $0x0  }
0xa4: {  	[sflag:s23] =	ssyncadd.s32 $0xFFFFFFFF  }
0xa5: {  	s4 =	sld [smem:$0x0]  }
0xa6: {  	s5 =	sand.u32 $0xFFFFFFFE, s1  }
0xa7: {  	p0 =	sne.s32 s1, s5  }
0xa8: {  	s5 =	sshll.u32 @p0 s5, $0xE  }
0xa9: {  	s5 =	sadd.s32 @p0 $0x11B8D, s5;
	s6 =	sshll.u32 @p0 s4, $0x11  }
0xaa: {  	s5 =	sor.u32 @p0 s6, s5  }
0xab: {  	[sflag:s5] =	ssyncadd.remote.s32 @p0 $0x1;
	_ =	sdelay $0x1  }
0xac: {  	s5 =	simm.s32 @p0 $0x1B8D  }
0xad: {  	_ =	swait.eq @p0 [sflag:s5], $0x1  }
0xae: {  	[sflag:s5] =	ssyncadd.s32 @p0 $0xFFFFFFFF  }
0xaf: {  	s6 =	sshll.u32 @!p0 s1, $0xE  }
0xb0: {  	s6 =	sor.u32 @!p0 $0x4000, s6;
	s5 =	simm.s32 @!p0 $0x1B8D  }
0xb1: {  	s4 =	sshll.u32 @!p0 s4, $0x11;
	s6 =	sadd.s32 @!p0 $0x11B8D, s6;
	_ =	swait.eq @!p0 [sflag:s5], $0x1  }
0xb2: {  	s4 =	sor.u32 @!p0 s4, s6;
	[sflag:s5] =	ssyncadd.s32 @!p0 $0xFFFFFFFF  }
0xb3: {  	s25 =	simm.s32 $0x1B8E;
	s24 =	sld [smem:$0x3FFE];
	[sflag:s4] =	ssyncadd.remote.s32 @!p0 $0x1  }
0xb4: {  	s26 =	simm.s32 $execute0_lowered;
	[smem:$0x3FD2] =	sst s25  }
0xb5: {  	s5 =	sshll.u32 s26, $0x1;
	_ =	strace $0x80000049;
	[dreg:$0x1] =	wrdreg $0xFFFFFFFF  }
0xb6: {  	s28 =	simm.s32 $_size_execute0_lowered;
	s3 =	sadd.s32 s3, s5;
	[dreg:$0x0] =	wrdreg $0x0  }
0xb7: {  	s5 =	sshll.u32 s28, $0x1;
	[dreg:$0x2] =	wrdreg s3  }
0xb8: {  	[dreg:$0x3] =	wrdreg s5  }
0xb9: {  	[dreg:$0x4] =	wrdreg $0xC0  }
0xba: {  	_ =	task [dreg:s22], $0x5FFFF  }
0xbb: {  	[dreg:$0x1] =	wrdreg $0xFFFFFFFF  }
0xbc: {  	[dreg:$0x0] =	wrdreg $0x60  }
0xbd: {  	[dreg:$0x2] =	wrdreg s24  }
0xbe: {  	[dreg:$0x3] =	wrdreg $0x9  }
0xbf: {  	_ =	task.clear_ibuf [dreg:s22], $0x4FFFF;
	_ =	strace $0x90000049  }
0xc0: {  	s29 =	simm.s32 $0x9;
	_ =	strace $0x8000004B  }
0xc1: {  	_ =	swait.ge [sflag:s29], $0x1  }
0xc2: {  	[sflag:s29] =	ssyncadd.s32 $0xFFFFFFFF  }
0xc3: {  	_ =	strace $0x9000004B  }
0xc4: {  	_ =	sfence  }
0xc5: {  	s30 =	sld [smem:$0x0];
	_ =	sdelay $0x2  }
0xc6: {  	s31 =	sshll.u32 s1, $0xD;
	s1 =	sshrl.u32 s1, $0x2  }
0xc7: {  	s4 =	sand.u32 $0x4000, s31;
	s1 =	sadd.s32 s1, s30  }
0xc8: {  	s0 =	sor.u32 s4, s0;
	s1 =	sshll.u32 s1, $0x11  }
0xc9: {  	s0 =	sor.u32 s1, s0  }
0xca: {  	s0 =	sadd.s32 $0x8F2B, s0  }
0xcb: {  	[sflag:s0] =	ssyncadd.remote.s32 $0x1  }
0xcc: {  	_ =	sfence.sel $0xFFFF  }
0xcd: {  	[dreg:$0x0] =	wrdreg $0xFFFFFFFF;
	(pc) =	sbr.abs _section_cstart, $3  }
0xce: {  	[dreg:$0x1] =	wrdreg $0xFFFFFFFF  }
0xcf: {  	_ =	task.clear_ibuf [dreg:s22], $0x2FFFF;
	_ =	strace $0x9FFFFFFF  }
0xd0: {  	(tm) =	ssettm $0x7FFFFFFF  }
0xd1: {  	_ =	shalt  }
tec
execute0_lowered:
.L_overlay_start_1:
0x0: {  	(tag) =	ssettag $0x1  }
0x1: {  	s1 =	srdreg.scid  }
0x2: {  	s0 =	stileid.u32;
	s4 =	rddreg [dreg:$0x0];
	s19 =	simm.s32 $0xA00  }
0x3: {  	s20 =	simm.s32 $0x1200;
	s21 =	simm.s32 $0x1A00;
	s23 =	simm.s32 $0x2200  }
0x4: {  	s24 =	simm.s32 $0x2A00;
	s25 =	simm.s32 $0x3200;
	s26 =	simm.s32 $0x3A00  }
0x5: {  	s6 =	simm.s32 $0x200;
	s7 =	simm.s32 $0x4200;
	s8 =	simm.s32 $0x4A00  }
0x6: {  	s9 =	simm.s32 $0x5200;
	s10 =	simm.s32 $0x5A00;
	s11 =	simm.s32 $0x6200  }
0x7: {  	s12 =	simm.s32 $0x6A00;
	s13 =	simm.s32 $0x7200;
	s1 =	sand.u32 $0x1, s1  }
0x8: {  	s14 =	simm.s32 $0x7A00;
	s2 =	sshll.u32 s0, $0xA;
	s3 =	sshll.u32 s1, $0x9  }
0x9: {  	s15 =	simm.s32 $0x8200;
	s3 =	sor.u32 s3, s2;
	s2 =	simm.s32 $0x0  }
0xa: {  	s16 =	simm.s32 $0x8A00;
	s17 =	simm.s32 $0x9200;
	[smem:$0x7FF] =	sst s2  }
0xb: {  	s18 =	simm.s32 $0x9A00;
	_ =	strace $0x8000004A;
	[dreg:$0x4] =	wrdreg s19  }
0xc: {  	s28 =	simm.s32 $0xE200;
	s29 =	simm.s32 $0xEA00;
	[dreg:$0x5] =	wrdreg s20  }
0xd: {  	s30 =	simm.s32 $0xF200;
	s1 =	ssub.s32 $0x2, s1;
	[dreg:$0x6] =	wrdreg s21  }
0xe: {  	s31 =	simm.s32 $0xFA00;
	s22 =	sshrl.u32 s1, $0x1;
	[dreg:$0x7] =	wrdreg s23  }
0xf: {  	s5 =	sshrl.u32 s3, $0x3;
	s3 =	sshll.u32 s3, $0x4;
	[dreg:$0x8] =	wrdreg s24  }
0x10: {  	s1 =	ssub.s32 s1, s22;
	s22 =	simm.s32 $0xBA00;
	[dreg:$0x9] =	wrdreg s25  }
0x11: {  	s5 =	sadd.s32 s5, s4;
	s3 =	sadd.s32 s3, s4;
	[dreg:$0xa] =	wrdreg s26  }
0x12: {  	s19 =	simm.s32 $0xA200;
	s20 =	simm.s32 $0xAA00;
	s21 =	simm.s32 $0xB200  }
0x13: {  	s23 =	simm.s32 $0xC200;
	s24 =	simm.s32 $0xCA00;
	s5 =	sadd.s32 $0x4A2800, s5  }
0x14: {  	s25 =	simm.s32 $0xD200;
	s3 =	sadd.s32 $0x4A3000, s3;
	[dreg:$0x2] =	wrdreg s5  }
0x15: {  	s26 =	simm.s32 $0xDA00;
	[dreg:$0x3] =	wrdreg s3;
	s3 =	sadd.s32 $0x422800, s4  }
0x16: {  	vm0 =	vmmov $0xffff;
	s4 =	smax.u32 s1, $0x1;
	s5 =	simm.s32 $0x2;
	s1 =	simm.s32 $0x1  }
.LBB2_1:
0x17: {  	s0 =	rddreg [dreg:$0x2]  }
0x18: {  	[tilespmem:s2], [sflag:$0x2] =	stream.linear.gather [hbm4b:s0+s2], $0x200, $0x38;
	[tilespmem:$0x10200] =	vst v63  }
0x19: {  	_ =	swait.ge [sflag:s5], $0x200  }
0x1a: {  	[sflag:s5] =	ssyncset.done $0x0  }
0x1b: {  	[sflag:s5] =	ssyncadd.s32 $0xFFFFFE00  }
0x1c: {  	v0 =	vld [tilespmem:$0x0];
	_ =	sdelay $0x7  }
0x1d: {  	[tilespmem:s6], [sflag:$0x1] =	stream.indirect_vreg.gather [hbm4b:s3+s2], $0x80, v0, vm0, $0xb8;
	[tilespmem:$0x10200] =	vst v63  }
0x1e: {  	v0 =	vld [tilespmem:$0x10];
	_ =	sdelay $0x6  }
0x1f: {  	s0 =	rddreg [dreg:$0x4]  }
0x20: {  	[tilespmem:s0], [sflag:$0x1] =	stream.indirect_vreg.gather [hbm4b:s3+s2], $0x80, v0, vm0, $0xb8;
	[tilespmem:$0x10200] =	vst v63  }
0x21: {  	v0 =	vld [tilespmem:$0x20];
	_ =	sdelay $0x6  }
0x22: {  	s0 =	rddreg [dreg:$0x5]  }
0x23: {  	[tilespmem:s0], [sflag:$0x1] =	stream.indirect_vreg.gather [hbm4b:s3+s2], $0x80, v0, vm0, $0xb8;
	[tilespmem:$0x10200] =	vst v63  }
0x24: {  	v0 =	vld [tilespmem:$0x30];
	_ =	sdelay $0x6  }
0x25: {  	s0 =	rddreg [dreg:$0x6]  }
0x26: {  	[tilespmem:s0], [sflag:$0x1] =	stream.indirect_vreg.gather [hbm4b:s3+s2], $0x80, v0, vm0, $0xb8;
	[tilespmem:$0x10200] =	vst v63  }
0x27: {  	v0 =	vld [tilespmem:$0x40];
	_ =	sdelay $0x6  }
0x28: {  	s0 =	rddreg [dreg:$0x7]  }
0x29: {  	[tilespmem:s0], [sflag:$0x1] =	stream.indirect_vreg.gather [hbm4b:s3+s2], $0x80, v0, vm0, $0xb8;
	[tilespmem:$0x10200] =	vst v63  }
0x2a: {  	v0 =	vld [tilespmem:$0x50];
	_ =	sdelay $0x6  }
0x2b: {  	s0 =	rddreg [dreg:$0x8]  }
0x2c: {  	[tilespmem:s0], [sflag:$0x1] =	stream.indirect_vreg.gather [hbm4b:s3+s2], $0x80, v0, vm0, $0xb8;
	[tilespmem:$0x10200] =	vst v63  }
0x2d: {  	v0 =	vld [tilespmem:$0x60];
	_ =	sdelay $0x6  }
0x2e: {  	s0 =	rddreg [dreg:$0x9]  }
0x2f: {  	[tilespmem:s0], [sflag:$0x1] =	stream.indirect_vreg.gather [hbm4b:s3+s2], $0x80, v0, vm0, $0xb8;
	[tilespmem:$0x10200] =	vst v63  }
0x30: {  	v0 =	vld [tilespmem:$0x70];
	_ =	sdelay $0x6  }
0x31: {  	s0 =	rddreg [dreg:$0xa]  }
0x32: {  	[tilespmem:s0], [sflag:$0x1] =	stream.indirect_vreg.gather [hbm4b:s3+s2], $0x80, v0, vm0, $0xb8;
	[tilespmem:$0x10200] =	vst v63  }
0x33: {  	v0 =	vld [tilespmem:$0x80];
	_ =	sdelay $0x7  }
0x34: {  	[tilespmem:s7], [sflag:$0x1] =	stream.indirect_vreg.gather [hbm4b:s3+s2], $0x80, v0, vm0, $0xb8;
	[tilespmem:$0x10200] =	vst v63  }
0x35: {  	v0 =	vld [tilespmem:$0x90];
	_ =	sdelay $0x7  }
0x36: {  	[tilespmem:s8], [sflag:$0x1] =	stream.indirect_vreg.gather [hbm4b:s3+s2], $0x80, v0, vm0, $0xb8;
	[tilespmem:$0x10200] =	vst v63  }
0x37: {  	v0 =	vld [tilespmem:$0xA0];
	_ =	sdelay $0x7  }
0x38: {  	[tilespmem:s9], [sflag:$0x1] =	stream.indirect_vreg.gather [hbm4b:s3+s2], $0x80, v0, vm0, $0xb8;
	[tilespmem:$0x10200] =	vst v63  }
0x39: {  	v0 =	vld [tilespmem:$0xB0];
	_ =	sdelay $0x7  }
0x3a: {  	[tilespmem:s10], [sflag:$0x1] =	stream.indirect_vreg.gather [hbm4b:s3+s2], $0x80, v0, vm0, $0xb8;
	[tilespmem:$0x10200] =	vst v63  }
0x3b: {  	v0 =	vld [tilespmem:$0xC0];
	_ =	sdelay $0x7  }
0x3c: {  	[tilespmem:s11], [sflag:$0x1] =	stream.indirect_vreg.gather [hbm4b:s3+s2], $0x80, v0, vm0, $0xb8;
	[tilespmem:$0x10200] =	vst v63  }
0x3d: {  	v0 =	vld [tilespmem:$0xD0];
	_ =	sdelay $0x7  }
0x3e: {  	[tilespmem:s12], [sflag:$0x1] =	stream.indirect_vreg.gather [hbm4b:s3+s2], $0x80, v0, vm0, $0xb8;
	[tilespmem:$0x10200] =	vst v63  }
0x3f: {  	v0 =	vld [tilespmem:$0xE0];
	_ =	sdelay $0x7  }
0x40: {  	[tilespmem:s13], [sflag:$0x1] =	stream.indirect_vreg.gather [hbm4b:s3+s2], $0x80, v0, vm0, $0xb8;
	[tilespmem:$0x10200] =	vst v63  }
0x41: {  	v0 =	vld [tilespmem:$0xF0];
	_ =	sdelay $0x7  }
0x42: {  	[tilespmem:s14], [sflag:$0x1] =	stream.indirect_vreg.gather [hbm4b:s3+s2], $0x80, v0, vm0, $0xb8;
	[tilespmem:$0x10200] =	vst v63  }
0x43: {  	v0 =	vld [tilespmem:$0x100];
	_ =	sdelay $0x7  }
0x44: {  	[tilespmem:s15], [sflag:$0x1] =	stream.indirect_vreg.gather [hbm4b:s3+s2], $0x80, v0, vm0, $0xb8;
	[tilespmem:$0x10200] =	vst v63  }
0x45: {  	v0 =	vld [tilespmem:$0x110];
	_ =	sdelay $0x7  }
0x46: {  	[tilespmem:s16], [sflag:$0x1] =	stream.indirect_vreg.gather [hbm4b:s3+s2], $0x80, v0, vm0, $0xb8;
	[tilespmem:$0x10200] =	vst v63  }
0x47: {  	v0 =	vld [tilespmem:$0x120];
	_ =	sdelay $0x7  }
0x48: {  	[tilespmem:s17], [sflag:$0x1] =	stream.indirect_vreg.gather [hbm4b:s3+s2], $0x80, v0, vm0, $0xb8;
	[tilespmem:$0x10200] =	vst v63  }
0x49: {  	v0 =	vld [tilespmem:$0x130];
	_ =	sdelay $0x7  }
0x4a: {  	[tilespmem:s18], [sflag:$0x1] =	stream.indirect_vreg.gather [hbm4b:s3+s2], $0x80, v0, vm0, $0xb8;
	[tilespmem:$0x10200] =	vst v63  }
0x4b: {  	v0 =	vld [tilespmem:$0x140];
	_ =	sdelay $0x7  }
0x4c: {  	[tilespmem:s19], [sflag:$0x1] =	stream.indirect_vreg.gather [hbm4b:s3+s2], $0x80, v0, vm0, $0xb8;
	[tilespmem:$0x10200] =	vst v63  }
0x4d: {  	v0 =	vld [tilespmem:$0x150];
	_ =	sdelay $0x7  }
0x4e: {  	[tilespmem:s20], [sflag:$0x1] =	stream.indirect_vreg.gather [hbm4b:s3+s2], $0x80, v0, vm0, $0xb8;
	[tilespmem:$0x10200] =	vst v63  }
0x4f: {  	v0 =	vld [tilespmem:$0x160];
	_ =	sdelay $0x7  }
0x50: {  	[tilespmem:s21], [sflag:$0x1] =	stream.indirect_vreg.gather [hbm4b:s3+s2], $0x80, v0, vm0, $0xb8;
	[tilespmem:$0x10200] =	vst v63  }
0x51: {  	v0 =	vld [tilespmem:$0x170];
	_ =	sdelay $0x7  }
0x52: {  	[tilespmem:s22], [sflag:$0x1] =	stream.indirect_vreg.gather [hbm4b:s3+s2], $0x80, v0, vm0, $0xb8;
	[tilespmem:$0x10200] =	vst v63  }
0x53: {  	v0 =	vld [tilespmem:$0x180];
	_ =	sdelay $0x7  }
0x54: {  	[tilespmem:s23], [sflag:$0x1] =	stream.indirect_vreg.gather [hbm4b:s3+s2], $0x80, v0, vm0, $0xb8;
	[tilespmem:$0x10200] =	vst v63  }
0x55: {  	v0 =	vld [tilespmem:$0x190];
	_ =	sdelay $0x7  }
0x56: {  	[tilespmem:s24], [sflag:$0x1] =	stream.indirect_vreg.gather [hbm4b:s3+s2], $0x80, v0, vm0, $0xb8;
	[tilespmem:$0x10200] =	vst v63  }
0x57: {  	v0 =	vld [tilespmem:$0x1A0];
	_ =	sdelay $0x7  }
0x58: {  	[tilespmem:s25], [sflag:$0x1] =	stream.indirect_vreg.gather [hbm4b:s3+s2], $0x80, v0, vm0, $0xb8;
	[tilespmem:$0x10200] =	vst v63  }
0x59: {  	v0 =	vld [tilespmem:$0x1B0];
	_ =	sdelay $0x7  }
0x5a: {  	[tilespmem:s26], [sflag:$0x1] =	stream.indirect_vreg.gather [hbm4b:s3+s2], $0x80, v0, vm0, $0xb8;
	[tilespmem:$0x10200] =	vst v63  }
0x5b: {  	v0 =	vld [tilespmem:$0x1C0];
	_ =	sdelay $0x7  }
0x5c: {  	[tilespmem:s28], [sflag:$0x1] =	stream.indirect_vreg.gather [hbm4b:s3+s2], $0x80, v0, vm0, $0xb8;
	[tilespmem:$0x10200] =	vst v63  }
0x5d: {  	v0 =	vld [tilespmem:$0x1D0];
	_ =	sdelay $0x7  }
0x5e: {  	[tilespmem:s29], [sflag:$0x1] =	stream.indirect_vreg.gather [hbm4b:s3+s2], $0x80, v0, vm0, $0xb8;
	[tilespmem:$0x10200] =	vst v63  }
0x5f: {  	v0 =	vld [tilespmem:$0x1E0];
	_ =	sdelay $0x7  }
0x60: {  	[tilespmem:s30], [sflag:$0x1] =	stream.indirect_vreg.gather [hbm4b:s3+s2], $0x80, v0, vm0, $0xb8;
	[tilespmem:$0x10200] =	vst v63  }
0x61: {  	v0 =	vld [tilespmem:$0x1F0];
	_ =	sdelay $0x7  }
0x62: {  	[tilespmem:s31], [sflag:$0x1] =	stream.indirect_vreg.gather [hbm4b:s3+s2], $0x80, v0, vm0, $0xb8;
	[tilespmem:$0x10200] =	vst v63  }
0x63: {  	_ =	swait.ge [sflag:s1], $0x800  }
0x64: {  	[sflag:s1] =	ssyncset.done $0x0  }
0x65: {  	[sflag:s1] =	ssyncadd.s32 $0xFFFFF800  }
0x66: {  	_ =	swait.ge [sflag:s1], $0x800  }
0x67: {  	[sflag:s1] =	ssyncset.done $0x0  }
0x68: {  	[sflag:s1] =	ssyncadd.s32 $0xFFFFF800  }
0x69: {  	_ =	swait.ge [sflag:s1], $0x800  }
0x6a: {  	[sflag:s1] =	ssyncset.done $0x0  }
0x6b: {  	[sflag:s1] =	ssyncadd.s32 $0xFFFFF800  }
0x6c: {  	_ =	swait.ge [sflag:s1], $0x800  }
0x6d: {  	[sflag:s1] =	ssyncset.done $0x0  }
0x6e: {  	[sflag:s1] =	ssyncadd.s32 $0xFFFFF800  }
0x6f: {  	_ =	swait.ge [sflag:s1], $0x800  }
0x70: {  	[sflag:s1] =	ssyncset.done $0x0  }
0x71: {  	[sflag:s1] =	ssyncadd.s32 $0xFFFFF800  }
0x72: {  	_ =	swait.ge [sflag:s1], $0x800  }
0x73: {  	[sflag:s1] =	ssyncset.done $0x0  }
0x74: {  	[sflag:s1] =	ssyncadd.s32 $0xFFFFF800  }
0x75: {  	_ =	swait.ge [sflag:s1], $0x800  }
0x76: {  	[sflag:s1] =	ssyncset.done $0x0  }
0x77: {  	[sflag:s1] =	ssyncadd.s32 $0xFFFFF800  }
0x78: {  	_ =	swait.ge [sflag:s1], $0x800  }
0x79: {  	[sflag:s1] =	ssyncset.done $0x0  }
0x7a: {  	[sflag:s1] =	ssyncadd.s32 $0xFFFFF800  }
0x7b: {  	_ =	swait.ge [sflag:s1], $0x800  }
0x7c: {  	[sflag:s1] =	ssyncset.done $0x0  }
0x7d: {  	[sflag:s1] =	ssyncadd.s32 $0xFFFFF800  }
0x7e: {  	_ =	swait.ge [sflag:s1], $0x800  }
0x7f: {  	[sflag:s1] =	ssyncset.done $0x0  }
0x80: {  	[sflag:s1] =	ssyncadd.s32 $0xFFFFF800  }
0x81: {  	_ =	swait.ge [sflag:s1], $0x800  }
0x82: {  	[sflag:s1] =	ssyncset.done $0x0  }
0x83: {  	[sflag:s1] =	ssyncadd.s32 $0xFFFFF800  }
0x84: {  	_ =	swait.ge [sflag:s1], $0x800  }
0x85: {  	[sflag:s1] =	ssyncset.done $0x0  }
0x86: {  	[sflag:s1] =	ssyncadd.s32 $0xFFFFF800  }
0x87: {  	_ =	swait.ge [sflag:s1], $0x800  }
0x88: {  	[sflag:s1] =	ssyncset.done $0x0  }
0x89: {  	[sflag:s1] =	ssyncadd.s32 $0xFFFFF800  }
0x8a: {  	_ =	swait.ge [sflag:s1], $0x800  }
0x8b: {  	[sflag:s1] =	ssyncset.done $0x0  }
0x8c: {  	[sflag:s1] =	ssyncadd.s32 $0xFFFFF800  }
0x8d: {  	_ =	swait.ge [sflag:s1], $0x800  }
0x8e: {  	[sflag:s1] =	ssyncset.done $0x0  }
0x8f: {  	[sflag:s1] =	ssyncadd.s32 $0xFFFFF800  }
0x90: {  	_ =	swait.ge [sflag:s1], $0x800  }
0x91: {  	[sflag:s1] =	ssyncset.done $0x0  }
0x92: {  	[sflag:s1] =	ssyncadd.s32 $0xFFFFF800  }
0x93: {  	_ =	swait.ge [sflag:s1], $0x800  }
0x94: {  	[sflag:s1] =	ssyncset.done $0x0  }
0x95: {  	[sflag:s1] =	ssyncadd.s32 $0xFFFFF800  }
0x96: {  	_ =	swait.ge [sflag:s1], $0x800  }
0x97: {  	[sflag:s1] =	ssyncset.done $0x0  }
0x98: {  	[sflag:s1] =	ssyncadd.s32 $0xFFFFF800  }
0x99: {  	_ =	swait.ge [sflag:s1], $0x800  }
0x9a: {  	[sflag:s1] =	ssyncset.done $0x0  }
0x9b: {  	[sflag:s1] =	ssyncadd.s32 $0xFFFFF800  }
0x9c: {  	_ =	swait.ge [sflag:s1], $0x800  }
0x9d: {  	[sflag:s1] =	ssyncset.done $0x0  }
0x9e: {  	[sflag:s1] =	ssyncadd.s32 $0xFFFFF800  }
0x9f: {  	_ =	swait.ge [sflag:s1], $0x800  }
0xa0: {  	[sflag:s1] =	ssyncset.done $0x0  }
0xa1: {  	[sflag:s1] =	ssyncadd.s32 $0xFFFFF800  }
0xa2: {  	_ =	swait.ge [sflag:s1], $0x800  }
0xa3: {  	[sflag:s1] =	ssyncset.done $0x0  }
0xa4: {  	[sflag:s1] =	ssyncadd.s32 $0xFFFFF800  }
0xa5: {  	_ =	swait.ge [sflag:s1], $0x800  }
0xa6: {  	[sflag:s1] =	ssyncset.done $0x0  }
0xa7: {  	[sflag:s1] =	ssyncadd.s32 $0xFFFFF800  }
0xa8: {  	_ =	swait.ge [sflag:s1], $0x800  }
0xa9: {  	[sflag:s1] =	ssyncset.done $0x0  }
0xaa: {  	[sflag:s1] =	ssyncadd.s32 $0xFFFFF800  }
0xab: {  	_ =	swait.ge [sflag:s1], $0x800  }
0xac: {  	[sflag:s1] =	ssyncset.done $0x0  }
0xad: {  	[sflag:s1] =	ssyncadd.s32 $0xFFFFF800  }
0xae: {  	_ =	swait.ge [sflag:s1], $0x800  }
0xaf: {  	[sflag:s1] =	ssyncset.done $0x0  }
0xb0: {  	[sflag:s1] =	ssyncadd.s32 $0xFFFFF800  }
0xb1: {  	_ =	swait.ge [sflag:s1], $0x800  }
0xb2: {  	[sflag:s1] =	ssyncset.done $0x0  }
0xb3: {  	[sflag:s1] =	ssyncadd.s32 $0xFFFFF800  }
0xb4: {  	_ =	swait.ge [sflag:s1], $0x800  }
0xb5: {  	[sflag:s1] =	ssyncset.done $0x0  }
0xb6: {  	[sflag:s1] =	ssyncadd.s32 $0xFFFFF800  }
0xb7: {  	_ =	swait.ge [sflag:s1], $0x800  }
0xb8: {  	[sflag:s1] =	ssyncset.done $0x0  }
0xb9: {  	[sflag:s1] =	ssyncadd.s32 $0xFFFFF800  }
0xba: {  	_ =	swait.ge [sflag:s1], $0x800  }
0xbb: {  	[sflag:s1] =	ssyncset.done $0x0  }
0xbc: {  	[sflag:s1] =	ssyncadd.s32 $0xFFFFF800  }
0xbd: {  	_ =	swait.ge [sflag:s1], $0x800  }
0xbe: {  	[sflag:s1] =	ssyncset.done $0x0  }
0xbf: {  	[sflag:s1] =	ssyncadd.s32 $0xFFFFF800  }
0xc0: {  	_ =	swait.ge [sflag:s1], $0x800  }
0xc1: {  	p0 =	sne.s32 s4, $0x1;
	[sflag:s1] =	ssyncset.done $0x0  }
.Ltmp0:
0xc2: {  	s0 =	rddreg [dreg:$0x3];
	[sflag:s1] =	ssyncadd.s32 $0xFFFFF800;
	(pc) =	sbr.rel @p0 .LBB2_1-.Ltmp0, $4  }
0xc3: {  	[hbm4b:s0+s2] =	stream.linear.scatter [tilespmem:s6], [sflag:$0x2], $0x10000, $0x38;
	[tilespmem:$0x10200] =	vst v63  }
0xc4: {  	_ =	swait.ge [sflag:s5], $0x10000  }
0xc5: {  	[sflag:s5] =	ssyncset.done $0x0  }
0xc6: {  	s4 =	sadd.s32 $0xFFFFFFFF, s4;
	[sflag:s5] =	ssyncadd.s32 $0xFFFF0000  }
0xc7: {  	_ =	sfence.sel $0x180000  }
0xc8: {  	[bflag:$0x0] =	sbarrier.arrive $0xFFFF  }
0xc9: {  	_ =	strace $0x9000004A  }
0xca: {  	s0 =	stileid.u32;
	[bflag:$0x2] =	sbarrier.arrive $0xFFFF  }
0xcb: {  	p0 =	sne.s32 s0, $0x0;
	s0 =	rddreg [dreg:$0x1]  }
0xcc: {  	s0 =	sadd.s32 @!p0 $0x100000, s0  }
0xcd: {  	[sflag:s0] =	ssyncadd.tile.s32 @!p0 $0x1;
	_ =	shalt  }
.Lfunc_end2:
_tile_overlayer_lowered:
.L_overlay_start_2:
0xce: {  	(tag) =	ssettag $0x2  }
0xcf: {  	s0 =	rddreg [dreg:$0x0];
	s2 =	stileid.u32  }
0xd0: {  	s1 =	rddreg [dreg:$0x1];
	p0 =	sne.s32 s2, $0x0  }
0xd1: {  	s3 =	rddreg [dreg:$0x2];
	[bflag:$0x3] =	sbarrier.arrive $0xFFFF;
	s2 =	simm.s32 @!p0 $0x1C02  }
0xd2: {  	[timem:s3], [sflag:s2] =	dma.local @!p0 [hbm:s0], s1  }
0xd3: {  	s0 =	simm.s32 @!p0 $0x2  }
0xd4: {  	_ =	swait.ge @!p0 [sflag:s0], s1  }
0xd5: {  	s1 =	ssub.s32 @!p0 $0x0, s1;
	[sflag:s0] =	ssyncset.done @!p0 $0x0  }
0xd6: {  	[sflag:s0] =	ssyncadd.s32 @!p0 s1  }
0xd7: {  	[bflag:$0x3] =	sbarrier.arrive $0xFFFF  }
0xd8: {  	_ =	shalt  }

</sc_bundles>
